<compile_context>
chip_gen: v7x
topology: tpu7x:2x2x1
jax: 0.10.2.dev20260603
libtpu: 0.0.44.dev20260713+nightly
codegen_flags: <defaults>
</compile_context>

<pallas_src>
import functools

import jax
import jax.numpy as jnp
from jax import lax
from jax.experimental import pallas as pl
from jax.experimental.pallas import tpu as pltpu
from jax.experimental.pallas import tpu_sc as plsc

N_EXPERTS = 8
N_GROUP = 4
HIDDEN = 1024
MOE_FF = 512
SHARED_FF = 1024

T = 4096
A = 2 * T
B = 512
NB = (A + N_EXPERTS * B) // B
CAP = NB * B

BT = 512
NW = 32

_NEG = -1e30


def _row_argmax(m, lane):
    v = jnp.max(m, axis=1, keepdims=True)
    idx = jnp.min(jnp.where(m == v, lane, 127), axis=1, keepdims=True)
    return v, idx


def _router_core(x_bf, rw, eb):
    n = x_bf.shape[0]
    logits = lax.dot_general(
        x_bf, rw.astype(jnp.bfloat16),
        (((1,), (1,)), ((), ())), preferred_element_type=jnp.float32)
    scores = 1.0 / (1.0 + jnp.exp(-logits))
    sfc = scores + eb
    lane = lax.broadcasted_iota(jnp.int32, (n, N_EXPERTS), 1)
    gid = lane // (N_EXPERTS // N_GROUP)
    gsum = jnp.zeros_like(sfc)
    for g in range(N_GROUP):
        gs = jnp.sum(jnp.where(gid == g, sfc, 0.0), axis=1, keepdims=True)
        gsum = jnp.where(gid == g, gs, gsum)
    g1v = jnp.max(gsum, axis=1, keepdims=True)
    g1 = jnp.min(jnp.where(gsum == g1v, gid, 127), axis=1, keepdims=True)
    gsum2 = jnp.where(gid == g1, _NEG, gsum)
    g2v = jnp.max(gsum2, axis=1, keepdims=True)
    g2 = jnp.min(jnp.where(gsum2 == g2v, gid, 127), axis=1, keepdims=True)
    sel = (gid == g1) | (gid == g2)
    m = jnp.where(sel, sfc, 0.0)
    _, i1 = _row_argmax(m, lane)
    m2 = jnp.where(lane == i1, _NEG, m)
    _, i2 = _row_argmax(m2, lane)
    w1 = jnp.sum(jnp.where(lane == i1, scores, 0.0), axis=1, keepdims=True)
    w2 = jnp.sum(jnp.where(lane == i2, scores, 0.0), axis=1, keepdims=True)
    denom = w1 + w2 + 1e-20
    return lane, i1, i2, w1 / denom, w2 / denom



_CHUNK = 512


def _route_body(x_ref, rw_ref, eb_ref, pos_ref, w_ref, be_ref):
    x_bf = x_ref[...].astype(jnp.bfloat16)
    lane, i1, i2, w1, w2 = _router_core(x_bf, rw_ref[...], eb_ref[...])
    onehot = ((lane == i1) | (lane == i2)).astype(jnp.float32)

    si = lax.broadcasted_iota(jnp.int32, (_CHUNK, _CHUNK), 0)
    sj = lax.broadcasted_iota(jnp.int32, (_CHUNK, _CHUNK), 1)
    strict_lower = (sj < si).astype(jnp.float32)
    cnt_chunks = []
    base = jnp.zeros((1, N_EXPERTS), jnp.float32)
    for c in range(T // _CHUNK):
        oc = onehot[c * _CHUNK:(c + 1) * _CHUNK]
        pfx = lax.dot_general(strict_lower, oc, (((1,), (0,)), ((), ())),
                              preferred_element_type=jnp.float32,
                              precision=lax.Precision.HIGHEST)
        cnt_chunks.append(base + pfx)
        base = base + jnp.sum(oc, axis=0, keepdims=True)
    cnt = jnp.concatenate(cnt_chunks, axis=0)
    n_e = base

    lane8 = lax.broadcasted_iota(jnp.int32, (1, N_EXPERTS), 1)
    cblk = (n_e.astype(jnp.int32) + (B - 1)) // B
    pstart = jnp.zeros((1, N_EXPERTS), jnp.int32)
    run = jnp.zeros((1, 1), jnp.int32)
    for e in range(N_EXPERTS):
        pstart = jnp.where(lane8 == e, run, pstart)
        run = run + jnp.sum(jnp.where(lane8 == e, cblk, 0), axis=1,
                            keepdims=True) * B

    slot = pstart + cnt.astype(jnp.int32)
    pos1 = jnp.sum(jnp.where(lane == i1, slot, 0), axis=1, keepdims=True)
    pos2 = jnp.sum(jnp.where(lane == i2, slot, 0), axis=1, keepdims=True)
    pos_ref[...] = jnp.concatenate([pos1, pos2], axis=1)
    w_ref[...] = jnp.concatenate([w1, w2], axis=1)

    biota = lax.broadcasted_iota(jnp.int32, (1, NB), 1)
    be = jnp.zeros((1, NB), jnp.int32)
    for e in range(N_EXPERTS):
        p_e = jnp.sum(jnp.where(lane8 == e, pstart, 0), axis=1,
                      keepdims=True) // B
        c_e = jnp.sum(jnp.where(lane8 == e, cblk, 0), axis=1, keepdims=True)
        be = jnp.where((biota >= p_e) & (biota < p_e + c_e), e, be)
    be_ref[...] = be


def _route(hs2, router_w, e_bias2):
    return pl.pallas_call(
        _route_body,
        grid=(1,),
        in_specs=[
            pl.BlockSpec((T, HIDDEN), lambda i: (0, 0)),
            pl.BlockSpec((N_EXPERTS, HIDDEN), lambda i: (0, 0)),
            pl.BlockSpec((1, N_EXPERTS), lambda i: (0, 0)),
        ],
        out_specs=[
            pl.BlockSpec((T, 2), lambda i: (0, 0)),
            pl.BlockSpec((T, 2), lambda i: (0, 0)),
            pl.BlockSpec((1, NB), lambda i: (0, 0)),
        ],
        out_shape=[
            jax.ShapeDtypeStruct((T, 2), jnp.int32),
            jax.ShapeDtypeStruct((T, 2), jnp.float32),
            jax.ShapeDtypeStruct((1, NB), jnp.int32),
        ],
    )(hs2, router_w, e_bias2)



_MESH = functools.partial(plsc.VectorSubcoreMesh,
                          core_axis_name="c", subcore_axis_name="s")

_TPW = T // NW
_CCHUNK = 16


def _scatterx_body(p1_hbm, p2_hbm, hs_hbm, xg_hbm, idx1_v, idx2_v, rows_v,
                   sem1, sem2):
    wid = lax.axis_index("s") * 2 + lax.axis_index("c")
    for c in range(_TPW // _CCHUNK):
        base = wid * _TPW + c * _CCHUNK
        pltpu.sync_copy(p1_hbm.at[pl.ds(base, _CCHUNK)], idx1_v)
        pltpu.sync_copy(p2_hbm.at[pl.ds(base, _CCHUNK)], idx2_v)
        pltpu.sync_copy(hs_hbm.at[pl.ds(base, _CCHUNK)], rows_v)
        cp1 = pltpu.async_copy(rows_v, xg_hbm.at[idx1_v], sem1)
        cp2 = pltpu.async_copy(rows_v, xg_hbm.at[idx2_v], sem2)
        cp1.wait()
        cp2.wait()


def _scatterx(pos1, pos2, hs2):
    return pl.kernel(
        _scatterx_body,
        out_type=jax.ShapeDtypeStruct((CAP, HIDDEN), jnp.float32),
        mesh=_MESH(),
        scratch_types=[
            pltpu.VMEM((_CCHUNK,), jnp.int32),
            pltpu.VMEM((_CCHUNK,), jnp.int32),
            pltpu.VMEM((_CCHUNK, HIDDEN), jnp.float32),
            pltpu.SemaphoreType.DMA,
            pltpu.SemaphoreType.DMA,
        ],
    )(pos1, pos2, hs2)



def _expert_body(be_ref, x_ref, up_ref, dn_ref, y_ref):
    e = be_ref[pl.program_id(0)]
    x = x_ref[...]
    up = up_ref[pl.ds(e, 1)][0]
    dn = dn_ref[pl.ds(e, 1)][0]
    h = lax.dot_general(x, up, (((1,), (1,)), ((), ())),
                        preferred_element_type=jnp.float32)
    h = h * (1.0 / (1.0 + jnp.exp(-h)))
    y_ref[...] = lax.dot_general(h, dn, (((1,), (1,)), ((), ())),
                                 preferred_element_type=jnp.float32)


def _expert_mlp(xg, be_flat, expert_up, expert_down):
    grid_spec = pltpu.PrefetchScalarGridSpec(
        num_scalar_prefetch=1,
        grid=(NB,),
        in_specs=[
            pl.BlockSpec((B, HIDDEN), lambda i, be: (i, 0)),
            pl.BlockSpec((N_EXPERTS, MOE_FF, HIDDEN), lambda i, be: (0, 0, 0)),
            pl.BlockSpec((N_EXPERTS, HIDDEN, MOE_FF), lambda i, be: (0, 0, 0)),
        ],
        out_specs=pl.BlockSpec((B, HIDDEN), lambda i, be: (i, 0)),
    )
    return pl.pallas_call(
        _expert_body,
        grid_spec=grid_spec,
        out_shape=jax.ShapeDtypeStruct((CAP, HIDDEN), jnp.float32),
    )(be_flat, xg, expert_up, expert_down)



_FCHUNK = 32


def _gathery_body(p1_hbm, p2_hbm, yg_hbm, r1_hbm, r2_hbm,
                  idx1_v, idx2_v, rows1_v, rows2_v, sem1, sem2):
    wid = lax.axis_index("s") * 2 + lax.axis_index("c")
    for c in range(_TPW // _FCHUNK):
        base = wid * _TPW + c * _FCHUNK
        pltpu.sync_copy(p1_hbm.at[pl.ds(base, _FCHUNK)], idx1_v)
        pltpu.sync_copy(p2_hbm.at[pl.ds(base, _FCHUNK)], idx2_v)
        cp1 = pltpu.async_copy(yg_hbm.at[idx1_v], rows1_v, sem1)
        cp2 = pltpu.async_copy(yg_hbm.at[idx2_v], rows2_v, sem2)
        cp1.wait()
        cp2.wait()
        pltpu.sync_copy(rows1_v, r1_hbm.at[pl.ds(base, _FCHUNK)])
        pltpu.sync_copy(rows2_v, r2_hbm.at[pl.ds(base, _FCHUNK)])


def _gathery(pos1, pos2, yg):
    return pl.kernel(
        _gathery_body,
        out_type=[
            jax.ShapeDtypeStruct((T, HIDDEN), jnp.float32),
            jax.ShapeDtypeStruct((T, HIDDEN), jnp.float32),
        ],
        mesh=_MESH(),
        scratch_types=[
            pltpu.VMEM((_FCHUNK,), jnp.int32),
            pltpu.VMEM((_FCHUNK,), jnp.int32),
            pltpu.VMEM((_FCHUNK, HIDDEN), jnp.float32),
            pltpu.VMEM((_FCHUNK, HIDDEN), jnp.float32),
            pltpu.SemaphoreType.DMA,
            pltpu.SemaphoreType.DMA,
        ],
    )(pos1, pos2, yg)



def _shared_body(x_ref, su_ref, sd_ref, r1_ref, r2_ref, w_ref, o_ref):
    x = x_ref[...]
    h = lax.dot_general(x, su_ref[...], (((1,), (1,)), ((), ())),
                        preferred_element_type=jnp.float32)
    h = h * (1.0 / (1.0 + jnp.exp(-h)))
    out = lax.dot_general(h, sd_ref[...], (((1,), (1,)), ((), ())),
                          preferred_element_type=jnp.float32)
    w = w_ref[...]
    o_ref[...] = out + w[:, 0:1] * r1_ref[...] + w[:, 1:2] * r2_ref[...]


def _shared_combine(hs2, shared_up, shared_down, r1, r2, w):
    return pl.pallas_call(
        _shared_body,
        grid=(T // BT,),
        in_specs=[
            pl.BlockSpec((BT, HIDDEN), lambda i: (i, 0)),
            pl.BlockSpec((SHARED_FF, HIDDEN), lambda i: (0, 0)),
            pl.BlockSpec((HIDDEN, SHARED_FF), lambda i: (0, 0)),
            pl.BlockSpec((BT, HIDDEN), lambda i: (i, 0)),
            pl.BlockSpec((BT, HIDDEN), lambda i: (i, 0)),
            pl.BlockSpec((BT, 2), lambda i: (i, 0)),
        ],
        out_specs=pl.BlockSpec((BT, HIDDEN), lambda i: (i, 0)),
        out_shape=jax.ShapeDtypeStruct((T, HIDDEN), jnp.float32),
    )(hs2, shared_up, shared_down, r1, r2, w)


@jax.jit
def _moe(hs2, router_w, e_bias2, expert_up, expert_down, shared_up, shared_down):
    pos, w, be = _route(hs2, router_w, e_bias2)
    pos1, pos2 = pos[:, 0], pos[:, 1]
    xg = _scatterx(pos1, pos2, hs2)
    yg = _expert_mlp(xg, be.reshape(NB), expert_up, expert_down)
    r1, r2 = _gathery(pos1, pos2, yg)
    return _shared_combine(hs2, shared_up, shared_down, r1, r2, w)


def kernel(hidden_states, router_w, e_bias, expert_up, expert_down, shared_up, shared_down):
    orig_shape = hidden_states.shape
    hs2 = hidden_states.reshape(-1, orig_shape[-1])
    out = _moe(hs2, router_w, e_bias.reshape(1, N_EXPERTS), expert_up,
               expert_down, shared_up, shared_down)
    return out.reshape(orig_shape).astype(hidden_states.dtype)

# --- scband reference (transcript-rebuilt; emitter-appended) ---
"""Pipeline reference for scband-neuron-spark-moe-83906481095358 (READ-ONLY COPY).

The authoritative reference and input builder live on the scoring server;
editing this copy changes nothing except your own understanding.
"""

import jax, jax.numpy as jnp
import numpy as np

N_EXPERTS = 8
TOP_K = 2
N_GROUP = 4
TOPK_GROUP = 2
ROUTED_SCALE = 1.0
HIDDEN = 1024
MOE_FF = 512
SHARED_FF = 1024


def setup_inputs(seed: int = 0) -> dict:
    key = jax.random.key(seed)
    ks = jax.random.split(key, 7)
    hidden_states = jax.random.normal(ks[0], (2, 2048, HIDDEN), dtype=jnp.float32)
    router_w = jax.random.normal(ks[1], (N_EXPERTS, HIDDEN), dtype=jnp.float32) * 0.02
    e_bias = jnp.zeros((N_EXPERTS,), dtype=jnp.float32)
    expert_up = jax.random.normal(ks[2], (N_EXPERTS, MOE_FF, HIDDEN), dtype=jnp.float32) * 0.02
    expert_down = jax.random.normal(ks[3], (N_EXPERTS, HIDDEN, MOE_FF), dtype=jnp.float32) * 0.02
    shared_up = jax.random.normal(ks[4], (SHARED_FF, HIDDEN), dtype=jnp.float32) * 0.02
    shared_down = jax.random.normal(ks[5], (HIDDEN, SHARED_FF), dtype=jnp.float32) * 0.02
    return {
        "hidden_states": hidden_states,
        "router_w": router_w,
        "e_bias": e_bias,
        "expert_up": expert_up,
        "expert_down": expert_down,
        "shared_up": shared_up,
        "shared_down": shared_down,
    }


def _mlp(x, up_w, down_w):
    # nn.Linear convention: weight [out, in], no bias
    return jax.nn.silu(x @ up_w.T) @ down_w.T


def _router(hs2, router_w, e_bias):
    T = hs2.shape[0]
    per_group = N_EXPERTS // N_GROUP
    logits = hs2.astype(jnp.float32) @ router_w.astype(jnp.float32).T  # [T, E]
    scores = jax.nn.sigmoid(logits)
    scores_for_choice = scores + e_bias[None, :]
    # group scores: sum of top-2 corrected scores within each group
    grouped = scores_for_choice.reshape(T, N_GROUP, per_group)
    top2_vals = jax.lax.top_k(grouped, 2)[0]
    group_scores = top2_vals.sum(axis=-1)  # [T, n_group]
    group_idx = jax.lax.top_k(group_scores, TOPK_GROUP)[1]  # [T, topk_group]
    group_mask = jax.nn.one_hot(group_idx, N_GROUP, dtype=scores.dtype).sum(axis=1)  # [T, n_group]
    score_mask = jnp.repeat(group_mask, per_group, axis=1)  # [T, E]
    masked_scores = jnp.where(score_mask > 0, scores_for_choice, 0.0)
    topk_indices = jax.lax.top_k(masked_scores, TOP_K)[1]  # [T, top_k]
    topk_weights = jnp.take_along_axis(scores, topk_indices, axis=1)
    denom = topk_weights.sum(axis=-1, keepdims=True) + 1e-20  # norm_topk_prob=True
    topk_weights = topk_weights / denom
    topk_weights = topk_weights * ROUTED_SCALE
    return topk_indices, topk_weights


def reference(hidden_states, router_w, e_bias, expert_up, expert_down, shared_up, shared_down):
    orig_shape = hidden_states.shape
    hs2 = hidden_states.reshape(-1, orig_shape[-1])
    topk_indices, topk_weights = _router(hs2, router_w, e_bias)
    # dense-equivalent MoE dispatch: for each expert, per-token combine weight
    final = jnp.zeros_like(hs2, dtype=topk_weights.dtype)
    for e in range(N_EXPERTS):
        w_e = jnp.sum(topk_weights * (topk_indices == e).astype(topk_weights.dtype), axis=1)  # [T]
        out_e = _mlp(hs2, expert_up[e], expert_down[e])
        final = final + w_e[:, None] * out_e
    final = final.astype(hidden_states.dtype).reshape(orig_shape)
    shared = _mlp(hs2, shared_up, shared_down).reshape(orig_shape)
    return final + shared

if __name__ == "__main__":
    import jax
    _d = setup_inputs()
    print(jax.jit(kernel)(*tuple(_d.values())))

</pallas_src>

<mosaic_0001>
#map = affine_map<(d0, d1) -> (0)>
#map1 = affine_map<(d0, d1) -> (0, 0)>
module attributes {stable_mosaic.version = 14 : i64} {
  func.func @_scatterx_body(%arg0: i32, %arg1: i32, %arg2: memref<4096xi32, #tpu.memory_space<hbm>>, %arg3: memref<4096xi32, #tpu.memory_space<hbm>>, %arg4: memref<4096x1024xf32, #tpu.memory_space<hbm>>, %arg5: memref<12288x1024xf32, #tpu.memory_space<hbm>>, %arg6: memref<16xi32, #tpu.memory_space<vmem>>, %arg7: memref<16xi32, #tpu.memory_space<vmem>>, %arg8: memref<16x1024xf32, #tpu.memory_space<vmem>>, %arg9: memref<!tpu.dma_semaphore, #tpu.memory_space<semaphore_mem>>, %arg10: memref<!tpu.dma_semaphore, #tpu.memory_space<semaphore_mem>>) attributes {dimension_semantics = [#tpu.dimension_semantics<core_parallel>, #tpu.dimension_semantics<subcore_parallel>], iteration_bounds = array<i64: 2, 16>, scalar_prefetch = 0 : i64, scratch_operands = 5 : i64, tpu.core_type = #tpu.core_type<sc_vector_subcore>, window_params = [{transform_indices = #map}, {transform_indices = #map}, {transform_indices = #map1}, {transform_indices = #map1}]} {
    %mul3A = arith.constant 2 : i32
    %mul3A_0 = arith.muli %arg1, %mul3A : i32
    %add3A = arith.addi %mul3A_0, %arg0 : i32
    %mul3A_1 = arith.constant 128 : i32
    %mul3A_2 = arith.muli %add3A, %mul3A_1 : i32
    %add3A_3 = arith.constant 0 : i32
    %add3A_4 = arith.addi %mul3A_2, %add3A_3 : i32
    "tpu.region"() ({
      %run_scoped3A = tpu.sem_alloc : memref<!tpu.dma_semaphore, #tpu.memory_space<semaphore_mem>>
      %dma_start3A_127 = tpu.memref_slice %arg2[%add3A_4] : memref<4096xi32, #tpu.memory_space<hbm>> -> memref<16xi32, #tpu.memory_space<hbm>>
      %dma_start3A_128 = tpu.memref_slice %arg2[%add3A_4] : memref<4096xi32, #tpu.memory_space<hbm>> -> memref<16xi32, #tpu.memory_space<hbm>>
      tpu.enqueue_dma source(%dma_start3A_128 : memref<16xi32, #tpu.memory_space<hbm>>) target(%arg6 : memref<16xi32, #tpu.memory_space<vmem>>) target_semaphore(%run_scoped3A : memref<!tpu.dma_semaphore, #tpu.memory_space<semaphore_mem>>)
      %dma_wait3A_129 = tpu.memref_slice %arg2[%add3A_4] : memref<4096xi32, #tpu.memory_space<hbm>> -> memref<16xi32, #tpu.memory_space<hbm>>
      %dma_wait3A_130 = tpu.memref_slice %arg2[%add3A_4] : memref<4096xi32, #tpu.memory_space<hbm>> -> memref<16xi32, #tpu.memory_space<hbm>>
      tpu.wait_dma2 semaphore(%run_scoped3A : memref<!tpu.dma_semaphore, #tpu.memory_space<semaphore_mem>>) src(%dma_wait3A_130 : memref<16xi32, #tpu.memory_space<hbm>>) dst(%arg6 : memref<16xi32, #tpu.memory_space<vmem>>)
      tpu.yield
    }) : () -> ()
    "tpu.region"() ({
      %run_scoped3A = tpu.sem_alloc : memref<!tpu.dma_semaphore, #tpu.memory_space<semaphore_mem>>
      %dma_start3A_127 = tpu.memref_slice %arg3[%add3A_4] : memref<4096xi32, #tpu.memory_space<hbm>> -> memref<16xi32, #tpu.memory_space<hbm>>
      %dma_start3A_128 = tpu.memref_slice %arg3[%add3A_4] : memref<4096xi32, #tpu.memory_space<hbm>> -> memref<16xi32, #tpu.memory_space<hbm>>
      tpu.enqueue_dma source(%dma_start3A_128 : memref<16xi32, #tpu.memory_space<hbm>>) target(%arg7 : memref<16xi32, #tpu.memory_space<vmem>>) target_semaphore(%run_scoped3A : memref<!tpu.dma_semaphore, #tpu.memory_space<semaphore_mem>>)
      %dma_wait3A_129 = tpu.memref_slice %arg3[%add3A_4] : memref<4096xi32, #tpu.memory_space<hbm>> -> memref<16xi32, #tpu.memory_space<hbm>>
      %dma_wait3A_130 = tpu.memref_slice %arg3[%add3A_4] : memref<4096xi32, #tpu.memory_space<hbm>> -> memref<16xi32, #tpu.memory_space<hbm>>
      tpu.wait_dma2 semaphore(%run_scoped3A : memref<!tpu.dma_semaphore, #tpu.memory_space<semaphore_mem>>) src(%dma_wait3A_130 : memref<16xi32, #tpu.memory_space<hbm>>) dst(%arg7 : memref<16xi32, #tpu.memory_space<vmem>>)
      tpu.yield
    }) : () -> ()
    "tpu.region"() ({
      %run_scoped3A = tpu.sem_alloc : memref<!tpu.dma_semaphore, #tpu.memory_space<semaphore_mem>>
      %dma_start3A_127 = arith.constant 0 : i32
      %dma_start3A_128 = tpu.memref_slice %arg4[%add3A_4, %dma_start3A_127] : memref<4096x1024xf32, #tpu.memory_space<hbm>> -> memref<16x1024xf32, #tpu.memory_space<hbm>>
      %dma_start3A_129 = arith.constant 0 : i32
      %dma_start3A_130 = tpu.memref_slice %arg4[%add3A_4, %dma_start3A_129] : memref<4096x1024xf32, #tpu.memory_space<hbm>> -> memref<16x1024xf32, #tpu.memory_space<hbm>>
      tpu.enqueue_dma source(%dma_start3A_130 : memref<16x1024xf32, #tpu.memory_space<hbm>>) target(%arg8 : memref<16x1024xf32, #tpu.memory_space<vmem>>) target_semaphore(%run_scoped3A : memref<!tpu.dma_semaphore, #tpu.memory_space<semaphore_mem>>)
      %dma_wait3A_131 = arith.constant 0 : i32
      %dma_wait3A_132 = tpu.memref_slice %arg4[%add3A_4, %dma_wait3A_131] : memref<4096x1024xf32, #tpu.memory_space<hbm>> -> memref<16x1024xf32, #tpu.memory_space<hbm>>
      %dma_wait3A_133 = arith.constant 0 : i32
      %dma_wait3A_134 = tpu.memref_slice %arg4[%add3A_4, %dma_wait3A_133] : memref<4096x1024xf32, #tpu.memory_space<hbm>> -> memref<16x1024xf32, #tpu.memory_space<hbm>>
      tpu.wait_dma2 semaphore(%run_scoped3A : memref<!tpu.dma_semaphore, #tpu.memory_space<semaphore_mem>>) src(%dma_wait3A_134 : memref<16x1024xf32, #tpu.memory_space<hbm>>) dst(%arg8 : memref<16x1024xf32, #tpu.memory_space<vmem>>)
      tpu.yield
    }) : () -> ()
    %dma_start3A = arith.constant 0 : i32
    %dma_start3A_5 = arith.constant 0 : i32
    %dma_start3A_6 = tpu.memref_slice %arg5[%dma_start3A, %dma_start3A_5] : memref<12288x1024xf32, #tpu.memory_space<hbm>> -> memref<12288x1024xf32, #tpu.memory_space<hbm>>
    tpu.enqueue_indirect_dma source(%arg8 : memref<16x1024xf32, #tpu.memory_space<vmem>>) target(%dma_start3A_6 : memref<12288x1024xf32, #tpu.memory_space<hbm>>) offsets(%arg6 : memref<16xi32, #tpu.memory_space<vmem>>) semaphore(%arg9 : memref<!tpu.dma_semaphore, #tpu.memory_space<semaphore_mem>>)
    %dma_start3A_7 = arith.constant 0 : i32
    %dma_start3A_8 = arith.constant 0 : i32
    %dma_start3A_9 = tpu.memref_slice %arg5[%dma_start3A_7, %dma_start3A_8] : memref<12288x1024xf32, #tpu.memory_space<hbm>> -> memref<12288x1024xf32, #tpu.memory_space<hbm>>
    tpu.enqueue_indirect_dma source(%arg8 : memref<16x1024xf32, #tpu.memory_space<vmem>>) target(%dma_start3A_9 : memref<12288x1024xf32, #tpu.memory_space<hbm>>) offsets(%arg7 : memref<16xi32, #tpu.memory_space<vmem>>) semaphore(%arg10 : memref<!tpu.dma_semaphore, #tpu.memory_space<semaphore_mem>>)
    %dma_wait3A = arith.constant 0 : i32
    %dma_wait3A_10 = arith.constant 0 : i32
    %dma_wait3A_11 = tpu.memref_slice %arg5[%dma_wait3A, %dma_wait3A_10] : memref<12288x1024xf32, #tpu.memory_space<hbm>> -> memref<12288x1024xf32, #tpu.memory_space<hbm>>
    tpu.wait_indirect_dma semaphore(%arg9 : memref<!tpu.dma_semaphore, #tpu.memory_space<semaphore_mem>>) src(%arg8 : memref<16x1024xf32, #tpu.memory_space<vmem>>) dst(%dma_wait3A_11 : memref<12288x1024xf32, #tpu.memory_space<hbm>>)
    %dma_wait3A_12 = arith.constant 0 : i32
    %dma_wait3A_13 = arith.constant 0 : i32
    %dma_wait3A_14 = tpu.memref_slice %arg5[%dma_wait3A_12, %dma_wait3A_13] : memref<12288x1024xf32, #tpu.memory_space<hbm>> -> memref<12288x1024xf32, #tpu.memory_space<hbm>>
    tpu.wait_indirect_dma semaphore(%arg10 : memref<!tpu.dma_semaphore, #tpu.memory_space<semaphore_mem>>) src(%arg8 : memref<16x1024xf32, #tpu.memory_space<vmem>>) dst(%dma_wait3A_14 : memref<12288x1024xf32, #tpu.memory_space<hbm>>)
    %mul3A_15 = arith.constant 128 : i32
    %mul3A_16 = arith.muli %add3A, %mul3A_15 : i32
    %add3A_17 = arith.constant 16 : i32
    %add3A_18 = arith.addi %mul3A_16, %add3A_17 : i32
    "tpu.region"() ({
      %run_scoped3A = tpu.sem_alloc : memref<!tpu.dma_semaphore, #tpu.memory_space<semaphore_mem>>
      %dma_start3A_127 = tpu.memref_slice %arg2[%add3A_18] : memref<4096xi32, #tpu.memory_space<hbm>> -> memref<16xi32, #tpu.memory_space<hbm>>
      %dma_start3A_128 = tpu.memref_slice %arg2[%add3A_18] : memref<4096xi32, #tpu.memory_space<hbm>> -> memref<16xi32, #tpu.memory_space<hbm>>
      tpu.enqueue_dma source(%dma_start3A_128 : memref<16xi32, #tpu.memory_space<hbm>>) target(%arg6 : memref<16xi32, #tpu.memory_space<vmem>>) target_semaphore(%run_scoped3A : memref<!tpu.dma_semaphore, #tpu.memory_space<semaphore_mem>>)
      %dma_wait3A_129 = tpu.memref_slice %arg2[%add3A_18] : memref<4096xi32, #tpu.memory_space<hbm>> -> memref<16xi32, #tpu.memory_space<hbm>>
      %dma_wait3A_130 = tpu.memref_slice %arg2[%add3A_18] : memref<4096xi32, #tpu.memory_space<hbm>> -> memref<16xi32, #tpu.memory_space<hbm>>
      tpu.wait_dma2 semaphore(%run_scoped3A : memref<!tpu.dma_semaphore, #tpu.memory_space<semaphore_mem>>) src(%dma_wait3A_130 : memref<16xi32, #tpu.memory_space<hbm>>) dst(%arg6 : memref<16xi32, #tpu.memory_space<vmem>>)
      tpu.yield
    }) : () -> ()
    "tpu.region"() ({
      %run_scoped3A = tpu.sem_alloc : memref<!tpu.dma_semaphore, #tpu.memory_space<semaphore_mem>>
      %dma_start3A_127 = tpu.memref_slice %arg3[%add3A_18] : memref<4096xi32, #tpu.memory_space<hbm>> -> memref<16xi32, #tpu.memory_space<hbm>>
      %dma_start3A_128 = tpu.memref_slice %arg3[%add3A_18] : memref<4096xi32, #tpu.memory_space<hbm>> -> memref<16xi32, #tpu.memory_space<hbm>>
      tpu.enqueue_dma source(%dma_start3A_128 : memref<16xi32, #tpu.memory_space<hbm>>) target(%arg7 : memref<16xi32, #tpu.memory_space<vmem>>) target_semaphore(%run_scoped3A : memref<!tpu.dma_semaphore, #tpu.memory_space<semaphore_mem>>)
      %dma_wait3A_129 = tpu.memref_slice %arg3[%add3A_18] : memref<4096xi32, #tpu.memory_space<hbm>> -> memref<16xi32, #tpu.memory_space<hbm>>
      %dma_wait3A_130 = tpu.memref_slice %arg3[%add3A_18] : memref<4096xi32, #tpu.memory_space<hbm>> -> memref<16xi32, #tpu.memory_space<hbm>>
      tpu.wait_dma2 semaphore(%run_scoped3A : memref<!tpu.dma_semaphore, #tpu.memory_space<semaphore_mem>>) src(%dma_wait3A_130 : memref<16xi32, #tpu.memory_space<hbm>>) dst(%arg7 : memref<16xi32, #tpu.memory_space<vmem>>)
      tpu.yield
    }) : () -> ()
    "tpu.region"() ({
      %run_scoped3A = tpu.sem_alloc : memref<!tpu.dma_semaphore, #tpu.memory_space<semaphore_mem>>
      %dma_start3A_127 = arith.constant 0 : i32
      %dma_start3A_128 = tpu.memref_slice %arg4[%add3A_18, %dma_start3A_127] : memref<4096x1024xf32, #tpu.memory_space<hbm>> -> memref<16x1024xf32, #tpu.memory_space<hbm>>
      %dma_start3A_129 = arith.constant 0 : i32
      %dma_start3A_130 = tpu.memref_slice %arg4[%add3A_18, %dma_start3A_129] : memref<4096x1024xf32, #tpu.memory_space<hbm>> -> memref<16x1024xf32, #tpu.memory_space<hbm>>
      tpu.enqueue_dma source(%dma_start3A_130 : memref<16x1024xf32, #tpu.memory_space<hbm>>) target(%arg8 : memref<16x1024xf32, #tpu.memory_space<vmem>>) target_semaphore(%run_scoped3A : memref<!tpu.dma_semaphore, #tpu.memory_space<semaphore_mem>>)
      %dma_wait3A_131 = arith.constant 0 : i32
      %dma_wait3A_132 = tpu.memref_slice %arg4[%add3A_18, %dma_wait3A_131] : memref<4096x1024xf32, #tpu.memory_space<hbm>> -> memref<16x1024xf32, #tpu.memory_space<hbm>>
      %dma_wait3A_133 = arith.constant 0 : i32
      %dma_wait3A_134 = tpu.memref_slice %arg4[%add3A_18, %dma_wait3A_133] : memref<4096x1024xf32, #tpu.memory_space<hbm>> -> memref<16x1024xf32, #tpu.memory_space<hbm>>
      tpu.wait_dma2 semaphore(%run_scoped3A : memref<!tpu.dma_semaphore, #tpu.memory_space<semaphore_mem>>) src(%dma_wait3A_134 : memref<16x1024xf32, #tpu.memory_space<hbm>>) dst(%arg8 : memref<16x1024xf32, #tpu.memory_space<vmem>>)
      tpu.yield
    }) : () -> ()
    %dma_start3A_19 = arith.constant 0 : i32
    %dma_start3A_20 = arith.constant 0 : i32
    %dma_start3A_21 = tpu.memref_slice %arg5[%dma_start3A_19, %dma_start3A_20] : memref<12288x1024xf32, #tpu.memory_space<hbm>> -> memref<12288x1024xf32, #tpu.memory_space<hbm>>
    tpu.enqueue_indirect_dma source(%arg8 : memref<16x1024xf32, #tpu.memory_space<vmem>>) target(%dma_start3A_21 : memref<12288x1024xf32, #tpu.memory_space<hbm>>) offsets(%arg6 : memref<16xi32, #tpu.memory_space<vmem>>) semaphore(%arg9 : memref<!tpu.dma_semaphore, #tpu.memory_space<semaphore_mem>>)
    %dma_start3A_22 = arith.constant 0 : i32
    %dma_start3A_23 = arith.constant 0 : i32
    %dma_start3A_24 = tpu.memref_slice %arg5[%dma_start3A_22, %dma_start3A_23] : memref<12288x1024xf32, #tpu.memory_space<hbm>> -> memref<12288x1024xf32, #tpu.memory_space<hbm>>
    tpu.enqueue_indirect_dma source(%arg8 : memref<16x1024xf32, #tpu.memory_space<vmem>>) target(%dma_start3A_24 : memref<12288x1024xf32, #tpu.memory_space<hbm>>) offsets(%arg7 : memref<16xi32, #tpu.memory_space<vmem>>) semaphore(%arg10 : memref<!tpu.dma_semaphore, #tpu.memory_space<semaphore_mem>>)
    %dma_wait3A_25 = arith.constant 0 : i32
    %dma_wait3A_26 = arith.constant 0 : i32
    %dma_wait3A_27 = tpu.memref_slice %arg5[%dma_wait3A_25, %dma_wait3A_26] : memref<12288x1024xf32, #tpu.memory_space<hbm>> -> memref<12288x1024xf32, #tpu.memory_space<hbm>>
    tpu.wait_indirect_dma semaphore(%arg9 : memref<!tpu.dma_semaphore, #tpu.memory_space<semaphore_mem>>) src(%arg8 : memref<16x1024xf32, #tpu.memory_space<vmem>>) dst(%dma_wait3A_27 : memref<12288x1024xf32, #tpu.memory_space<hbm>>)
    %dma_wait3A_28 = arith.constant 0 : i32
    %dma_wait3A_29 = arith.constant 0 : i32
    %dma_wait3A_30 = tpu.memref_slice %arg5[%dma_wait3A_28, %dma_wait3A_29] : memref<12288x1024xf32, #tpu.memory_space<hbm>> -> memref<12288x1024xf32, #tpu.memory_space<hbm>>
    tpu.wait_indirect_dma semaphore(%arg10 : memref<!tpu.dma_semaphore, #tpu.memory_space<semaphore_mem>>) src(%arg8 : memref<16x1024xf32, #tpu.memory_space<vmem>>) dst(%dma_wait3A_30 : memref<12288x1024xf32, #tpu.memory_space<hbm>>)
    %mul3A_31 = arith.constant 128 : i32
    %mul3A_32 = arith.muli %add3A, %mul3A_31 : i32
    %add3A_33 = arith.constant 32 : i32
    %add3A_34 = arith.addi %mul3A_32, %add3A_33 : i32
    "tpu.region"() ({
      %run_scoped3A = tpu.sem_alloc : memref<!tpu.dma_semaphore, #tpu.memory_space<semaphore_mem>>
      %dma_start3A_127 = tpu.memref_slice %arg2[%add3A_34] : memref<4096xi32, #tpu.memory_space<hbm>> -> memref<16xi32, #tpu.memory_space<hbm>>
      %dma_start3A_128 = tpu.memref_slice %arg2[%add3A_34] : memref<4096xi32, #tpu.memory_space<hbm>> -> memref<16xi32, #tpu.memory_space<hbm>>
      tpu.enqueue_dma source(%dma_start3A_128 : memref<16xi32, #tpu.memory_space<hbm>>) target(%arg6 : memref<16xi32, #tpu.memory_space<vmem>>) target_semaphore(%run_scoped3A : memref<!tpu.dma_semaphore, #tpu.memory_space<semaphore_mem>>)
      %dma_wait3A_129 = tpu.memref_slice %arg2[%add3A_34] : memref<4096xi32, #tpu.memory_space<hbm>> -> memref<16xi32, #tpu.memory_space<hbm>>
      %dma_wait3A_130 = tpu.memref_slice %arg2[%add3A_34] : memref<4096xi32, #tpu.memory_space<hbm>> -> memref<16xi32, #tpu.memory_space<hbm>>
      tpu.wait_dma2 semaphore(%run_scoped3A : memref<!tpu.dma_semaphore, #tpu.memory_space<semaphore_mem>>) src(%dma_wait3A_130 : memref<16xi32, #tpu.memory_space<hbm>>) dst(%arg6 : memref<16xi32, #tpu.memory_space<vmem>>)
      tpu.yield
    }) : () -> ()
    "tpu.region"() ({
      %run_scoped3A = tpu.sem_alloc : memref<!tpu.dma_semaphore, #tpu.memory_space<semaphore_mem>>
      %dma_start3A_127 = tpu.memref_slice %arg3[%add3A_34] : memref<4096xi32, #tpu.memory_space<hbm>> -> memref<16xi32, #tpu.memory_space<hbm>>
      %dma_start3A_128 = tpu.memref_slice %arg3[%add3A_34] : memref<4096xi32, #tpu.memory_space<hbm>> -> memref<16xi32, #tpu.memory_space<hbm>>
      tpu.enqueue_dma source(%dma_start3A_128 : memref<16xi32, #tpu.memory_space<hbm>>) target(%arg7 : memref<16xi32, #tpu.memory_space<vmem>>) target_semaphore(%run_scoped3A : memref<!tpu.dma_semaphore, #tpu.memory_space<semaphore_mem>>)
      %dma_wait3A_129 = tpu.memref_slice %arg3[%add3A_34] : memref<4096xi32, #tpu.memory_space<hbm>> -> memref<16xi32, #tpu.memory_space<hbm>>
      %dma_wait3A_130 = tpu.memref_slice %arg3[%add3A_34] : memref<4096xi32, #tpu.memory_space<hbm>> -> memref<16xi32, #tpu.memory_space<hbm>>
      tpu.wait_dma2 semaphore(%run_scoped3A : memref<!tpu.dma_semaphore, #tpu.memory_space<semaphore_mem>>) src(%dma_wait3A_130 : memref<16xi32, #tpu.memory_space<hbm>>) dst(%arg7 : memref<16xi32, #tpu.memory_space<vmem>>)
      tpu.yield
    }) : () -> ()
    "tpu.region"() ({
      %run_scoped3A = tpu.sem_alloc : memref<!tpu.dma_semaphore, #tpu.memory_space<semaphore_mem>>
      %dma_start3A_127 = arith.constant 0 : i32
      %dma_start3A_128 = tpu.memref_slice %arg4[%add3A_34, %dma_start3A_127] : memref<4096x1024xf32, #tpu.memory_space<hbm>> -> memref<16x1024xf32, #tpu.memory_space<hbm>>
      %dma_start3A_129 = arith.constant 0 : i32
      %dma_start3A_130 = tpu.memref_slice %arg4[%add3A_34, %dma_start3A_129] : memref<4096x1024xf32, #tpu.memory_space<hbm>> -> memref<16x1024xf32, #tpu.memory_space<hbm>>
      tpu.enqueue_dma source(%dma_start3A_130 : memref<16x1024xf32, #tpu.memory_space<hbm>>) target(%arg8 : memref<16x1024xf32, #tpu.memory_space<vmem>>) target_semaphore(%run_scoped3A : memref<!tpu.dma_semaphore, #tpu.memory_space<semaphore_mem>>)
      %dma_wait3A_131 = arith.constant 0 : i32
      %dma_wait3A_132 = tpu.memref_slice %arg4[%add3A_34, %dma_wait3A_131] : memref<4096x1024xf32, #tpu.memory_space<hbm>> -> memref<16x1024xf32, #tpu.memory_space<hbm>>
      %dma_wait3A_133 = arith.constant 0 : i32
      %dma_wait3A_134 = tpu.memref_slice %arg4[%add3A_34, %dma_wait3A_133] : memref<4096x1024xf32, #tpu.memory_space<hbm>> -> memref<16x1024xf32, #tpu.memory_space<hbm>>
      tpu.wait_dma2 semaphore(%run_scoped3A : memref<!tpu.dma_semaphore, #tpu.memory_space<semaphore_mem>>) src(%dma_wait3A_134 : memref<16x1024xf32, #tpu.memory_space<hbm>>) dst(%arg8 : memref<16x1024xf32, #tpu.memory_space<vmem>>)
      tpu.yield
    }) : () -> ()
    %dma_start3A_35 = arith.constant 0 : i32
    %dma_start3A_36 = arith.constant 0 : i32
    %dma_start3A_37 = tpu.memref_slice %arg5[%dma_start3A_35, %dma_start3A_36] : memref<12288x1024xf32, #tpu.memory_space<hbm>> -> memref<12288x1024xf32, #tpu.memory_space<hbm>>
    tpu.enqueue_indirect_dma source(%arg8 : memref<16x1024xf32, #tpu.memory_space<vmem>>) target(%dma_start3A_37 : memref<12288x1024xf32, #tpu.memory_space<hbm>>) offsets(%arg6 : memref<16xi32, #tpu.memory_space<vmem>>) semaphore(%arg9 : memref<!tpu.dma_semaphore, #tpu.memory_space<semaphore_mem>>)
    %dma_start3A_38 = arith.constant 0 : i32
    %dma_start3A_39 = arith.constant 0 : i32
    %dma_start3A_40 = tpu.memref_slice %arg5[%dma_start3A_38, %dma_start3A_39] : memref<12288x1024xf32, #tpu.memory_space<hbm>> -> memref<12288x1024xf32, #tpu.memory_space<hbm>>
    tpu.enqueue_indirect_dma source(%arg8 : memref<16x1024xf32, #tpu.memory_space<vmem>>) target(%dma_start3A_40 : memref<12288x1024xf32, #tpu.memory_space<hbm>>) offsets(%arg7 : memref<16xi32, #tpu.memory_space<vmem>>) semaphore(%arg10 : memref<!tpu.dma_semaphore, #tpu.memory_space<semaphore_mem>>)
    %dma_wait3A_41 = arith.constant 0 : i32
    %dma_wait3A_42 = arith.constant 0 : i32
    %dma_wait3A_43 = tpu.memref_slice %arg5[%dma_wait3A_41, %dma_wait3A_42] : memref<12288x1024xf32, #tpu.memory_space<hbm>> -> memref<12288x1024xf32, #tpu.memory_space<hbm>>
    tpu.wait_indirect_dma semaphore(%arg9 : memref<!tpu.dma_semaphore, #tpu.memory_space<semaphore_mem>>) src(%arg8 : memref<16x1024xf32, #tpu.memory_space<vmem>>) dst(%dma_wait3A_43 : memref<12288x1024xf32, #tpu.memory_space<hbm>>)
    %dma_wait3A_44 = arith.constant 0 : i32
    %dma_wait3A_45 = arith.constant 0 : i32
    %dma_wait3A_46 = tpu.memref_slice %arg5[%dma_wait3A_44, %dma_wait3A_45] : memref<12288x1024xf32, #tpu.memory_space<hbm>> -> memref<12288x1024xf32, #tpu.memory_space<hbm>>
    tpu.wait_indirect_dma semaphore(%arg10 : memref<!tpu.dma_semaphore, #tpu.memory_space<semaphore_mem>>) src(%arg8 : memref<16x1024xf32, #tpu.memory_space<vmem>>) dst(%dma_wait3A_46 : memref<12288x1024xf32, #tpu.memory_space<hbm>>)
    %mul3A_47 = arith.constant 128 : i32
    %mul3A_48 = arith.muli %add3A, %mul3A_47 : i32
    %add3A_49 = arith.constant 48 : i32
    %add3A_50 = arith.addi %mul3A_48, %add3A_49 : i32
    "tpu.region"() ({
      %run_scoped3A = tpu.sem_alloc : memref<!tpu.dma_semaphore, #tpu.memory_space<semaphore_mem>>
      %dma_start3A_127 = tpu.memref_slice %arg2[%add3A_50] : memref<4096xi32, #tpu.memory_space<hbm>> -> memref<16xi32, #tpu.memory_space<hbm>>
      %dma_start3A_128 = tpu.memref_slice %arg2[%add3A_50] : memref<4096xi32, #tpu.memory_space<hbm>> -> memref<16xi32, #tpu.memory_space<hbm>>
      tpu.enqueue_dma source(%dma_start3A_128 : memref<16xi32, #tpu.memory_space<hbm>>) target(%arg6 : memref<16xi32, #tpu.memory_space<vmem>>) target_semaphore(%run_scoped3A : memref<!tpu.dma_semaphore, #tpu.memory_space<semaphore_mem>>)
      %dma_wait3A_129 = tpu.memref_slice %arg2[%add3A_50] : memref<4096xi32, #tpu.memory_space<hbm>> -> memref<16xi32, #tpu.memory_space<hbm>>
      %dma_wait3A_130 = tpu.memref_slice %arg2[%add3A_50] : memref<4096xi32, #tpu.memory_space<hbm>> -> memref<16xi32, #tpu.memory_space<hbm>>
      tpu.wait_dma2 semaphore(%run_scoped3A : memref<!tpu.dma_semaphore, #tpu.memory_space<semaphore_mem>>) src(%dma_wait3A_130 : memref<16xi32, #tpu.memory_space<hbm>>) dst(%arg6 : memref<16xi32, #tpu.memory_space<vmem>>)
      tpu.yield
    }) : () -> ()
    "tpu.region"() ({
      %run_scoped3A = tpu.sem_alloc : memref<!tpu.dma_semaphore, #tpu.memory_space<semaphore_mem>>
      %dma_start3A_127 = tpu.memref_slice %arg3[%add3A_50] : memref<4096xi32, #tpu.memory_space<hbm>> -> memref<16xi32, #tpu.memory_space<hbm>>
      %dma_start3A_128 = tpu.memref_slice %arg3[%add3A_50] : memref<4096xi32, #tpu.memory_space<hbm>> -> memref<16xi32, #tpu.memory_space<hbm>>
      tpu.enqueue_dma source(%dma_start3A_128 : memref<16xi32, #tpu.memory_space<hbm>>) target(%arg7 : memref<16xi32, #tpu.memory_space<vmem>>) target_semaphore(%run_scoped3A : memref<!tpu.dma_semaphore, #tpu.memory_space<semaphore_mem>>)
      %dma_wait3A_129 = tpu.memref_slice %arg3[%add3A_50] : memref<4096xi32, #tpu.memory_space<hbm>> -> memref<16xi32, #tpu.memory_space<hbm>>
      %dma_wait3A_130 = tpu.memref_slice %arg3[%add3A_50] : memref<4096xi32, #tpu.memory_space<hbm>> -> memref<16xi32, #tpu.memory_space<hbm>>
      tpu.wait_dma2 semaphore(%run_scoped3A : memref<!tpu.dma_semaphore, #tpu.memory_space<semaphore_mem>>) src(%dma_wait3A_130 : memref<16xi32, #tpu.memory_space<hbm>>) dst(%arg7 : memref<16xi32, #tpu.memory_space<vmem>>)
      tpu.yield
    }) : () -> ()
    "tpu.region"() ({
      %run_scoped3A = tpu.sem_alloc : memref<!tpu.dma_semaphore, #tpu.memory_space<semaphore_mem>>
      %dma_start3A_127 = arith.constant 0 : i32
      %dma_start3A_128 = tpu.memref_slice %arg4[%add3A_50, %dma_start3A_127] : memref<4096x1024xf32, #tpu.memory_space<hbm>> -> memref<16x1024xf32, #tpu.memory_space<hbm>>
      %dma_start3A_129 = arith.constant 0 : i32
      %dma_start3A_130 = tpu.memref_slice %arg4[%add3A_50, %dma_start3A_129] : memref<4096x1024xf32, #tpu.memory_space<hbm>> -> memref<16x1024xf32, #tpu.memory_space<hbm>>
      tpu.enqueue_dma source(%dma_start3A_130 : memref<16x1024xf32, #tpu.memory_space<hbm>>) target(%arg8 : memref<16x1024xf32, #tpu.memory_space<vmem>>) target_semaphore(%run_scoped3A : memref<!tpu.dma_semaphore, #tpu.memory_space<semaphore_mem>>)
      %dma_wait3A_131 = arith.constant 0 : i32
      %dma_wait3A_132 = tpu.memref_slice %arg4[%add3A_50, %dma_wait3A_131] : memref<4096x1024xf32, #tpu.memory_space<hbm>> -> memref<16x1024xf32, #tpu.memory_space<hbm>>
      %dma_wait3A_133 = arith.constant 0 : i32
      %dma_wait3A_134 = tpu.memref_slice %arg4[%add3A_50, %dma_wait3A_133] : memref<4096x1024xf32, #tpu.memory_space<hbm>> -> memref<16x1024xf32, #tpu.memory_space<hbm>>
      tpu.wait_dma2 semaphore(%run_scoped3A : memref<!tpu.dma_semaphore, #tpu.memory_space<semaphore_mem>>) src(%dma_wait3A_134 : memref<16x1024xf32, #tpu.memory_space<hbm>>) dst(%arg8 : memref<16x1024xf32, #tpu.memory_space<vmem>>)
      tpu.yield
    }) : () -> ()
    %dma_start3A_51 = arith.constant 0 : i32
    %dma_start3A_52 = arith.constant 0 : i32
    %dma_start3A_53 = tpu.memref_slice %arg5[%dma_start3A_51, %dma_start3A_52] : memref<12288x1024xf32, #tpu.memory_space<hbm>> -> memref<12288x1024xf32, #tpu.memory_space<hbm>>
    tpu.enqueue_indirect_dma source(%arg8 : memref<16x1024xf32, #tpu.memory_space<vmem>>) target(%dma_start3A_53 : memref<12288x1024xf32, #tpu.memory_space<hbm>>) offsets(%arg6 : memref<16xi32, #tpu.memory_space<vmem>>) semaphore(%arg9 : memref<!tpu.dma_semaphore, #tpu.memory_space<semaphore_mem>>)
    %dma_start3A_54 = arith.constant 0 : i32
    %dma_start3A_55 = arith.constant 0 : i32
    %dma_start3A_56 = tpu.memref_slice %arg5[%dma_start3A_54, %dma_start3A_55] : memref<12288x1024xf32, #tpu.memory_space<hbm>> -> memref<12288x1024xf32, #tpu.memory_space<hbm>>
    tpu.enqueue_indirect_dma source(%arg8 : memref<16x1024xf32, #tpu.memory_space<vmem>>) target(%dma_start3A_56 : memref<12288x1024xf32, #tpu.memory_space<hbm>>) offsets(%arg7 : memref<16xi32, #tpu.memory_space<vmem>>) semaphore(%arg10 : memref<!tpu.dma_semaphore, #tpu.memory_space<semaphore_mem>>)
    %dma_wait3A_57 = arith.constant 0 : i32
    %dma_wait3A_58 = arith.constant 0 : i32
    %dma_wait3A_59 = tpu.memref_slice %arg5[%dma_wait3A_57, %dma_wait3A_58] : memref<12288x1024xf32, #tpu.memory_space<hbm>> -> memref<12288x1024xf32, #tpu.memory_space<hbm>>
    tpu.wait_indirect_dma semaphore(%arg9 : memref<!tpu.dma_semaphore, #tpu.memory_space<semaphore_mem>>) src(%arg8 : memref<16x1024xf32, #tpu.memory_space<vmem>>) dst(%dma_wait3A_59 : memref<12288x1024xf32, #tpu.memory_space<hbm>>)
    %dma_wait3A_60 = arith.constant 0 : i32
    %dma_wait3A_61 = arith.constant 0 : i32
    %dma_wait3A_62 = tpu.memref_slice %arg5[%dma_wait3A_60, %dma_wait3A_61] : memref<12288x1024xf32, #tpu.memory_space<hbm>> -> memref<12288x1024xf32, #tpu.memory_space<hbm>>
    tpu.wait_indirect_dma semaphore(%arg10 : memref<!tpu.dma_semaphore, #tpu.memory_space<semaphore_mem>>) src(%arg8 : memref<16x1024xf32, #tpu.memory_space<vmem>>) dst(%dma_wait3A_62 : memref<12288x1024xf32, #tpu.memory_space<hbm>>)
    %mul3A_63 = arith.constant 128 : i32
    %mul3A_64 = arith.muli %add3A, %mul3A_63 : i32
    %add3A_65 = arith.constant 64 : i32
    %add3A_66 = arith.addi %mul3A_64, %add3A_65 : i32
    "tpu.region"() ({
      %run_scoped3A = tpu.sem_alloc : memref<!tpu.dma_semaphore, #tpu.memory_space<semaphore_mem>>
      %dma_start3A_127 = tpu.memref_slice %arg2[%add3A_66] : memref<4096xi32, #tpu.memory_space<hbm>> -> memref<16xi32, #tpu.memory_space<hbm>>
      %dma_start3A_128 = tpu.memref_slice %arg2[%add3A_66] : memref<4096xi32, #tpu.memory_space<hbm>> -> memref<16xi32, #tpu.memory_space<hbm>>
      tpu.enqueue_dma source(%dma_start3A_128 : memref<16xi32, #tpu.memory_space<hbm>>) target(%arg6 : memref<16xi32, #tpu.memory_space<vmem>>) target_semaphore(%run_scoped3A : memref<!tpu.dma_semaphore, #tpu.memory_space<semaphore_mem>>)
      %dma_wait3A_129 = tpu.memref_slice %arg2[%add3A_66] : memref<4096xi32, #tpu.memory_space<hbm>> -> memref<16xi32, #tpu.memory_space<hbm>>
      %dma_wait3A_130 = tpu.memref_slice %arg2[%add3A_66] : memref<4096xi32, #tpu.memory_space<hbm>> -> memref<16xi32, #tpu.memory_space<hbm>>
      tpu.wait_dma2 semaphore(%run_scoped3A : memref<!tpu.dma_semaphore, #tpu.memory_space<semaphore_mem>>) src(%dma_wait3A_130 : memref<16xi32, #tpu.memory_space<hbm>>) dst(%arg6 : memref<16xi32, #tpu.memory_space<vmem>>)
      tpu.yield
    }) : () -> ()
    "tpu.region"() ({
      %run_scoped3A = tpu.sem_alloc : memref<!tpu.dma_semaphore, #tpu.memory_space<semaphore_mem>>
      %dma_start3A_127 = tpu.memref_slice %arg3[%add3A_66] : memref<4096xi32, #tpu.memory_space<hbm>> -> memref<16xi32, #tpu.memory_space<hbm>>
      %dma_start3A_128 = tpu.memref_slice %arg3[%add3A_66] : memref<4096xi32, #tpu.memory_space<hbm>> -> memref<16xi32, #tpu.memory_space<hbm>>
      tpu.enqueue_dma source(%dma_start3A_128 : memref<16xi32, #tpu.memory_space<hbm>>) target(%arg7 : memref<16xi32, #tpu.memory_space<vmem>>) target_semaphore(%run_scoped3A : memref<!tpu.dma_semaphore, #tpu.memory_space<semaphore_mem>>)
      %dma_wait3A_129 = tpu.memref_slice %arg3[%add3A_66] : memref<4096xi32, #tpu.memory_space<hbm>> -> memref<16xi32, #tpu.memory_space<hbm>>
      %dma_wait3A_130 = tpu.memref_slice %arg3[%add3A_66] : memref<4096xi32, #tpu.memory_space<hbm>> -> memref<16xi32, #tpu.memory_space<hbm>>
      tpu.wait_dma2 semaphore(%run_scoped3A : memref<!tpu.dma_semaphore, #tpu.memory_space<semaphore_mem>>) src(%dma_wait3A_130 : memref<16xi32, #tpu.memory_space<hbm>>) dst(%arg7 : memref<16xi32, #tpu.memory_space<vmem>>)
      tpu.yield
    }) : () -> ()
    "tpu.region"() ({
      %run_scoped3A = tpu.sem_alloc : memref<!tpu.dma_semaphore, #tpu.memory_space<semaphore_mem>>
      %dma_start3A_127 = arith.constant 0 : i32
      %dma_start3A_128 = tpu.memref_slice %arg4[%add3A_66, %dma_start3A_127] : memref<4096x1024xf32, #tpu.memory_space<hbm>> -> memref<16x1024xf32, #tpu.memory_space<hbm>>
      %dma_start3A_129 = arith.constant 0 : i32
      %dma_start3A_130 = tpu.memref_slice %arg4[%add3A_66, %dma_start3A_129] : memref<4096x1024xf32, #tpu.memory_space<hbm>> -> memref<16x1024xf32, #tpu.memory_space<hbm>>
      tpu.enqueue_dma source(%dma_start3A_130 : memref<16x1024xf32, #tpu.memory_space<hbm>>) target(%arg8 : memref<16x1024xf32, #tpu.memory_space<vmem>>) target_semaphore(%run_scoped3A : memref<!tpu.dma_semaphore, #tpu.memory_space<semaphore_mem>>)
      %dma_wait3A_131 = arith.constant 0 : i32
      %dma_wait3A_132 = tpu.memref_slice %arg4[%add3A_66, %dma_wait3A_131] : memref<4096x1024xf32, #tpu.memory_space<hbm>> -> memref<16x1024xf32, #tpu.memory_space<hbm>>
      %dma_wait3A_133 = arith.constant 0 : i32
      %dma_wait3A_134 = tpu.memref_slice %arg4[%add3A_66, %dma_wait3A_133] : memref<4096x1024xf32, #tpu.memory_space<hbm>> -> memref<16x1024xf32, #tpu.memory_space<hbm>>
      tpu.wait_dma2 semaphore(%run_scoped3A : memref<!tpu.dma_semaphore, #tpu.memory_space<semaphore_mem>>) src(%dma_wait3A_134 : memref<16x1024xf32, #tpu.memory_space<hbm>>) dst(%arg8 : memref<16x1024xf32, #tpu.memory_space<vmem>>)
      tpu.yield
    }) : () -> ()
    %dma_start3A_67 = arith.constant 0 : i32
    %dma_start3A_68 = arith.constant 0 : i32
    %dma_start3A_69 = tpu.memref_slice %arg5[%dma_start3A_67, %dma_start3A_68] : memref<12288x1024xf32, #tpu.memory_space<hbm>> -> memref<12288x1024xf32, #tpu.memory_space<hbm>>
    tpu.enqueue_indirect_dma source(%arg8 : memref<16x1024xf32, #tpu.memory_space<vmem>>) target(%dma_start3A_69 : memref<12288x1024xf32, #tpu.memory_space<hbm>>) offsets(%arg6 : memref<16xi32, #tpu.memory_space<vmem>>) semaphore(%arg9 : memref<!tpu.dma_semaphore, #tpu.memory_space<semaphore_mem>>)
    %dma_start3A_70 = arith.constant 0 : i32
    %dma_start3A_71 = arith.constant 0 : i32
    %dma_start3A_72 = tpu.memref_slice %arg5[%dma_start3A_70, %dma_start3A_71] : memref<12288x1024xf32, #tpu.memory_space<hbm>> -> memref<12288x1024xf32, #tpu.memory_space<hbm>>
    tpu.enqueue_indirect_dma source(%arg8 : memref<16x1024xf32, #tpu.memory_space<vmem>>) target(%dma_start3A_72 : memref<12288x1024xf32, #tpu.memory_space<hbm>>) offsets(%arg7 : memref<16xi32, #tpu.memory_space<vmem>>) semaphore(%arg10 : memref<!tpu.dma_semaphore, #tpu.memory_space<semaphore_mem>>)
    %dma_wait3A_73 = arith.constant 0 : i32
    %dma_wait3A_74 = arith.constant 0 : i32
    %dma_wait3A_75 = tpu.memref_slice %arg5[%dma_wait3A_73, %dma_wait3A_74] : memref<12288x1024xf32, #tpu.memory_space<hbm>> -> memref<12288x1024xf32, #tpu.memory_space<hbm>>
    tpu.wait_indirect_dma semaphore(%arg9 : memref<!tpu.dma_semaphore, #tpu.memory_space<semaphore_mem>>) src(%arg8 : memref<16x1024xf32, #tpu.memory_space<vmem>>) dst(%dma_wait3A_75 : memref<12288x1024xf32, #tpu.memory_space<hbm>>)
    %dma_wait3A_76 = arith.constant 0 : i32
    %dma_wait3A_77 = arith.constant 0 : i32
    %dma_wait3A_78 = tpu.memref_slice %arg5[%dma_wait3A_76, %dma_wait3A_77] : memref<12288x1024xf32, #tpu.memory_space<hbm>> -> memref<12288x1024xf32, #tpu.memory_space<hbm>>
    tpu.wait_indirect_dma semaphore(%arg10 : memref<!tpu.dma_semaphore, #tpu.memory_space<semaphore_mem>>) src(%arg8 : memref<16x1024xf32, #tpu.memory_space<vmem>>) dst(%dma_wait3A_78 : memref<12288x1024xf32, #tpu.memory_space<hbm>>)
    %mul3A_79 = arith.constant 128 : i32
    %mul3A_80 = arith.muli %add3A, %mul3A_79 : i32
    %add3A_81 = arith.constant 80 : i32
    %add3A_82 = arith.addi %mul3A_80, %add3A_81 : i32
    "tpu.region"() ({
      %run_scoped3A = tpu.sem_alloc : memref<!tpu.dma_semaphore, #tpu.memory_space<semaphore_mem>>
      %dma_start3A_127 = tpu.memref_slice %arg2[%add3A_82] : memref<4096xi32, #tpu.memory_space<hbm>> -> memref<16xi32, #tpu.memory_space<hbm>>
      %dma_start3A_128 = tpu.memref_slice %arg2[%add3A_82] : memref<4096xi32, #tpu.memory_space<hbm>> -> memref<16xi32, #tpu.memory_space<hbm>>
      tpu.enqueue_dma source(%dma_start3A_128 : memref<16xi32, #tpu.memory_space<hbm>>) target(%arg6 : memref<16xi32, #tpu.memory_space<vmem>>) target_semaphore(%run_scoped3A : memref<!tpu.dma_semaphore, #tpu.memory_space<semaphore_mem>>)
      %dma_wait3A_129 = tpu.memref_slice %arg2[%add3A_82] : memref<4096xi32, #tpu.memory_space<hbm>> -> memref<16xi32, #tpu.memory_space<hbm>>
      %dma_wait3A_130 = tpu.memref_slice %arg2[%add3A_82] : memref<4096xi32, #tpu.memory_space<hbm>> -> memref<16xi32, #tpu.memory_space<hbm>>
      tpu.wait_dma2 semaphore(%run_scoped3A : memref<!tpu.dma_semaphore, #tpu.memory_space<semaphore_mem>>) src(%dma_wait3A_130 : memref<16xi32, #tpu.memory_space<hbm>>) dst(%arg6 : memref<16xi32, #tpu.memory_space<vmem>>)
      tpu.yield
    }) : () -> ()
    "tpu.region"() ({
      %run_scoped3A = tpu.sem_alloc : memref<!tpu.dma_semaphore, #tpu.memory_space<semaphore_mem>>
      %dma_start3A_127 = tpu.memref_slice %arg3[%add3A_82] : memref<4096xi32, #tpu.memory_space<hbm>> -> memref<16xi32, #tpu.memory_space<hbm>>
      %dma_start3A_128 = tpu.memref_slice %arg3[%add3A_82] : memref<4096xi32, #tpu.memory_space<hbm>> -> memref<16xi32, #tpu.memory_space<hbm>>
      tpu.enqueue_dma source(%dma_start3A_128 : memref<16xi32, #tpu.memory_space<hbm>>) target(%arg7 : memref<16xi32, #tpu.memory_space<vmem>>) target_semaphore(%run_scoped3A : memref<!tpu.dma_semaphore, #tpu.memory_space<semaphore_mem>>)
      %dma_wait3A_129 = tpu.memref_slice %arg3[%add3A_82] : memref<4096xi32, #tpu.memory_space<hbm>> -> memref<16xi32, #tpu.memory_space<hbm>>
      %dma_wait3A_130 = tpu.memref_slice %arg3[%add3A_82] : memref<4096xi32, #tpu.memory_space<hbm>> -> memref<16xi32, #tpu.memory_space<hbm>>
      tpu.wait_dma2 semaphore(%run_scoped3A : memref<!tpu.dma_semaphore, #tpu.memory_space<semaphore_mem>>) src(%dma_wait3A_130 : memref<16xi32, #tpu.memory_space<hbm>>) dst(%arg7 : memref<16xi32, #tpu.memory_space<vmem>>)
      tpu.yield
    }) : () -> ()
    "tpu.region"() ({
      %run_scoped3A = tpu.sem_alloc : memref<!tpu.dma_semaphore, #tpu.memory_space<semaphore_mem>>
      %dma_start3A_127 = arith.constant 0 : i32
      %dma_start3A_128 = tpu.memref_slice %arg4[%add3A_82, %dma_start3A_127] : memref<4096x1024xf32, #tpu.memory_space<hbm>> -> memref<16x1024xf32, #tpu.memory_space<hbm>>
      %dma_start3A_129 = arith.constant 0 : i32
      %dma_start3A_130 = tpu.memref_slice %arg4[%add3A_82, %dma_start3A_129] : memref<4096x1024xf32, #tpu.memory_space<hbm>> -> memref<16x1024xf32, #tpu.memory_space<hbm>>
      tpu.enqueue_dma source(%dma_start3A_130 : memref<16x1024xf32, #tpu.memory_space<hbm>>) target(%arg8 : memref<16x1024xf32, #tpu.memory_space<vmem>>) target_semaphore(%run_scoped3A : memref<!tpu.dma_semaphore, #tpu.memory_space<semaphore_mem>>)
      %dma_wait3A_131 = arith.constant 0 : i32
      %dma_wait3A_132 = tpu.memref_slice %arg4[%add3A_82, %dma_wait3A_131] : memref<4096x1024xf32, #tpu.memory_space<hbm>> -> memref<16x1024xf32, #tpu.memory_space<hbm>>
      %dma_wait3A_133 = arith.constant 0 : i32
      %dma_wait3A_134 = tpu.memref_slice %arg4[%add3A_82, %dma_wait3A_133] : memref<4096x1024xf32, #tpu.memory_space<hbm>> -> memref<16x1024xf32, #tpu.memory_space<hbm>>
      tpu.wait_dma2 semaphore(%run_scoped3A : memref<!tpu.dma_semaphore, #tpu.memory_space<semaphore_mem>>) src(%dma_wait3A_134 : memref<16x1024xf32, #tpu.memory_space<hbm>>) dst(%arg8 : memref<16x1024xf32, #tpu.memory_space<vmem>>)
      tpu.yield
    }) : () -> ()
    %dma_start3A_83 = arith.constant 0 : i32
    %dma_start3A_84 = arith.constant 0 : i32
    %dma_start3A_85 = tpu.memref_slice %arg5[%dma_start3A_83, %dma_start3A_84] : memref<12288x1024xf32, #tpu.memory_space<hbm>> -> memref<12288x1024xf32, #tpu.memory_space<hbm>>
    tpu.enqueue_indirect_dma source(%arg8 : memref<16x1024xf32, #tpu.memory_space<vmem>>) target(%dma_start3A_85 : memref<12288x1024xf32, #tpu.memory_space<hbm>>) offsets(%arg6 : memref<16xi32, #tpu.memory_space<vmem>>) semaphore(%arg9 : memref<!tpu.dma_semaphore, #tpu.memory_space<semaphore_mem>>)
    %dma_start3A_86 = arith.constant 0 : i32
    %dma_start3A_87 = arith.constant 0 : i32
    %dma_start3A_88 = tpu.memref_slice %arg5[%dma_start3A_86, %dma_start3A_87] : memref<12288x1024xf32, #tpu.memory_space<hbm>> -> memref<12288x1024xf32, #tpu.memory_space<hbm>>
    tpu.enqueue_indirect_dma source(%arg8 : memref<16x1024xf32, #tpu.memory_space<vmem>>) target(%dma_start3A_88 : memref<12288x1024xf32, #tpu.memory_space<hbm>>) offsets(%arg7 : memref<16xi32, #tpu.memory_space<vmem>>) semaphore(%arg10 : memref<!tpu.dma_semaphore, #tpu.memory_space<semaphore_mem>>)
    %dma_wait3A_89 = arith.constant 0 : i32
    %dma_wait3A_90 = arith.constant 0 : i32
    %dma_wait3A_91 = tpu.memref_slice %arg5[%dma_wait3A_89, %dma_wait3A_90] : memref<12288x1024xf32, #tpu.memory_space<hbm>> -> memref<12288x1024xf32, #tpu.memory_space<hbm>>
    tpu.wait_indirect_dma semaphore(%arg9 : memref<!tpu.dma_semaphore, #tpu.memory_space<semaphore_mem>>) src(%arg8 : memref<16x1024xf32, #tpu.memory_space<vmem>>) dst(%dma_wait3A_91 : memref<12288x1024xf32, #tpu.memory_space<hbm>>)
    %dma_wait3A_92 = arith.constant 0 : i32
    %dma_wait3A_93 = arith.constant 0 : i32
    %dma_wait3A_94 = tpu.memref_slice %arg5[%dma_wait3A_92, %dma_wait3A_93] : memref<12288x1024xf32, #tpu.memory_space<hbm>> -> memref<12288x1024xf32, #tpu.memory_space<hbm>>
    tpu.wait_indirect_dma semaphore(%arg10 : memref<!tpu.dma_semaphore, #tpu.memory_space<semaphore_mem>>) src(%arg8 : memref<16x1024xf32, #tpu.memory_space<vmem>>) dst(%dma_wait3A_94 : memref<12288x1024xf32, #tpu.memory_space<hbm>>)
    %mul3A_95 = arith.constant 128 : i32
    %mul3A_96 = arith.muli %add3A, %mul3A_95 : i32
    %add3A_97 = arith.constant 96 : i32
    %add3A_98 = arith.addi %mul3A_96, %add3A_97 : i32
    "tpu.region"() ({
      %run_scoped3A = tpu.sem_alloc : memref<!tpu.dma_semaphore, #tpu.memory_space<semaphore_mem>>
      %dma_start3A_127 = tpu.memref_slice %arg2[%add3A_98] : memref<4096xi32, #tpu.memory_space<hbm>> -> memref<16xi32, #tpu.memory_space<hbm>>
      %dma_start3A_128 = tpu.memref_slice %arg2[%add3A_98] : memref<4096xi32, #tpu.memory_space<hbm>> -> memref<16xi32, #tpu.memory_space<hbm>>
      tpu.enqueue_dma source(%dma_start3A_128 : memref<16xi32, #tpu.memory_space<hbm>>) target(%arg6 : memref<16xi32, #tpu.memory_space<vmem>>) target_semaphore(%run_scoped3A : memref<!tpu.dma_semaphore, #tpu.memory_space<semaphore_mem>>)
      %dma_wait3A_129 = tpu.memref_slice %arg2[%add3A_98] : memref<4096xi32, #tpu.memory_space<hbm>> -> memref<16xi32, #tpu.memory_space<hbm>>
      %dma_wait3A_130 = tpu.memref_slice %arg2[%add3A_98] : memref<4096xi32, #tpu.memory_space<hbm>> -> memref<16xi32, #tpu.memory_space<hbm>>
      tpu.wait_dma2 semaphore(%run_scoped3A : memref<!tpu.dma_semaphore, #tpu.memory_space<semaphore_mem>>) src(%dma_wait3A_130 : memref<16xi32, #tpu.memory_space<hbm>>) dst(%arg6 : memref<16xi32, #tpu.memory_space<vmem>>)
      tpu.yield
    }) : () -> ()
    "tpu.region"() ({
      %run_scoped3A = tpu.sem_alloc : memref<!tpu.dma_semaphore, #tpu.memory_space<semaphore_mem>>
      %dma_start3A_127 = tpu.memref_slice %arg3[%add3A_98] : memref<4096xi32, #tpu.memory_space<hbm>> -> memref<16xi32, #tpu.memory_space<hbm>>
      %dma_start3A_128 = tpu.memref_slice %arg3[%add3A_98] : memref<4096xi32, #tpu.memory_space<hbm>> -> memref<16xi32, #tpu.memory_space<hbm>>
      tpu.enqueue_dma source(%dma_start3A_128 : memref<16xi32, #tpu.memory_space<hbm>>) target(%arg7 : memref<16xi32, #tpu.memory_space<vmem>>) target_semaphore(%run_scoped3A : memref<!tpu.dma_semaphore, #tpu.memory_space<semaphore_mem>>)
      %dma_wait3A_129 = tpu.memref_slice %arg3[%add3A_98] : memref<4096xi32, #tpu.memory_space<hbm>> -> memref<16xi32, #tpu.memory_space<hbm>>
      %dma_wait3A_130 = tpu.memref_slice %arg3[%add3A_98] : memref<4096xi32, #tpu.memory_space<hbm>> -> memref<16xi32, #tpu.memory_space<hbm>>
      tpu.wait_dma2 semaphore(%run_scoped3A : memref<!tpu.dma_semaphore, #tpu.memory_space<semaphore_mem>>) src(%dma_wait3A_130 : memref<16xi32, #tpu.memory_space<hbm>>) dst(%arg7 : memref<16xi32, #tpu.memory_space<vmem>>)
      tpu.yield
    }) : () -> ()
    "tpu.region"() ({
      %run_scoped3A = tpu.sem_alloc : memref<!tpu.dma_semaphore, #tpu.memory_space<semaphore_mem>>
      %dma_start3A_127 = arith.constant 0 : i32
      %dma_start3A_128 = tpu.memref_slice %arg4[%add3A_98, %dma_start3A_127] : memref<4096x1024xf32, #tpu.memory_space<hbm>> -> memref<16x1024xf32, #tpu.memory_space<hbm>>
      %dma_start3A_129 = arith.constant 0 : i32
      %dma_start3A_130 = tpu.memref_slice %arg4[%add3A_98, %dma_start3A_129] : memref<4096x1024xf32, #tpu.memory_space<hbm>> -> memref<16x1024xf32, #tpu.memory_space<hbm>>
      tpu.enqueue_dma source(%dma_start3A_130 : memref<16x1024xf32, #tpu.memory_space<hbm>>) target(%arg8 : memref<16x1024xf32, #tpu.memory_space<vmem>>) target_semaphore(%run_scoped3A : memref<!tpu.dma_semaphore, #tpu.memory_space<semaphore_mem>>)
      %dma_wait3A_131 = arith.constant 0 : i32
      %dma_wait3A_132 = tpu.memref_slice %arg4[%add3A_98, %dma_wait3A_131] : memref<4096x1024xf32, #tpu.memory_space<hbm>> -> memref<16x1024xf32, #tpu.memory_space<hbm>>
      %dma_wait3A_133 = arith.constant 0 : i32
      %dma_wait3A_134 = tpu.memref_slice %arg4[%add3A_98, %dma_wait3A_133] : memref<4096x1024xf32, #tpu.memory_space<hbm>> -> memref<16x1024xf32, #tpu.memory_space<hbm>>
      tpu.wait_dma2 semaphore(%run_scoped3A : memref<!tpu.dma_semaphore, #tpu.memory_space<semaphore_mem>>) src(%dma_wait3A_134 : memref<16x1024xf32, #tpu.memory_space<hbm>>) dst(%arg8 : memref<16x1024xf32, #tpu.memory_space<vmem>>)
      tpu.yield
    }) : () -> ()
    %dma_start3A_99 = arith.constant 0 : i32
    %dma_start3A_100 = arith.constant 0 : i32
    %dma_start3A_101 = tpu.memref_slice %arg5[%dma_start3A_99, %dma_start3A_100] : memref<12288x1024xf32, #tpu.memory_space<hbm>> -> memref<12288x1024xf32, #tpu.memory_space<hbm>>
    tpu.enqueue_indirect_dma source(%arg8 : memref<16x1024xf32, #tpu.memory_space<vmem>>) target(%dma_start3A_101 : memref<12288x1024xf32, #tpu.memory_space<hbm>>) offsets(%arg6 : memref<16xi32, #tpu.memory_space<vmem>>) semaphore(%arg9 : memref<!tpu.dma_semaphore, #tpu.memory_space<semaphore_mem>>)
    %dma_start3A_102 = arith.constant 0 : i32
    %dma_start3A_103 = arith.constant 0 : i32
    %dma_start3A_104 = tpu.memref_slice %arg5[%dma_start3A_102, %dma_start3A_103] : memref<12288x1024xf32, #tpu.memory_space<hbm>> -> memref<12288x1024xf32, #tpu.memory_space<hbm>>
    tpu.enqueue_indirect_dma source(%arg8 : memref<16x1024xf32, #tpu.memory_space<vmem>>) target(%dma_start3A_104 : memref<12288x1024xf32, #tpu.memory_space<hbm>>) offsets(%arg7 : memref<16xi32, #tpu.memory_space<vmem>>) semaphore(%arg10 : memref<!tpu.dma_semaphore, #tpu.memory_space<semaphore_mem>>)
    %dma_wait3A_105 = arith.constant 0 : i32
    %dma_wait3A_106 = arith.constant 0 : i32
    %dma_wait3A_107 = tpu.memref_slice %arg5[%dma_wait3A_105, %dma_wait3A_106] : memref<12288x1024xf32, #tpu.memory_space<hbm>> -> memref<12288x1024xf32, #tpu.memory_space<hbm>>
    tpu.wait_indirect_dma semaphore(%arg9 : memref<!tpu.dma_semaphore, #tpu.memory_space<semaphore_mem>>) src(%arg8 : memref<16x1024xf32, #tpu.memory_space<vmem>>) dst(%dma_wait3A_107 : memref<12288x1024xf32, #tpu.memory_space<hbm>>)
    %dma_wait3A_108 = arith.constant 0 : i32
    %dma_wait3A_109 = arith.constant 0 : i32
    %dma_wait3A_110 = tpu.memref_slice %arg5[%dma_wait3A_108, %dma_wait3A_109] : memref<12288x1024xf32, #tpu.memory_space<hbm>> -> memref<12288x1024xf32, #tpu.memory_space<hbm>>
    tpu.wait_indirect_dma semaphore(%arg10 : memref<!tpu.dma_semaphore, #tpu.memory_space<semaphore_mem>>) src(%arg8 : memref<16x1024xf32, #tpu.memory_space<vmem>>) dst(%dma_wait3A_110 : memref<12288x1024xf32, #tpu.memory_space<hbm>>)
    %mul3A_111 = arith.constant 128 : i32
    %mul3A_112 = arith.muli %add3A, %mul3A_111 : i32
    %add3A_113 = arith.constant 112 : i32
    %add3A_114 = arith.addi %mul3A_112, %add3A_113 : i32
    "tpu.region"() ({
      %run_scoped3A = tpu.sem_alloc : memref<!tpu.dma_semaphore, #tpu.memory_space<semaphore_mem>>
      %dma_start3A_127 = tpu.memref_slice %arg2[%add3A_114] : memref<4096xi32, #tpu.memory_space<hbm>> -> memref<16xi32, #tpu.memory_space<hbm>>
      %dma_start3A_128 = tpu.memref_slice %arg2[%add3A_114] : memref<4096xi32, #tpu.memory_space<hbm>> -> memref<16xi32, #tpu.memory_space<hbm>>
      tpu.enqueue_dma source(%dma_start3A_128 : memref<16xi32, #tpu.memory_space<hbm>>) target(%arg6 : memref<16xi32, #tpu.memory_space<vmem>>) target_semaphore(%run_scoped3A : memref<!tpu.dma_semaphore, #tpu.memory_space<semaphore_mem>>)
      %dma_wait3A_129 = tpu.memref_slice %arg2[%add3A_114] : memref<4096xi32, #tpu.memory_space<hbm>> -> memref<16xi32, #tpu.memory_space<hbm>>
      %dma_wait3A_130 = tpu.memref_slice %arg2[%add3A_114] : memref<4096xi32, #tpu.memory_space<hbm>> -> memref<16xi32, #tpu.memory_space<hbm>>
      tpu.wait_dma2 semaphore(%run_scoped3A : memref<!tpu.dma_semaphore, #tpu.memory_space<semaphore_mem>>) src(%dma_wait3A_130 : memref<16xi32, #tpu.memory_space<hbm>>) dst(%arg6 : memref<16xi32, #tpu.memory_space<vmem>>)
      tpu.yield
    }) : () -> ()
    "tpu.region"() ({
      %run_scoped3A = tpu.sem_alloc : memref<!tpu.dma_semaphore, #tpu.memory_space<semaphore_mem>>
      %dma_start3A_127 = tpu.memref_slice %arg3[%add3A_114] : memref<4096xi32, #tpu.memory_space<hbm>> -> memref<16xi32, #tpu.memory_space<hbm>>
      %dma_start3A_128 = tpu.memref_slice %arg3[%add3A_114] : memref<4096xi32, #tpu.memory_space<hbm>> -> memref<16xi32, #tpu.memory_space<hbm>>
      tpu.enqueue_dma source(%dma_start3A_128 : memref<16xi32, #tpu.memory_space<hbm>>) target(%arg7 : memref<16xi32, #tpu.memory_space<vmem>>) target_semaphore(%run_scoped3A : memref<!tpu.dma_semaphore, #tpu.memory_space<semaphore_mem>>)
      %dma_wait3A_129 = tpu.memref_slice %arg3[%add3A_114] : memref<4096xi32, #tpu.memory_space<hbm>> -> memref<16xi32, #tpu.memory_space<hbm>>
      %dma_wait3A_130 = tpu.memref_slice %arg3[%add3A_114] : memref<4096xi32, #tpu.memory_space<hbm>> -> memref<16xi32, #tpu.memory_space<hbm>>
      tpu.wait_dma2 semaphore(%run_scoped3A : memref<!tpu.dma_semaphore, #tpu.memory_space<semaphore_mem>>) src(%dma_wait3A_130 : memref<16xi32, #tpu.memory_space<hbm>>) dst(%arg7 : memref<16xi32, #tpu.memory_space<vmem>>)
      tpu.yield
    }) : () -> ()
    "tpu.region"() ({
      %run_scoped3A = tpu.sem_alloc : memref<!tpu.dma_semaphore, #tpu.memory_space<semaphore_mem>>
      %dma_start3A_127 = arith.constant 0 : i32
      %dma_start3A_128 = tpu.memref_slice %arg4[%add3A_114, %dma_start3A_127] : memref<4096x1024xf32, #tpu.memory_space<hbm>> -> memref<16x1024xf32, #tpu.memory_space<hbm>>
      %dma_start3A_129 = arith.constant 0 : i32
      %dma_start3A_130 = tpu.memref_slice %arg4[%add3A_114, %dma_start3A_129] : memref<4096x1024xf32, #tpu.memory_space<hbm>> -> memref<16x1024xf32, #tpu.memory_space<hbm>>
      tpu.enqueue_dma source(%dma_start3A_130 : memref<16x1024xf32, #tpu.memory_space<hbm>>) target(%arg8 : memref<16x1024xf32, #tpu.memory_space<vmem>>) target_semaphore(%run_scoped3A : memref<!tpu.dma_semaphore, #tpu.memory_space<semaphore_mem>>)
      %dma_wait3A_131 = arith.constant 0 : i32
      %dma_wait3A_132 = tpu.memref_slice %arg4[%add3A_114, %dma_wait3A_131] : memref<4096x1024xf32, #tpu.memory_space<hbm>> -> memref<16x1024xf32, #tpu.memory_space<hbm>>
      %dma_wait3A_133 = arith.constant 0 : i32
      %dma_wait3A_134 = tpu.memref_slice %arg4[%add3A_114, %dma_wait3A_133] : memref<4096x1024xf32, #tpu.memory_space<hbm>> -> memref<16x1024xf32, #tpu.memory_space<hbm>>
      tpu.wait_dma2 semaphore(%run_scoped3A : memref<!tpu.dma_semaphore, #tpu.memory_space<semaphore_mem>>) src(%dma_wait3A_134 : memref<16x1024xf32, #tpu.memory_space<hbm>>) dst(%arg8 : memref<16x1024xf32, #tpu.memory_space<vmem>>)
      tpu.yield
    }) : () -> ()
    %dma_start3A_115 = arith.constant 0 : i32
    %dma_start3A_116 = arith.constant 0 : i32
    %dma_start3A_117 = tpu.memref_slice %arg5[%dma_start3A_115, %dma_start3A_116] : memref<12288x1024xf32, #tpu.memory_space<hbm>> -> memref<12288x1024xf32, #tpu.memory_space<hbm>>
    tpu.enqueue_indirect_dma source(%arg8 : memref<16x1024xf32, #tpu.memory_space<vmem>>) target(%dma_start3A_117 : memref<12288x1024xf32, #tpu.memory_space<hbm>>) offsets(%arg6 : memref<16xi32, #tpu.memory_space<vmem>>) semaphore(%arg9 : memref<!tpu.dma_semaphore, #tpu.memory_space<semaphore_mem>>)
    %dma_start3A_118 = arith.constant 0 : i32
    %dma_start3A_119 = arith.constant 0 : i32
    %dma_start3A_120 = tpu.memref_slice %arg5[%dma_start3A_118, %dma_start3A_119] : memref<12288x1024xf32, #tpu.memory_space<hbm>> -> memref<12288x1024xf32, #tpu.memory_space<hbm>>
    tpu.enqueue_indirect_dma source(%arg8 : memref<16x1024xf32, #tpu.memory_space<vmem>>) target(%dma_start3A_120 : memref<12288x1024xf32, #tpu.memory_space<hbm>>) offsets(%arg7 : memref<16xi32, #tpu.memory_space<vmem>>) semaphore(%arg10 : memref<!tpu.dma_semaphore, #tpu.memory_space<semaphore_mem>>)
    %dma_wait3A_121 = arith.constant 0 : i32
    %dma_wait3A_122 = arith.constant 0 : i32
    %dma_wait3A_123 = tpu.memref_slice %arg5[%dma_wait3A_121, %dma_wait3A_122] : memref<12288x1024xf32, #tpu.memory_space<hbm>> -> memref<12288x1024xf32, #tpu.memory_space<hbm>>
    tpu.wait_indirect_dma semaphore(%arg9 : memref<!tpu.dma_semaphore, #tpu.memory_space<semaphore_mem>>) src(%arg8 : memref<16x1024xf32, #tpu.memory_space<vmem>>) dst(%dma_wait3A_123 : memref<12288x1024xf32, #tpu.memory_space<hbm>>)
    %dma_wait3A_124 = arith.constant 0 : i32
    %dma_wait3A_125 = arith.constant 0 : i32
    %dma_wait3A_126 = tpu.memref_slice %arg5[%dma_wait3A_124, %dma_wait3A_125] : memref<12288x1024xf32, #tpu.memory_space<hbm>> -> memref<12288x1024xf32, #tpu.memory_space<hbm>>
    tpu.wait_indirect_dma semaphore(%arg10 : memref<!tpu.dma_semaphore, #tpu.memory_space<semaphore_mem>>) src(%arg8 : memref<16x1024xf32, #tpu.memory_space<vmem>>) dst(%dma_wait3A_126 : memref<12288x1024xf32, #tpu.memory_space<hbm>>)
    return
  }
}

#map = affine_map<(d0, d1) -> (0)>
#map1 = affine_map<(d0, d1) -> (0, 0)>
module attributes {stable_mosaic.version = 14 : i64} {
  func.func @_gathery_body(%arg0: i32, %arg1: i32, %arg2: memref<4096xi32, #tpu.memory_space<hbm>>, %arg3: memref<4096xi32, #tpu.memory_space<hbm>>, %arg4: memref<12288x1024xf32, #tpu.memory_space<hbm>>, %arg5: memref<4096x1024xf32, #tpu.memory_space<hbm>>, %arg6: memref<4096x1024xf32, #tpu.memory_space<hbm>>, %arg7: memref<32xi32, #tpu.memory_space<vmem>>, %arg8: memref<32xi32, #tpu.memory_space<vmem>>, %arg9: memref<32x1024xf32, #tpu.memory_space<vmem>>, %arg10: memref<32x1024xf32, #tpu.memory_space<vmem>>, %arg11: memref<!tpu.dma_semaphore, #tpu.memory_space<semaphore_mem>>, %arg12: memref<!tpu.dma_semaphore, #tpu.memory_space<semaphore_mem>>) attributes {dimension_semantics = [#tpu.dimension_semantics<core_parallel>, #tpu.dimension_semantics<subcore_parallel>], iteration_bounds = array<i64: 2, 16>, scalar_prefetch = 0 : i64, scratch_operands = 6 : i64, tpu.core_type = #tpu.core_type<sc_vector_subcore>, window_params = [{transform_indices = #map}, {transform_indices = #map}, {transform_indices = #map1}, {transform_indices = #map1}, {transform_indices = #map1}]} {
    %mul3A = arith.constant 2 : i32
    %mul3A_0 = arith.muli %arg1, %mul3A : i32
    %add3A = arith.addi %mul3A_0, %arg0 : i32
    %mul3A_1 = arith.constant 128 : i32
    %mul3A_2 = arith.muli %add3A, %mul3A_1 : i32
    %add3A_3 = arith.constant 0 : i32
    %add3A_4 = arith.addi %mul3A_2, %add3A_3 : i32
    "tpu.region"() ({
      %run_scoped3A = tpu.sem_alloc : memref<!tpu.dma_semaphore, #tpu.memory_space<semaphore_mem>>
      %dma_start3A_63 = tpu.memref_slice %arg2[%add3A_4] : memref<4096xi32, #tpu.memory_space<hbm>> -> memref<32xi32, #tpu.memory_space<hbm>>
      %dma_start3A_64 = tpu.memref_slice %arg2[%add3A_4] : memref<4096xi32, #tpu.memory_space<hbm>> -> memref<32xi32, #tpu.memory_space<hbm>>
      tpu.enqueue_dma source(%dma_start3A_64 : memref<32xi32, #tpu.memory_space<hbm>>) target(%arg7 : memref<32xi32, #tpu.memory_space<vmem>>) target_semaphore(%run_scoped3A : memref<!tpu.dma_semaphore, #tpu.memory_space<semaphore_mem>>)
      %dma_wait3A_65 = tpu.memref_slice %arg2[%add3A_4] : memref<4096xi32, #tpu.memory_space<hbm>> -> memref<32xi32, #tpu.memory_space<hbm>>
      %dma_wait3A_66 = tpu.memref_slice %arg2[%add3A_4] : memref<4096xi32, #tpu.memory_space<hbm>> -> memref<32xi32, #tpu.memory_space<hbm>>
      tpu.wait_dma2 semaphore(%run_scoped3A : memref<!tpu.dma_semaphore, #tpu.memory_space<semaphore_mem>>) src(%dma_wait3A_66 : memref<32xi32, #tpu.memory_space<hbm>>) dst(%arg7 : memref<32xi32, #tpu.memory_space<vmem>>)
      tpu.yield
    }) : () -> ()
    "tpu.region"() ({
      %run_scoped3A = tpu.sem_alloc : memref<!tpu.dma_semaphore, #tpu.memory_space<semaphore_mem>>
      %dma_start3A_63 = tpu.memref_slice %arg3[%add3A_4] : memref<4096xi32, #tpu.memory_space<hbm>> -> memref<32xi32, #tpu.memory_space<hbm>>
      %dma_start3A_64 = tpu.memref_slice %arg3[%add3A_4] : memref<4096xi32, #tpu.memory_space<hbm>> -> memref<32xi32, #tpu.memory_space<hbm>>
      tpu.enqueue_dma source(%dma_start3A_64 : memref<32xi32, #tpu.memory_space<hbm>>) target(%arg8 : memref<32xi32, #tpu.memory_space<vmem>>) target_semaphore(%run_scoped3A : memref<!tpu.dma_semaphore, #tpu.memory_space<semaphore_mem>>)
      %dma_wait3A_65 = tpu.memref_slice %arg3[%add3A_4] : memref<4096xi32, #tpu.memory_space<hbm>> -> memref<32xi32, #tpu.memory_space<hbm>>
      %dma_wait3A_66 = tpu.memref_slice %arg3[%add3A_4] : memref<4096xi32, #tpu.memory_space<hbm>> -> memref<32xi32, #tpu.memory_space<hbm>>
      tpu.wait_dma2 semaphore(%run_scoped3A : memref<!tpu.dma_semaphore, #tpu.memory_space<semaphore_mem>>) src(%dma_wait3A_66 : memref<32xi32, #tpu.memory_space<hbm>>) dst(%arg8 : memref<32xi32, #tpu.memory_space<vmem>>)
      tpu.yield
    }) : () -> ()
    %dma_start3A = arith.constant 0 : i32
    %dma_start3A_5 = arith.constant 0 : i32
    %dma_start3A_6 = tpu.memref_slice %arg4[%dma_start3A, %dma_start3A_5] : memref<12288x1024xf32, #tpu.memory_space<hbm>> -> memref<12288x1024xf32, #tpu.memory_space<hbm>>
    tpu.enqueue_indirect_dma source(%dma_start3A_6 : memref<12288x1024xf32, #tpu.memory_space<hbm>>) target(%arg9 : memref<32x1024xf32, #tpu.memory_space<vmem>>) offsets(%arg7 : memref<32xi32, #tpu.memory_space<vmem>>) semaphore(%arg11 : memref<!tpu.dma_semaphore, #tpu.memory_space<semaphore_mem>>)
    %dma_start3A_7 = arith.constant 0 : i32
    %dma_start3A_8 = arith.constant 0 : i32
    %dma_start3A_9 = tpu.memref_slice %arg4[%dma_start3A_7, %dma_start3A_8] : memref<12288x1024xf32, #tpu.memory_space<hbm>> -> memref<12288x1024xf32, #tpu.memory_space<hbm>>
    tpu.enqueue_indirect_dma source(%dma_start3A_9 : memref<12288x1024xf32, #tpu.memory_space<hbm>>) target(%arg10 : memref<32x1024xf32, #tpu.memory_space<vmem>>) offsets(%arg8 : memref<32xi32, #tpu.memory_space<vmem>>) semaphore(%arg12 : memref<!tpu.dma_semaphore, #tpu.memory_space<semaphore_mem>>)
    %dma_wait3A = arith.constant 0 : i32
    %dma_wait3A_10 = arith.constant 0 : i32
    %dma_wait3A_11 = tpu.memref_slice %arg4[%dma_wait3A, %dma_wait3A_10] : memref<12288x1024xf32, #tpu.memory_space<hbm>> -> memref<12288x1024xf32, #tpu.memory_space<hbm>>
    tpu.wait_indirect_dma semaphore(%arg11 : memref<!tpu.dma_semaphore, #tpu.memory_space<semaphore_mem>>) src(%dma_wait3A_11 : memref<12288x1024xf32, #tpu.memory_space<hbm>>) dst(%arg9 : memref<32x1024xf32, #tpu.memory_space<vmem>>)
    %dma_wait3A_12 = arith.constant 0 : i32
    %dma_wait3A_13 = arith.constant 0 : i32
    %dma_wait3A_14 = tpu.memref_slice %arg4[%dma_wait3A_12, %dma_wait3A_13] : memref<12288x1024xf32, #tpu.memory_space<hbm>> -> memref<12288x1024xf32, #tpu.memory_space<hbm>>
    tpu.wait_indirect_dma semaphore(%arg12 : memref<!tpu.dma_semaphore, #tpu.memory_space<semaphore_mem>>) src(%dma_wait3A_14 : memref<12288x1024xf32, #tpu.memory_space<hbm>>) dst(%arg10 : memref<32x1024xf32, #tpu.memory_space<vmem>>)
    "tpu.region"() ({
      %run_scoped3A = tpu.sem_alloc : memref<!tpu.dma_semaphore, #tpu.memory_space<semaphore_mem>>
      %dma_start3A_63 = arith.constant 0 : i32
      %dma_start3A_64 = tpu.memref_slice %arg5[%add3A_4, %dma_start3A_63] : memref<4096x1024xf32, #tpu.memory_space<hbm>> -> memref<32x1024xf32, #tpu.memory_space<hbm>>
      %dma_start3A_65 = arith.constant 0 : i32
      %dma_start3A_66 = tpu.memref_slice %arg5[%add3A_4, %dma_start3A_65] : memref<4096x1024xf32, #tpu.memory_space<hbm>> -> memref<32x1024xf32, #tpu.memory_space<hbm>>
      tpu.enqueue_dma source(%arg9 : memref<32x1024xf32, #tpu.memory_space<vmem>>) target(%dma_start3A_66 : memref<32x1024xf32, #tpu.memory_space<hbm>>) target_semaphore(%run_scoped3A : memref<!tpu.dma_semaphore, #tpu.memory_space<semaphore_mem>>)
      %dma_wait3A_67 = arith.constant 0 : i32
      %dma_wait3A_68 = tpu.memref_slice %arg5[%add3A_4, %dma_wait3A_67] : memref<4096x1024xf32, #tpu.memory_space<hbm>> -> memref<32x1024xf32, #tpu.memory_space<hbm>>
      %dma_wait3A_69 = arith.constant 0 : i32
      %dma_wait3A_70 = tpu.memref_slice %arg5[%add3A_4, %dma_wait3A_69] : memref<4096x1024xf32, #tpu.memory_space<hbm>> -> memref<32x1024xf32, #tpu.memory_space<hbm>>
      tpu.wait_dma2 semaphore(%run_scoped3A : memref<!tpu.dma_semaphore, #tpu.memory_space<semaphore_mem>>) src(%arg9 : memref<32x1024xf32, #tpu.memory_space<vmem>>) dst(%dma_wait3A_70 : memref<32x1024xf32, #tpu.memory_space<hbm>>)
      tpu.yield
    }) : () -> ()
    "tpu.region"() ({
      %run_scoped3A = tpu.sem_alloc : memref<!tpu.dma_semaphore, #tpu.memory_space<semaphore_mem>>
      %dma_start3A_63 = arith.constant 0 : i32
      %dma_start3A_64 = tpu.memref_slice %arg6[%add3A_4, %dma_start3A_63] : memref<4096x1024xf32, #tpu.memory_space<hbm>> -> memref<32x1024xf32, #tpu.memory_space<hbm>>
      %dma_start3A_65 = arith.constant 0 : i32
      %dma_start3A_66 = tpu.memref_slice %arg6[%add3A_4, %dma_start3A_65] : memref<4096x1024xf32, #tpu.memory_space<hbm>> -> memref<32x1024xf32, #tpu.memory_space<hbm>>
      tpu.enqueue_dma source(%arg10 : memref<32x1024xf32, #tpu.memory_space<vmem>>) target(%dma_start3A_66 : memref<32x1024xf32, #tpu.memory_space<hbm>>) target_semaphore(%run_scoped3A : memref<!tpu.dma_semaphore, #tpu.memory_space<semaphore_mem>>)
      %dma_wait3A_67 = arith.constant 0 : i32
      %dma_wait3A_68 = tpu.memref_slice %arg6[%add3A_4, %dma_wait3A_67] : memref<4096x1024xf32, #tpu.memory_space<hbm>> -> memref<32x1024xf32, #tpu.memory_space<hbm>>
      %dma_wait3A_69 = arith.constant 0 : i32
      %dma_wait3A_70 = tpu.memref_slice %arg6[%add3A_4, %dma_wait3A_69] : memref<4096x1024xf32, #tpu.memory_space<hbm>> -> memref<32x1024xf32, #tpu.memory_space<hbm>>
      tpu.wait_dma2 semaphore(%run_scoped3A : memref<!tpu.dma_semaphore, #tpu.memory_space<semaphore_mem>>) src(%arg10 : memref<32x1024xf32, #tpu.memory_space<vmem>>) dst(%dma_wait3A_70 : memref<32x1024xf32, #tpu.memory_space<hbm>>)
      tpu.yield
    }) : () -> ()
    %mul3A_15 = arith.constant 128 : i32
    %mul3A_16 = arith.muli %add3A, %mul3A_15 : i32
    %add3A_17 = arith.constant 32 : i32
    %add3A_18 = arith.addi %mul3A_16, %add3A_17 : i32
    "tpu.region"() ({
      %run_scoped3A = tpu.sem_alloc : memref<!tpu.dma_semaphore, #tpu.memory_space<semaphore_mem>>
      %dma_start3A_63 = tpu.memref_slice %arg2[%add3A_18] : memref<4096xi32, #tpu.memory_space<hbm>> -> memref<32xi32, #tpu.memory_space<hbm>>
      %dma_start3A_64 = tpu.memref_slice %arg2[%add3A_18] : memref<4096xi32, #tpu.memory_space<hbm>> -> memref<32xi32, #tpu.memory_space<hbm>>
      tpu.enqueue_dma source(%dma_start3A_64 : memref<32xi32, #tpu.memory_space<hbm>>) target(%arg7 : memref<32xi32, #tpu.memory_space<vmem>>) target_semaphore(%run_scoped3A : memref<!tpu.dma_semaphore, #tpu.memory_space<semaphore_mem>>)
      %dma_wait3A_65 = tpu.memref_slice %arg2[%add3A_18] : memref<4096xi32, #tpu.memory_space<hbm>> -> memref<32xi32, #tpu.memory_space<hbm>>
      %dma_wait3A_66 = tpu.memref_slice %arg2[%add3A_18] : memref<4096xi32, #tpu.memory_space<hbm>> -> memref<32xi32, #tpu.memory_space<hbm>>
      tpu.wait_dma2 semaphore(%run_scoped3A : memref<!tpu.dma_semaphore, #tpu.memory_space<semaphore_mem>>) src(%dma_wait3A_66 : memref<32xi32, #tpu.memory_space<hbm>>) dst(%arg7 : memref<32xi32, #tpu.memory_space<vmem>>)
      tpu.yield
    }) : () -> ()
    "tpu.region"() ({
      %run_scoped3A = tpu.sem_alloc : memref<!tpu.dma_semaphore, #tpu.memory_space<semaphore_mem>>
      %dma_start3A_63 = tpu.memref_slice %arg3[%add3A_18] : memref<4096xi32, #tpu.memory_space<hbm>> -> memref<32xi32, #tpu.memory_space<hbm>>
      %dma_start3A_64 = tpu.memref_slice %arg3[%add3A_18] : memref<4096xi32, #tpu.memory_space<hbm>> -> memref<32xi32, #tpu.memory_space<hbm>>
      tpu.enqueue_dma source(%dma_start3A_64 : memref<32xi32, #tpu.memory_space<hbm>>) target(%arg8 : memref<32xi32, #tpu.memory_space<vmem>>) target_semaphore(%run_scoped3A : memref<!tpu.dma_semaphore, #tpu.memory_space<semaphore_mem>>)
      %dma_wait3A_65 = tpu.memref_slice %arg3[%add3A_18] : memref<4096xi32, #tpu.memory_space<hbm>> -> memref<32xi32, #tpu.memory_space<hbm>>
      %dma_wait3A_66 = tpu.memref_slice %arg3[%add3A_18] : memref<4096xi32, #tpu.memory_space<hbm>> -> memref<32xi32, #tpu.memory_space<hbm>>
      tpu.wait_dma2 semaphore(%run_scoped3A : memref<!tpu.dma_semaphore, #tpu.memory_space<semaphore_mem>>) src(%dma_wait3A_66 : memref<32xi32, #tpu.memory_space<hbm>>) dst(%arg8 : memref<32xi32, #tpu.memory_space<vmem>>)
      tpu.yield
    }) : () -> ()
    %dma_start3A_19 = arith.constant 0 : i32
    %dma_start3A_20 = arith.constant 0 : i32
    %dma_start3A_21 = tpu.memref_slice %arg4[%dma_start3A_19, %dma_start3A_20] : memref<12288x1024xf32, #tpu.memory_space<hbm>> -> memref<12288x1024xf32, #tpu.memory_space<hbm>>
    tpu.enqueue_indirect_dma source(%dma_start3A_21 : memref<12288x1024xf32, #tpu.memory_space<hbm>>) target(%arg9 : memref<32x1024xf32, #tpu.memory_space<vmem>>) offsets(%arg7 : memref<32xi32, #tpu.memory_space<vmem>>) semaphore(%arg11 : memref<!tpu.dma_semaphore, #tpu.memory_space<semaphore_mem>>)
    %dma_start3A_22 = arith.constant 0 : i32
    %dma_start3A_23 = arith.constant 0 : i32
    %dma_start3A_24 = tpu.memref_slice %arg4[%dma_start3A_22, %dma_start3A_23] : memref<12288x1024xf32, #tpu.memory_space<hbm>> -> memref<12288x1024xf32, #tpu.memory_space<hbm>>
    tpu.enqueue_indirect_dma source(%dma_start3A_24 : memref<12288x1024xf32, #tpu.memory_space<hbm>>) target(%arg10 : memref<32x1024xf32, #tpu.memory_space<vmem>>) offsets(%arg8 : memref<32xi32, #tpu.memory_space<vmem>>) semaphore(%arg12 : memref<!tpu.dma_semaphore, #tpu.memory_space<semaphore_mem>>)
    %dma_wait3A_25 = arith.constant 0 : i32
    %dma_wait3A_26 = arith.constant 0 : i32
    %dma_wait3A_27 = tpu.memref_slice %arg4[%dma_wait3A_25, %dma_wait3A_26] : memref<12288x1024xf32, #tpu.memory_space<hbm>> -> memref<12288x1024xf32, #tpu.memory_space<hbm>>
    tpu.wait_indirect_dma semaphore(%arg11 : memref<!tpu.dma_semaphore, #tpu.memory_space<semaphore_mem>>) src(%dma_wait3A_27 : memref<12288x1024xf32, #tpu.memory_space<hbm>>) dst(%arg9 : memref<32x1024xf32, #tpu.memory_space<vmem>>)
    %dma_wait3A_28 = arith.constant 0 : i32
    %dma_wait3A_29 = arith.constant 0 : i32
    %dma_wait3A_30 = tpu.memref_slice %arg4[%dma_wait3A_28, %dma_wait3A_29] : memref<12288x1024xf32, #tpu.memory_space<hbm>> -> memref<12288x1024xf32, #tpu.memory_space<hbm>>
    tpu.wait_indirect_dma semaphore(%arg12 : memref<!tpu.dma_semaphore, #tpu.memory_space<semaphore_mem>>) src(%dma_wait3A_30 : memref<12288x1024xf32, #tpu.memory_space<hbm>>) dst(%arg10 : memref<32x1024xf32, #tpu.memory_space<vmem>>)
    "tpu.region"() ({
      %run_scoped3A = tpu.sem_alloc : memref<!tpu.dma_semaphore, #tpu.memory_space<semaphore_mem>>
      %dma_start3A_63 = arith.constant 0 : i32
      %dma_start3A_64 = tpu.memref_slice %arg5[%add3A_18, %dma_start3A_63] : memref<4096x1024xf32, #tpu.memory_space<hbm>> -> memref<32x1024xf32, #tpu.memory_space<hbm>>
      %dma_start3A_65 = arith.constant 0 : i32
      %dma_start3A_66 = tpu.memref_slice %arg5[%add3A_18, %dma_start3A_65] : memref<4096x1024xf32, #tpu.memory_space<hbm>> -> memref<32x1024xf32, #tpu.memory_space<hbm>>
      tpu.enqueue_dma source(%arg9 : memref<32x1024xf32, #tpu.memory_space<vmem>>) target(%dma_start3A_66 : memref<32x1024xf32, #tpu.memory_space<hbm>>) target_semaphore(%run_scoped3A : memref<!tpu.dma_semaphore, #tpu.memory_space<semaphore_mem>>)
      %dma_wait3A_67 = arith.constant 0 : i32
      %dma_wait3A_68 = tpu.memref_slice %arg5[%add3A_18, %dma_wait3A_67] : memref<4096x1024xf32, #tpu.memory_space<hbm>> -> memref<32x1024xf32, #tpu.memory_space<hbm>>
      %dma_wait3A_69 = arith.constant 0 : i32
      %dma_wait3A_70 = tpu.memref_slice %arg5[%add3A_18, %dma_wait3A_69] : memref<4096x1024xf32, #tpu.memory_space<hbm>> -> memref<32x1024xf32, #tpu.memory_space<hbm>>
      tpu.wait_dma2 semaphore(%run_scoped3A : memref<!tpu.dma_semaphore, #tpu.memory_space<semaphore_mem>>) src(%arg9 : memref<32x1024xf32, #tpu.memory_space<vmem>>) dst(%dma_wait3A_70 : memref<32x1024xf32, #tpu.memory_space<hbm>>)
      tpu.yield
    }) : () -> ()
    "tpu.region"() ({
      %run_scoped3A = tpu.sem_alloc : memref<!tpu.dma_semaphore, #tpu.memory_space<semaphore_mem>>
      %dma_start3A_63 = arith.constant 0 : i32
      %dma_start3A_64 = tpu.memref_slice %arg6[%add3A_18, %dma_start3A_63] : memref<4096x1024xf32, #tpu.memory_space<hbm>> -> memref<32x1024xf32, #tpu.memory_space<hbm>>
      %dma_start3A_65 = arith.constant 0 : i32
      %dma_start3A_66 = tpu.memref_slice %arg6[%add3A_18, %dma_start3A_65] : memref<4096x1024xf32, #tpu.memory_space<hbm>> -> memref<32x1024xf32, #tpu.memory_space<hbm>>
      tpu.enqueue_dma source(%arg10 : memref<32x1024xf32, #tpu.memory_space<vmem>>) target(%dma_start3A_66 : memref<32x1024xf32, #tpu.memory_space<hbm>>) target_semaphore(%run_scoped3A : memref<!tpu.dma_semaphore, #tpu.memory_space<semaphore_mem>>)
      %dma_wait3A_67 = arith.constant 0 : i32
      %dma_wait3A_68 = tpu.memref_slice %arg6[%add3A_18, %dma_wait3A_67] : memref<4096x1024xf32, #tpu.memory_space<hbm>> -> memref<32x1024xf32, #tpu.memory_space<hbm>>
      %dma_wait3A_69 = arith.constant 0 : i32
      %dma_wait3A_70 = tpu.memref_slice %arg6[%add3A_18, %dma_wait3A_69] : memref<4096x1024xf32, #tpu.memory_space<hbm>> -> memref<32x1024xf32, #tpu.memory_space<hbm>>
      tpu.wait_dma2 semaphore(%run_scoped3A : memref<!tpu.dma_semaphore, #tpu.memory_space<semaphore_mem>>) src(%arg10 : memref<32x1024xf32, #tpu.memory_space<vmem>>) dst(%dma_wait3A_70 : memref<32x1024xf32, #tpu.memory_space<hbm>>)
      tpu.yield
    }) : () -> ()
    %mul3A_31 = arith.constant 128 : i32
    %mul3A_32 = arith.muli %add3A, %mul3A_31 : i32
    %add3A_33 = arith.constant 64 : i32
    %add3A_34 = arith.addi %mul3A_32, %add3A_33 : i32
    "tpu.region"() ({
      %run_scoped3A = tpu.sem_alloc : memref<!tpu.dma_semaphore, #tpu.memory_space<semaphore_mem>>
      %dma_start3A_63 = tpu.memref_slice %arg2[%add3A_34] : memref<4096xi32, #tpu.memory_space<hbm>> -> memref<32xi32, #tpu.memory_space<hbm>>
      %dma_start3A_64 = tpu.memref_slice %arg2[%add3A_34] : memref<4096xi32, #tpu.memory_space<hbm>> -> memref<32xi32, #tpu.memory_space<hbm>>
      tpu.enqueue_dma source(%dma_start3A_64 : memref<32xi32, #tpu.memory_space<hbm>>) target(%arg7 : memref<32xi32, #tpu.memory_space<vmem>>) target_semaphore(%run_scoped3A : memref<!tpu.dma_semaphore, #tpu.memory_space<semaphore_mem>>)
      %dma_wait3A_65 = tpu.memref_slice %arg2[%add3A_34] : memref<4096xi32, #tpu.memory_space<hbm>> -> memref<32xi32, #tpu.memory_space<hbm>>
      %dma_wait3A_66 = tpu.memref_slice %arg2[%add3A_34] : memref<4096xi32, #tpu.memory_space<hbm>> -> memref<32xi32, #tpu.memory_space<hbm>>
      tpu.wait_dma2 semaphore(%run_scoped3A : memref<!tpu.dma_semaphore, #tpu.memory_space<semaphore_mem>>) src(%dma_wait3A_66 : memref<32xi32, #tpu.memory_space<hbm>>) dst(%arg7 : memref<32xi32, #tpu.memory_space<vmem>>)
      tpu.yield
    }) : () -> ()
    "tpu.region"() ({
      %run_scoped3A = tpu.sem_alloc : memref<!tpu.dma_semaphore, #tpu.memory_space<semaphore_mem>>
      %dma_start3A_63 = tpu.memref_slice %arg3[%add3A_34] : memref<4096xi32, #tpu.memory_space<hbm>> -> memref<32xi32, #tpu.memory_space<hbm>>
      %dma_start3A_64 = tpu.memref_slice %arg3[%add3A_34] : memref<4096xi32, #tpu.memory_space<hbm>> -> memref<32xi32, #tpu.memory_space<hbm>>
      tpu.enqueue_dma source(%dma_start3A_64 : memref<32xi32, #tpu.memory_space<hbm>>) target(%arg8 : memref<32xi32, #tpu.memory_space<vmem>>) target_semaphore(%run_scoped3A : memref<!tpu.dma_semaphore, #tpu.memory_space<semaphore_mem>>)
      %dma_wait3A_65 = tpu.memref_slice %arg3[%add3A_34] : memref<4096xi32, #tpu.memory_space<hbm>> -> memref<32xi32, #tpu.memory_space<hbm>>
      %dma_wait3A_66 = tpu.memref_slice %arg3[%add3A_34] : memref<4096xi32, #tpu.memory_space<hbm>> -> memref<32xi32, #tpu.memory_space<hbm>>
      tpu.wait_dma2 semaphore(%run_scoped3A : memref<!tpu.dma_semaphore, #tpu.memory_space<semaphore_mem>>) src(%dma_wait3A_66 : memref<32xi32, #tpu.memory_space<hbm>>) dst(%arg8 : memref<32xi32, #tpu.memory_space<vmem>>)
      tpu.yield
    }) : () -> ()
    %dma_start3A_35 = arith.constant 0 : i32
    %dma_start3A_36 = arith.constant 0 : i32
    %dma_start3A_37 = tpu.memref_slice %arg4[%dma_start3A_35, %dma_start3A_36] : memref<12288x1024xf32, #tpu.memory_space<hbm>> -> memref<12288x1024xf32, #tpu.memory_space<hbm>>
    tpu.enqueue_indirect_dma source(%dma_start3A_37 : memref<12288x1024xf32, #tpu.memory_space<hbm>>) target(%arg9 : memref<32x1024xf32, #tpu.memory_space<vmem>>) offsets(%arg7 : memref<32xi32, #tpu.memory_space<vmem>>) semaphore(%arg11 : memref<!tpu.dma_semaphore, #tpu.memory_space<semaphore_mem>>)
    %dma_start3A_38 = arith.constant 0 : i32
    %dma_start3A_39 = arith.constant 0 : i32
    %dma_start3A_40 = tpu.memref_slice %arg4[%dma_start3A_38, %dma_start3A_39] : memref<12288x1024xf32, #tpu.memory_space<hbm>> -> memref<12288x1024xf32, #tpu.memory_space<hbm>>
    tpu.enqueue_indirect_dma source(%dma_start3A_40 : memref<12288x1024xf32, #tpu.memory_space<hbm>>) target(%arg10 : memref<32x1024xf32, #tpu.memory_space<vmem>>) offsets(%arg8 : memref<32xi32, #tpu.memory_space<vmem>>) semaphore(%arg12 : memref<!tpu.dma_semaphore, #tpu.memory_space<semaphore_mem>>)
    %dma_wait3A_41 = arith.constant 0 : i32
    %dma_wait3A_42 = arith.constant 0 : i32
    %dma_wait3A_43 = tpu.memref_slice %arg4[%dma_wait3A_41, %dma_wait3A_42] : memref<12288x1024xf32, #tpu.memory_space<hbm>> -> memref<12288x1024xf32, #tpu.memory_space<hbm>>
    tpu.wait_indirect_dma semaphore(%arg11 : memref<!tpu.dma_semaphore, #tpu.memory_space<semaphore_mem>>) src(%dma_wait3A_43 : memref<12288x1024xf32, #tpu.memory_space<hbm>>) dst(%arg9 : memref<32x1024xf32, #tpu.memory_space<vmem>>)
    %dma_wait3A_44 = arith.constant 0 : i32
    %dma_wait3A_45 = arith.constant 0 : i32
    %dma_wait3A_46 = tpu.memref_slice %arg4[%dma_wait3A_44, %dma_wait3A_45] : memref<12288x1024xf32, #tpu.memory_space<hbm>> -> memref<12288x1024xf32, #tpu.memory_space<hbm>>
    tpu.wait_indirect_dma semaphore(%arg12 : memref<!tpu.dma_semaphore, #tpu.memory_space<semaphore_mem>>) src(%dma_wait3A_46 : memref<12288x1024xf32, #tpu.memory_space<hbm>>) dst(%arg10 : memref<32x1024xf32, #tpu.memory_space<vmem>>)
    "tpu.region"() ({
      %run_scoped3A = tpu.sem_alloc : memref<!tpu.dma_semaphore, #tpu.memory_space<semaphore_mem>>
      %dma_start3A_63 = arith.constant 0 : i32
      %dma_start3A_64 = tpu.memref_slice %arg5[%add3A_34, %dma_start3A_63] : memref<4096x1024xf32, #tpu.memory_space<hbm>> -> memref<32x1024xf32, #tpu.memory_space<hbm>>
      %dma_start3A_65 = arith.constant 0 : i32
      %dma_start3A_66 = tpu.memref_slice %arg5[%add3A_34, %dma_start3A_65] : memref<4096x1024xf32, #tpu.memory_space<hbm>> -> memref<32x1024xf32, #tpu.memory_space<hbm>>
      tpu.enqueue_dma source(%arg9 : memref<32x1024xf32, #tpu.memory_space<vmem>>) target(%dma_start3A_66 : memref<32x1024xf32, #tpu.memory_space<hbm>>) target_semaphore(%run_scoped3A : memref<!tpu.dma_semaphore, #tpu.memory_space<semaphore_mem>>)
      %dma_wait3A_67 = arith.constant 0 : i32
      %dma_wait3A_68 = tpu.memref_slice %arg5[%add3A_34, %dma_wait3A_67] : memref<4096x1024xf32, #tpu.memory_space<hbm>> -> memref<32x1024xf32, #tpu.memory_space<hbm>>
      %dma_wait3A_69 = arith.constant 0 : i32
      %dma_wait3A_70 = tpu.memref_slice %arg5[%add3A_34, %dma_wait3A_69] : memref<4096x1024xf32, #tpu.memory_space<hbm>> -> memref<32x1024xf32, #tpu.memory_space<hbm>>
      tpu.wait_dma2 semaphore(%run_scoped3A : memref<!tpu.dma_semaphore, #tpu.memory_space<semaphore_mem>>) src(%arg9 : memref<32x1024xf32, #tpu.memory_space<vmem>>) dst(%dma_wait3A_70 : memref<32x1024xf32, #tpu.memory_space<hbm>>)
      tpu.yield
    }) : () -> ()
    "tpu.region"() ({
      %run_scoped3A = tpu.sem_alloc : memref<!tpu.dma_semaphore, #tpu.memory_space<semaphore_mem>>
      %dma_start3A_63 = arith.constant 0 : i32
      %dma_start3A_64 = tpu.memref_slice %arg6[%add3A_34, %dma_start3A_63] : memref<4096x1024xf32, #tpu.memory_space<hbm>> -> memref<32x1024xf32, #tpu.memory_space<hbm>>
      %dma_start3A_65 = arith.constant 0 : i32
      %dma_start3A_66 = tpu.memref_slice %arg6[%add3A_34, %dma_start3A_65] : memref<4096x1024xf32, #tpu.memory_space<hbm>> -> memref<32x1024xf32, #tpu.memory_space<hbm>>
      tpu.enqueue_dma source(%arg10 : memref<32x1024xf32, #tpu.memory_space<vmem>>) target(%dma_start3A_66 : memref<32x1024xf32, #tpu.memory_space<hbm>>) target_semaphore(%run_scoped3A : memref<!tpu.dma_semaphore, #tpu.memory_space<semaphore_mem>>)
      %dma_wait3A_67 = arith.constant 0 : i32
      %dma_wait3A_68 = tpu.memref_slice %arg6[%add3A_34, %dma_wait3A_67] : memref<4096x1024xf32, #tpu.memory_space<hbm>> -> memref<32x1024xf32, #tpu.memory_space<hbm>>
      %dma_wait3A_69 = arith.constant 0 : i32
      %dma_wait3A_70 = tpu.memref_slice %arg6[%add3A_34, %dma_wait3A_69] : memref<4096x1024xf32, #tpu.memory_space<hbm>> -> memref<32x1024xf32, #tpu.memory_space<hbm>>
      tpu.wait_dma2 semaphore(%run_scoped3A : memref<!tpu.dma_semaphore, #tpu.memory_space<semaphore_mem>>) src(%arg10 : memref<32x1024xf32, #tpu.memory_space<vmem>>) dst(%dma_wait3A_70 : memref<32x1024xf32, #tpu.memory_space<hbm>>)
      tpu.yield
    }) : () -> ()
    %mul3A_47 = arith.constant 128 : i32
    %mul3A_48 = arith.muli %add3A, %mul3A_47 : i32
    %add3A_49 = arith.constant 96 : i32
    %add3A_50 = arith.addi %mul3A_48, %add3A_49 : i32
    "tpu.region"() ({
      %run_scoped3A = tpu.sem_alloc : memref<!tpu.dma_semaphore, #tpu.memory_space<semaphore_mem>>
      %dma_start3A_63 = tpu.memref_slice %arg2[%add3A_50] : memref<4096xi32, #tpu.memory_space<hbm>> -> memref<32xi32, #tpu.memory_space<hbm>>
      %dma_start3A_64 = tpu.memref_slice %arg2[%add3A_50] : memref<4096xi32, #tpu.memory_space<hbm>> -> memref<32xi32, #tpu.memory_space<hbm>>
      tpu.enqueue_dma source(%dma_start3A_64 : memref<32xi32, #tpu.memory_space<hbm>>) target(%arg7 : memref<32xi32, #tpu.memory_space<vmem>>) target_semaphore(%run_scoped3A : memref<!tpu.dma_semaphore, #tpu.memory_space<semaphore_mem>>)
      %dma_wait3A_65 = tpu.memref_slice %arg2[%add3A_50] : memref<4096xi32, #tpu.memory_space<hbm>> -> memref<32xi32, #tpu.memory_space<hbm>>
      %dma_wait3A_66 = tpu.memref_slice %arg2[%add3A_50] : memref<4096xi32, #tpu.memory_space<hbm>> -> memref<32xi32, #tpu.memory_space<hbm>>
      tpu.wait_dma2 semaphore(%run_scoped3A : memref<!tpu.dma_semaphore, #tpu.memory_space<semaphore_mem>>) src(%dma_wait3A_66 : memref<32xi32, #tpu.memory_space<hbm>>) dst(%arg7 : memref<32xi32, #tpu.memory_space<vmem>>)
      tpu.yield
    }) : () -> ()
    "tpu.region"() ({
      %run_scoped3A = tpu.sem_alloc : memref<!tpu.dma_semaphore, #tpu.memory_space<semaphore_mem>>
      %dma_start3A_63 = tpu.memref_slice %arg3[%add3A_50] : memref<4096xi32, #tpu.memory_space<hbm>> -> memref<32xi32, #tpu.memory_space<hbm>>
      %dma_start3A_64 = tpu.memref_slice %arg3[%add3A_50] : memref<4096xi32, #tpu.memory_space<hbm>> -> memref<32xi32, #tpu.memory_space<hbm>>
      tpu.enqueue_dma source(%dma_start3A_64 : memref<32xi32, #tpu.memory_space<hbm>>) target(%arg8 : memref<32xi32, #tpu.memory_space<vmem>>) target_semaphore(%run_scoped3A : memref<!tpu.dma_semaphore, #tpu.memory_space<semaphore_mem>>)
      %dma_wait3A_65 = tpu.memref_slice %arg3[%add3A_50] : memref<4096xi32, #tpu.memory_space<hbm>> -> memref<32xi32, #tpu.memory_space<hbm>>
      %dma_wait3A_66 = tpu.memref_slice %arg3[%add3A_50] : memref<4096xi32, #tpu.memory_space<hbm>> -> memref<32xi32, #tpu.memory_space<hbm>>
      tpu.wait_dma2 semaphore(%run_scoped3A : memref<!tpu.dma_semaphore, #tpu.memory_space<semaphore_mem>>) src(%dma_wait3A_66 : memref<32xi32, #tpu.memory_space<hbm>>) dst(%arg8 : memref<32xi32, #tpu.memory_space<vmem>>)
      tpu.yield
    }) : () -> ()
    %dma_start3A_51 = arith.constant 0 : i32
    %dma_start3A_52 = arith.constant 0 : i32
    %dma_start3A_53 = tpu.memref_slice %arg4[%dma_start3A_51, %dma_start3A_52] : memref<12288x1024xf32, #tpu.memory_space<hbm>> -> memref<12288x1024xf32, #tpu.memory_space<hbm>>
    tpu.enqueue_indirect_dma source(%dma_start3A_53 : memref<12288x1024xf32, #tpu.memory_space<hbm>>) target(%arg9 : memref<32x1024xf32, #tpu.memory_space<vmem>>) offsets(%arg7 : memref<32xi32, #tpu.memory_space<vmem>>) semaphore(%arg11 : memref<!tpu.dma_semaphore, #tpu.memory_space<semaphore_mem>>)
    %dma_start3A_54 = arith.constant 0 : i32
    %dma_start3A_55 = arith.constant 0 : i32
    %dma_start3A_56 = tpu.memref_slice %arg4[%dma_start3A_54, %dma_start3A_55] : memref<12288x1024xf32, #tpu.memory_space<hbm>> -> memref<12288x1024xf32, #tpu.memory_space<hbm>>
    tpu.enqueue_indirect_dma source(%dma_start3A_56 : memref<12288x1024xf32, #tpu.memory_space<hbm>>) target(%arg10 : memref<32x1024xf32, #tpu.memory_space<vmem>>) offsets(%arg8 : memref<32xi32, #tpu.memory_space<vmem>>) semaphore(%arg12 : memref<!tpu.dma_semaphore, #tpu.memory_space<semaphore_mem>>)
    %dma_wait3A_57 = arith.constant 0 : i32
    %dma_wait3A_58 = arith.constant 0 : i32
    %dma_wait3A_59 = tpu.memref_slice %arg4[%dma_wait3A_57, %dma_wait3A_58] : memref<12288x1024xf32, #tpu.memory_space<hbm>> -> memref<12288x1024xf32, #tpu.memory_space<hbm>>
    tpu.wait_indirect_dma semaphore(%arg11 : memref<!tpu.dma_semaphore, #tpu.memory_space<semaphore_mem>>) src(%dma_wait3A_59 : memref<12288x1024xf32, #tpu.memory_space<hbm>>) dst(%arg9 : memref<32x1024xf32, #tpu.memory_space<vmem>>)
    %dma_wait3A_60 = arith.constant 0 : i32
    %dma_wait3A_61 = arith.constant 0 : i32
    %dma_wait3A_62 = tpu.memref_slice %arg4[%dma_wait3A_60, %dma_wait3A_61] : memref<12288x1024xf32, #tpu.memory_space<hbm>> -> memref<12288x1024xf32, #tpu.memory_space<hbm>>
    tpu.wait_indirect_dma semaphore(%arg12 : memref<!tpu.dma_semaphore, #tpu.memory_space<semaphore_mem>>) src(%dma_wait3A_62 : memref<12288x1024xf32, #tpu.memory_space<hbm>>) dst(%arg10 : memref<32x1024xf32, #tpu.memory_space<vmem>>)
    "tpu.region"() ({
      %run_scoped3A = tpu.sem_alloc : memref<!tpu.dma_semaphore, #tpu.memory_space<semaphore_mem>>
      %dma_start3A_63 = arith.constant 0 : i32
      %dma_start3A_64 = tpu.memref_slice %arg5[%add3A_50, %dma_start3A_63] : memref<4096x1024xf32, #tpu.memory_space<hbm>> -> memref<32x1024xf32, #tpu.memory_space<hbm>>
      %dma_start3A_65 = arith.constant 0 : i32
      %dma_start3A_66 = tpu.memref_slice %arg5[%add3A_50, %dma_start3A_65] : memref<4096x1024xf32, #tpu.memory_space<hbm>> -> memref<32x1024xf32, #tpu.memory_space<hbm>>
      tpu.enqueue_dma source(%arg9 : memref<32x1024xf32, #tpu.memory_space<vmem>>) target(%dma_start3A_66 : memref<32x1024xf32, #tpu.memory_space<hbm>>) target_semaphore(%run_scoped3A : memref<!tpu.dma_semaphore, #tpu.memory_space<semaphore_mem>>)
      %dma_wait3A_67 = arith.constant 0 : i32
      %dma_wait3A_68 = tpu.memref_slice %arg5[%add3A_50, %dma_wait3A_67] : memref<4096x1024xf32, #tpu.memory_space<hbm>> -> memref<32x1024xf32, #tpu.memory_space<hbm>>
      %dma_wait3A_69 = arith.constant 0 : i32
      %dma_wait3A_70 = tpu.memref_slice %arg5[%add3A_50, %dma_wait3A_69] : memref<4096x1024xf32, #tpu.memory_space<hbm>> -> memref<32x1024xf32, #tpu.memory_space<hbm>>
      tpu.wait_dma2 semaphore(%run_scoped3A : memref<!tpu.dma_semaphore, #tpu.memory_space<semaphore_mem>>) src(%arg9 : memref<32x1024xf32, #tpu.memory_space<vmem>>) dst(%dma_wait3A_70 : memref<32x1024xf32, #tpu.memory_space<hbm>>)
      tpu.yield
    }) : () -> ()
    "tpu.region"() ({
      %run_scoped3A = tpu.sem_alloc : memref<!tpu.dma_semaphore, #tpu.memory_space<semaphore_mem>>
      %dma_start3A_63 = arith.constant 0 : i32
      %dma_start3A_64 = tpu.memref_slice %arg6[%add3A_50, %dma_start3A_63] : memref<4096x1024xf32, #tpu.memory_space<hbm>> -> memref<32x1024xf32, #tpu.memory_space<hbm>>
      %dma_start3A_65 = arith.constant 0 : i32
      %dma_start3A_66 = tpu.memref_slice %arg6[%add3A_50, %dma_start3A_65] : memref<4096x1024xf32, #tpu.memory_space<hbm>> -> memref<32x1024xf32, #tpu.memory_space<hbm>>
      tpu.enqueue_dma source(%arg10 : memref<32x1024xf32, #tpu.memory_space<vmem>>) target(%dma_start3A_66 : memref<32x1024xf32, #tpu.memory_space<hbm>>) target_semaphore(%run_scoped3A : memref<!tpu.dma_semaphore, #tpu.memory_space<semaphore_mem>>)
      %dma_wait3A_67 = arith.constant 0 : i32
      %dma_wait3A_68 = tpu.memref_slice %arg6[%add3A_50, %dma_wait3A_67] : memref<4096x1024xf32, #tpu.memory_space<hbm>> -> memref<32x1024xf32, #tpu.memory_space<hbm>>
      %dma_wait3A_69 = arith.constant 0 : i32
      %dma_wait3A_70 = tpu.memref_slice %arg6[%add3A_50, %dma_wait3A_69] : memref<4096x1024xf32, #tpu.memory_space<hbm>> -> memref<32x1024xf32, #tpu.memory_space<hbm>>
      tpu.wait_dma2 semaphore(%run_scoped3A : memref<!tpu.dma_semaphore, #tpu.memory_space<semaphore_mem>>) src(%arg10 : memref<32x1024xf32, #tpu.memory_space<vmem>>) dst(%dma_wait3A_70 : memref<32x1024xf32, #tpu.memory_space<hbm>>)
      tpu.yield
    }) : () -> ()
    return
  }
}

module attributes {stable_mosaic.version = 14 : i64} {
  func.func @_expert_body(%arg0: i32, %arg1: memref<24xi32, #tpu.memory_space<smem>>, %arg2: memref<512x1024xf32, #tpu.memory_space<vmem>>, %arg3: memref<8x512x1024xf32, #tpu.memory_space<vmem>>, %arg4: memref<8x1024x512xf32, #tpu.memory_space<vmem>>, %arg5: memref<512x1024xf32, #tpu.memory_space<vmem>>) attributes {dimension_semantics = [#tpu.dimension_semantics<arbitrary>], iteration_bounds = array<i64: 24>, scalar_prefetch = 1 : i64, scratch_operands = 0 : i64, tpu.core_type = #tpu.core_type<tc>, window_params = [{transform_indices = @transform_0, window_bounds = array<i64: 512, 1024>}, {pipeline_mode = #tpu.pipeline_mode<synchronous>, transform_indices = @transform_1, window_bounds = array<i64: 8, 512, 1024>}, {pipeline_mode = #tpu.pipeline_mode<synchronous>, transform_indices = @transform_2, window_bounds = array<i64: 8, 1024, 512>}, {transform_indices = @transform_3, window_bounds = array<i64: 512, 1024>}]} {
    %get3A = arith.index_cast %arg0 : i32 to index
    %get3A_0 = memref.load %arg1[%get3A] : memref<24xi32, #tpu.memory_space<smem>>
    %get3A_1 = arith.constant 0 : index
    %get3A_2 = arith.constant 0 : index
    %get3A_3 = vector.load %arg2[%get3A_1, %get3A_2] : memref<512x1024xf32, #tpu.memory_space<vmem>>, vector<512x1024xf32>
    %get3A_4 = arith.index_cast %get3A_0 : i32 to index
    %get3A_5 = arith.constant 0 : index
    %get3A_6 = arith.constant 0 : index
    %get3A_7 = vector.load %arg3[%get3A_4, %get3A_5, %get3A_6] : memref<8x512x1024xf32, #tpu.memory_space<vmem>>, vector<1x512x1024xf32>
    %squeeze3A = vector.shape_cast %get3A_7 : vector<1x512x1024xf32> to vector<512x1024xf32>
    %get3A_8 = arith.index_cast %get3A_0 : i32 to index
    %get3A_9 = arith.constant 0 : index
    %get3A_10 = arith.constant 0 : index
    %get3A_11 = vector.load %arg4[%get3A_8, %get3A_9, %get3A_10] : memref<8x1024x512xf32, #tpu.memory_space<vmem>>, vector<1x1024x512xf32>
    %squeeze3A_12 = vector.shape_cast %get3A_11 : vector<1x1024x512xf32> to vector<1024x512xf32>
    %dot_general3A = arith.constant dense<0.000000e+00> : vector<512x512xf32>
    %dot_general3A_13 = tpu.matmul %get3A_3, %squeeze3A, %dot_general3A {dimension_numbers = #tpu.dot_dimension_numbers<[1], [1], [0], [0], [0, 0, 1, 0], [], []>, transpose_lhs_hint = false} : vector<512x1024xf32>, vector<512x1024xf32>, vector<512x512xf32> -> vector<512x512xf32>
    %neg3A = arith.constant 0.000000e+00 : f32
    %neg3A_14 = vector.broadcast %neg3A : f32 to vector<512x512xf32>
    %neg3A_15 = arith.subf %neg3A_14, %dot_general3A_13 : vector<512x512xf32>
    %exp3A = math.exp %neg3A_15 : vector<512x512xf32>
    %add3A = arith.constant 1.000000e+00 : f32
    %add3A_16 = vector.broadcast %add3A : f32 to vector<512x512xf32>
    %add3A_17 = arith.addf %add3A_16, %exp3A : vector<512x512xf32>
    %div3A = arith.constant 1.000000e+00 : f32
    %div3A_18 = vector.broadcast %div3A : f32 to vector<512x512xf32>
    %div3A_19 = arith.divf %div3A_18, %add3A_17 : vector<512x512xf32>
    %mul3A = arith.mulf %dot_general3A_13, %div3A_19 : vector<512x512xf32>
    %dot_general3A_20 = arith.constant dense<0.000000e+00> : vector<512x1024xf32>
    %dot_general3A_21 = tpu.matmul %mul3A, %squeeze3A_12, %dot_general3A_20 {dimension_numbers = #tpu.dot_dimension_numbers<[1], [1], [0], [0], [0, 0, 1, 0], [], []>, transpose_lhs_hint = false} : vector<512x512xf32>, vector<1024x512xf32>, vector<512x1024xf32> -> vector<512x1024xf32>
    %swap3A = arith.constant 0 : index
    %swap3A_22 = arith.constant 0 : index
    %swap3A_23 = vector.load %arg5[%swap3A, %swap3A_22] : memref<512x1024xf32, #tpu.memory_space<vmem>>, vector<512x1024xf32>
    tpu.vector_store %arg5[%swap3A, %swap3A_22], %dot_general3A_21 {strides = array<i32>} : memref<512x1024xf32, #tpu.memory_space<vmem>>, vector<512x1024xf32>,
    return
  }
  func.func @transform_0(%arg0: i32, %arg1: memref<24xi32, #tpu.memory_space<smem>>) -> (i32, i32) {
    %c0_i32 = arith.constant 0 : i32
    %c0_i32_0 = arith.constant 0 : i32
    return %arg0, %c0_i32 : i32, i32
  }
  func.func @transform_1(%arg0: i32, %arg1: memref<24xi32, #tpu.memory_space<smem>>) -> (i32, i32, i32) {
    %c0_i32 = arith.constant 0 : i32
    %c0_i32_0 = arith.constant 0 : i32
    %c0_i32_1 = arith.constant 0 : i32
    %c0_i32_2 = arith.constant 0 : i32
    return %c0_i32, %c0_i32_0, %c0_i32_1 : i32, i32, i32
  }
  func.func @transform_2(%arg0: i32, %arg1: memref<24xi32, #tpu.memory_space<smem>>) -> (i32, i32, i32) {
    %c0_i32 = arith.constant 0 : i32
    %c0_i32_0 = arith.constant 0 : i32
    %c0_i32_1 = arith.constant 0 : i32
    %c0_i32_2 = arith.constant 0 : i32
    return %c0_i32, %c0_i32_0, %c0_i32_1 : i32, i32, i32
  }
  func.func @transform_3(%arg0: i32, %arg1: memref<24xi32, #tpu.memory_space<smem>>) -> (i32, i32) {
    %c0_i32 = arith.constant 0 : i32
    %c0_i32_0 = arith.constant 0 : i32
    return %arg0, %c0_i32 : i32, i32
  }
}

module attributes {stable_mosaic.version = 14 : i64} {
  func.func @_shared_body(%arg0: i32, %arg1: memref<512x1024xf32, #tpu.memory_space<vmem>>, %arg2: memref<1024x1024xf32, #tpu.memory_space<vmem>>, %arg3: memref<1024x1024xf32, #tpu.memory_space<vmem>>, %arg4: memref<512x1024xf32, #tpu.memory_space<vmem>>, %arg5: memref<512x1024xf32, #tpu.memory_space<vmem>>, %arg6: memref<512x2xf32, #tpu.memory_space<vmem>>, %arg7: memref<512x1024xf32, #tpu.memory_space<vmem>>) attributes {dimension_semantics = [#tpu.dimension_semantics<arbitrary>], iteration_bounds = array<i64: 8>, scalar_prefetch = 0 : i64, scratch_operands = 0 : i64, tpu.core_type = #tpu.core_type<tc>, window_params = [{transform_indices = @transform_0, window_bounds = array<i64: 512, 1024>}, {pipeline_mode = #tpu.pipeline_mode<synchronous>, transform_indices = @transform_1, window_bounds = array<i64: 1024, 1024>}, {pipeline_mode = #tpu.pipeline_mode<synchronous>, transform_indices = @transform_2, window_bounds = array<i64: 1024, 1024>}, {transform_indices = @transform_3, window_bounds = array<i64: 512, 1024>}, {transform_indices = @transform_4, window_bounds = array<i64: 512, 1024>}, {transform_indices = @transform_5, window_bounds = array<i64: 512, 2>}, {transform_indices = @transform_6, window_bounds = array<i64: 512, 1024>}]} {
    %get3A = arith.constant 0 : index
    %get3A_0 = arith.constant 0 : index
    %get3A_1 = vector.load %arg1[%get3A, %get3A_0] : memref<512x1024xf32, #tpu.memory_space<vmem>>, vector<512x1024xf32>
    %get3A_2 = arith.constant 0 : index
    %get3A_3 = arith.constant 0 : index
    %get3A_4 = vector.load %arg2[%get3A_2, %get3A_3] : memref<1024x1024xf32, #tpu.memory_space<vmem>>, vector<1024x1024xf32>
    %dot_general3A = arith.constant dense<0.000000e+00> : vector<512x1024xf32>
    %dot_general3A_5 = tpu.matmul %get3A_1, %get3A_4, %dot_general3A {dimension_numbers = #tpu.dot_dimension_numbers<[1], [1], [0], [0], [0, 0, 1, 0], [], []>, transpose_lhs_hint = false} : vector<512x1024xf32>, vector<1024x1024xf32>, vector<512x1024xf32> -> vector<512x1024xf32>
    %neg3A = arith.constant 0.000000e+00 : f32
    %neg3A_6 = vector.broadcast %neg3A : f32 to vector<512x1024xf32>
    %neg3A_7 = arith.subf %neg3A_6, %dot_general3A_5 : vector<512x1024xf32>
    %exp3A = math.exp %neg3A_7 : vector<512x1024xf32>
    %add3A = arith.constant 1.000000e+00 : f32
    %add3A_8 = vector.broadcast %add3A : f32 to vector<512x1024xf32>
    %add3A_9 = arith.addf %add3A_8, %exp3A : vector<512x1024xf32>
    %div3A = arith.constant 1.000000e+00 : f32
    %div3A_10 = vector.broadcast %div3A : f32 to vector<512x1024xf32>
    %div3A_11 = arith.divf %div3A_10, %add3A_9 : vector<512x1024xf32>
    %mul3A = arith.mulf %dot_general3A_5, %div3A_11 : vector<512x1024xf32>
    %get3A_12 = arith.constant 0 : index
    %get3A_13 = arith.constant 0 : index
    %get3A_14 = vector.load %arg3[%get3A_12, %get3A_13] : memref<1024x1024xf32, #tpu.memory_space<vmem>>, vector<1024x1024xf32>
    %dot_general3A_15 = arith.constant dense<0.000000e+00> : vector<512x1024xf32>
    %dot_general3A_16 = tpu.matmul %mul3A, %get3A_14, %dot_general3A_15 {dimension_numbers = #tpu.dot_dimension_numbers<[1], [1], [0], [0], [0, 0, 1, 0], [], []>, transpose_lhs_hint = false} : vector<512x1024xf32>, vector<1024x1024xf32>, vector<512x1024xf32> -> vector<512x1024xf32>
    %get3A_17 = arith.constant 0 : index
    %get3A_18 = arith.constant 0 : index
    %get3A_19 = vector.load %arg6[%get3A_17, %get3A_18] : memref<512x2xf32, #tpu.memory_space<vmem>>, vector<512x2xf32>
    %slice3A = vector.extract_strided_slice %get3A_19 {offsets = [0, 0], sizes = [512, 1], strides = [1, 1]} : vector<512x2xf32> to vector<512x1xf32>
    %get3A_20 = arith.constant 0 : index
    %get3A_21 = arith.constant 0 : index
    %get3A_22 = vector.load %arg4[%get3A_20, %get3A_21] : memref<512x1024xf32, #tpu.memory_space<vmem>>, vector<512x1024xf32>
    %mul3A_23 = vector.broadcast %slice3A : vector<512x1xf32> to vector<512x1024xf32>
    %mul3A_24 = arith.mulf %mul3A_23, %get3A_22 : vector<512x1024xf32>
    %add3A_25 = arith.addf %dot_general3A_16, %mul3A_24 : vector<512x1024xf32>
    %slice3A_26 = vector.extract_strided_slice %get3A_19 {offsets = [0, 1], sizes = [512, 1], strides = [1, 1]} : vector<512x2xf32> to vector<512x1xf32>
    %get3A_27 = arith.constant 0 : index
    %get3A_28 = arith.constant 0 : index
    %get3A_29 = vector.load %arg5[%get3A_27, %get3A_28] : memref<512x1024xf32, #tpu.memory_space<vmem>>, vector<512x1024xf32>
    %mul3A_30 = vector.broadcast %slice3A_26 : vector<512x1xf32> to vector<512x1024xf32>
    %mul3A_31 = arith.mulf %mul3A_30, %get3A_29 : vector<512x1024xf32>
    %add3A_32 = arith.addf %add3A_25, %mul3A_31 : vector<512x1024xf32>
    %swap3A = arith.constant 0 : index
    %swap3A_33 = arith.constant 0 : index
    %swap3A_34 = vector.load %arg7[%swap3A, %swap3A_33] : memref<512x1024xf32, #tpu.memory_space<vmem>>, vector<512x1024xf32>
    tpu.vector_store %arg7[%swap3A, %swap3A_33], %add3A_32 {strides = array<i32>} : memref<512x1024xf32, #tpu.memory_space<vmem>>, vector<512x1024xf32>,
    return
  }
  func.func @transform_0(%arg0: i32) -> (i32, i32) {
    %c0_i32 = arith.constant 0 : i32
    %c0_i32_0 = arith.constant 0 : i32
    return %arg0, %c0_i32 : i32, i32
  }
  func.func @transform_1(%arg0: i32) -> (i32, i32) {
    %c0_i32 = arith.constant 0 : i32
    %c0_i32_0 = arith.constant 0 : i32
    %c0_i32_1 = arith.constant 0 : i32
    return %c0_i32, %c0_i32_0 : i32, i32
  }
  func.func @transform_2(%arg0: i32) -> (i32, i32) {
    %c0_i32 = arith.constant 0 : i32
    %c0_i32_0 = arith.constant 0 : i32
    %c0_i32_1 = arith.constant 0 : i32
    return %c0_i32, %c0_i32_0 : i32, i32
  }
  func.func @transform_3(%arg0: i32) -> (i32, i32) {
    %c0_i32 = arith.constant 0 : i32
    %c0_i32_0 = arith.constant 0 : i32
    return %arg0, %c0_i32 : i32, i32
  }
  func.func @transform_4(%arg0: i32) -> (i32, i32) {
    %c0_i32 = arith.constant 0 : i32
    %c0_i32_0 = arith.constant 0 : i32
    return %arg0, %c0_i32 : i32, i32
  }
  func.func @transform_5(%arg0: i32) -> (i32, i32) {
    %c0_i32 = arith.constant 0 : i32
    %c0_i32_0 = arith.constant 0 : i32
    return %arg0, %c0_i32 : i32, i32
  }
  func.func @transform_6(%arg0: i32) -> (i32, i32) {
    %c0_i32 = arith.constant 0 : i32
    %c0_i32_0 = arith.constant 0 : i32
    return %arg0, %c0_i32 : i32, i32
  }
}

module attributes {stable_mosaic.version = 14 : i64} {
  func.func @_route_body(%arg0: i32, %arg1: memref<4096x1024xf32, #tpu.memory_space<vmem>>, %arg2: memref<8x1024xf32, #tpu.memory_space<vmem>>, %arg3: memref<1x8xf32, #tpu.memory_space<vmem>>, %arg4: memref<4096x2xi32, #tpu.memory_space<vmem>>, %arg5: memref<4096x2xf32, #tpu.memory_space<vmem>>, %arg6: memref<1x24xi32, #tpu.memory_space<vmem>>) attributes {dimension_semantics = [#tpu.dimension_semantics<arbitrary>], iteration_bounds = array<i64: 1>, scalar_prefetch = 0 : i64, scratch_operands = 0 : i64, tpu.core_type = #tpu.core_type<tc>, window_params = [{pipeline_mode = #tpu.pipeline_mode<synchronous>, transform_indices = @transform_0, window_bounds = array<i64: 4096, 1024>}, {pipeline_mode = #tpu.pipeline_mode<synchronous>, transform_indices = @transform_1, window_bounds = array<i64: 8, 1024>}, {pipeline_mode = #tpu.pipeline_mode<synchronous>, transform_indices = @transform_2, window_bounds = array<i64: 1, 8>}, {pipeline_mode = #tpu.pipeline_mode<synchronous>, transform_indices = @transform_3, window_bounds = array<i64: 4096, 2>}, {pipeline_mode = #tpu.pipeline_mode<synchronous>, transform_indices = @transform_4, window_bounds = array<i64: 4096, 2>}, {pipeline_mode = #tpu.pipeline_mode<synchronous>, transform_indices = @transform_5, window_bounds = array<i64: 1, 24>}]} {
    %get3A = arith.constant 0 : index
    %get3A_0 = arith.constant 0 : index
    %get3A_1 = vector.load %arg1[%get3A, %get3A_0] : memref<4096x1024xf32, #tpu.memory_space<vmem>>, vector<4096x1024xf32>
    %convert_element_type3A = arith.truncf %get3A_1 : vector<4096x1024xf32> to vector<4096x1024xbf16>
    %get3A_2 = arith.constant 0 : index
    %get3A_3 = arith.constant 0 : index
    %get3A_4 = vector.load %arg2[%get3A_2, %get3A_3] : memref<8x1024xf32, #tpu.memory_space<vmem>>, vector<8x1024xf32>
    %get3A_5 = arith.constant 0 : index
    %get3A_6 = arith.constant 0 : index
    %get3A_7 = vector.load %arg3[%get3A_5, %get3A_6] : memref<1x8xf32, #tpu.memory_space<vmem>>, vector<1x8xf32>
    %convert_element_type3A_8 = arith.truncf %get3A_4 : vector<8x1024xf32> to vector<8x1024xbf16>
    %dot_general3A = arith.constant dense<0.000000e+00> : vector<4096x8xf32>
    %dot_general3A_9 = tpu.matmul %convert_element_type3A, %convert_element_type3A_8, %dot_general3A {dimension_numbers = #tpu.dot_dimension_numbers<[1], [1], [0], [0], [0, 0, 1, 0], [], []>, transpose_lhs_hint = false} : vector<4096x1024xbf16>, vector<8x1024xbf16>, vector<4096x8xf32> -> vector<4096x8xf32>
    %neg3A = arith.constant 0.000000e+00 : f32
    %neg3A_10 = vector.broadcast %neg3A : f32 to vector<4096x8xf32>
    %neg3A_11 = arith.subf %neg3A_10, %dot_general3A_9 : vector<4096x8xf32>
    %exp3A = math.exp %neg3A_11 : vector<4096x8xf32>
    %add3A = arith.constant 1.000000e+00 : f32
    %add3A_12 = vector.broadcast %add3A : f32 to vector<4096x8xf32>
    %add3A_13 = arith.addf %add3A_12, %exp3A : vector<4096x8xf32>
    %div3A = arith.constant 1.000000e+00 : f32
    %div3A_14 = vector.broadcast %div3A : f32 to vector<4096x8xf32>
    %div3A_15 = arith.divf %div3A_14, %add3A_13 : vector<4096x8xf32>
    %add3A_16 = vector.broadcast %get3A_7 : vector<1x8xf32> to vector<4096x8xf32>
    %add3A_17 = arith.addf %div3A_15, %add3A_16 : vector<4096x8xf32>
    %iota3A = tpu.iota {dimensions = array<i32: 1>} : vector<4096x8xi32>
    %jit3A = arith.constant 2 : i32
    %div3A_18 = vector.broadcast %jit3A : i32 to vector<4096x8xi32>
    %div3A_19 = arith.divsi %iota3A, %div3A_18 : vector<4096x8xi32>
    %sign3A = arith.constant 0 : i32
    %sign3A_20 = vector.broadcast %sign3A : i32 to vector<4096x8xi32>
    %sign3A_21 = arith.cmpi sgt, %iota3A, %sign3A_20 : vector<4096x8xi32>
    %sign3A_22 = arith.extui %sign3A_21 : vector<4096x8xi1> to vector<4096x8xi32>
    %sign3A_23 = arith.constant 0 : i32
    %sign3A_24 = vector.broadcast %sign3A_23 : i32 to vector<4096x8xi32>
    %sign3A_25 = arith.cmpi slt, %iota3A, %sign3A_24 : vector<4096x8xi32>
    %sign3A_26 = arith.extui %sign3A_25 : vector<4096x8xi1> to vector<4096x8xi32>
    %sign3A_27 = arith.subi %sign3A_22, %sign3A_26 : vector<4096x8xi32>
    %sign3A_28 = arith.constant 0 : i32
    %sign3A_29 = arith.cmpi sgt, %jit3A, %sign3A_28 : i32
    %sign3A_30 = arith.extui %sign3A_29 : i1 to i32
    %sign3A_31 = arith.constant 0 : i32
    %sign3A_32 = arith.cmpi slt, %jit3A, %sign3A_31 : i32
    %sign3A_33 = arith.extui %sign3A_32 : i1 to i32
    %sign3A_34 = arith.subi %sign3A_30, %sign3A_33 : i32
    %ne3A = vector.broadcast %sign3A_34 : i32 to vector<4096x8xi32>
    %ne3A_35 = arith.cmpi ne, %sign3A_27, %ne3A : vector<4096x8xi32>
    %rem3A = vector.broadcast %jit3A : i32 to vector<4096x8xi32>
    %rem3A_36 = arith.remsi %iota3A, %rem3A : vector<4096x8xi32>
    %ne3A_37 = arith.constant 0 : i32
    %ne3A_38 = vector.broadcast %ne3A_37 : i32 to vector<4096x8xi32>
    %ne3A_39 = arith.cmpi ne, %rem3A_36, %ne3A_38 : vector<4096x8xi32>
    %and3A = arith.andi %ne3A_35, %ne3A_39 : vector<4096x8xi1>
    %sub3A = arith.constant 1 : i32
    %sub3A_40 = vector.broadcast %sub3A : i32 to vector<4096x8xi32>
    %sub3A_41 = arith.subi %div3A_19, %sub3A_40 : vector<4096x8xi32>
    %select_n3A = arith.select %and3A, %sub3A_41, %div3A_19 : vector<4096x8xi1>, vector<4096x8xi32>
    %broadcast_in_dim3A = arith.constant 0.000000e+00 : f32
    %broadcast_in_dim3A_42 = vector.broadcast %broadcast_in_dim3A : f32 to vector<4096x8xf32>
    %eq3A = arith.constant 0 : i32
    %eq3A_43 = vector.broadcast %eq3A : i32 to vector<4096x8xi32>
    %eq3A_44 = arith.cmpi eq, %select_n3A, %eq3A_43 : vector<4096x8xi32>
    %jit3A_45 = arith.constant 0.000000e+00 : f32
    %broadcast_in_dim3A_46 = vector.broadcast %jit3A_45 : f32 to vector<4096x8xf32>
    %select_n3A_47 = arith.select %eq3A_44, %add3A_17, %broadcast_in_dim3A_46 : vector<4096x8xi1>, vector<4096x8xf32>
    %reduce_sum3A = arith.constant dense<0.000000e+00> : vector<4096xf32>
    %reduce_sum3A_48 = vector.multi_reduction <add>, %select_n3A_47, %reduce_sum3A [1] : vector<4096x8xf32> to vector<4096xf32>
    %broadcast_in_dim3A_49 = vector.shape_cast %reduce_sum3A_48 : vector<4096xf32> to vector<4096x1xf32>
    %eq3A_50 = arith.constant 0 : i32
    %eq3A_51 = vector.broadcast %eq3A_50 : i32 to vector<4096x8xi32>
    %eq3A_52 = arith.cmpi eq, %select_n3A, %eq3A_51 : vector<4096x8xi32>
    %broadcast_in_dim3A_53 = vector.shape_cast %broadcast_in_dim3A_49 : vector<4096x1xf32> to vector<4096x1xf32>
    %broadcast_in_dim3A_54 = vector.broadcast %broadcast_in_dim3A_53 : vector<4096x1xf32> to vector<4096x8xf32>
    %select_n3A_55 = arith.select %eq3A_52, %broadcast_in_dim3A_54, %broadcast_in_dim3A_42 : vector<4096x8xi1>, vector<4096x8xf32>
    %eq3A_56 = arith.constant 1 : i32
    %eq3A_57 = vector.broadcast %eq3A_56 : i32 to vector<4096x8xi32>
    %eq3A_58 = arith.cmpi eq, %select_n3A, %eq3A_57 : vector<4096x8xi32>
    %jit3A_59 = arith.constant 0.000000e+00 : f32
    %broadcast_in_dim3A_60 = vector.broadcast %jit3A_59 : f32 to vector<4096x8xf32>
    %select_n3A_61 = arith.select %eq3A_58, %add3A_17, %broadcast_in_dim3A_60 : vector<4096x8xi1>, vector<4096x8xf32>
    %reduce_sum3A_62 = arith.constant dense<0.000000e+00> : vector<4096xf32>
    %reduce_sum3A_63 = vector.multi_reduction <add>, %select_n3A_61, %reduce_sum3A_62 [1] : vector<4096x8xf32> to vector<4096xf32>
    %broadcast_in_dim3A_64 = vector.shape_cast %reduce_sum3A_63 : vector<4096xf32> to vector<4096x1xf32>
    %eq3A_65 = arith.constant 1 : i32
    %eq3A_66 = vector.broadcast %eq3A_65 : i32 to vector<4096x8xi32>
    %eq3A_67 = arith.cmpi eq, %select_n3A, %eq3A_66 : vector<4096x8xi32>
    %broadcast_in_dim3A_68 = vector.shape_cast %broadcast_in_dim3A_64 : vector<4096x1xf32> to vector<4096x1xf32>
    %broadcast_in_dim3A_69 = vector.broadcast %broadcast_in_dim3A_68 : vector<4096x1xf32> to vector<4096x8xf32>
    %select_n3A_70 = arith.select %eq3A_67, %broadcast_in_dim3A_69, %select_n3A_55 : vector<4096x8xi1>, vector<4096x8xf32>
    %eq3A_71 = arith.constant 2 : i32
    %eq3A_72 = vector.broadcast %eq3A_71 : i32 to vector<4096x8xi32>
    %eq3A_73 = arith.cmpi eq, %select_n3A, %eq3A_72 : vector<4096x8xi32>
    %jit3A_74 = arith.constant 0.000000e+00 : f32
    %broadcast_in_dim3A_75 = vector.broadcast %jit3A_74 : f32 to vector<4096x8xf32>
    %select_n3A_76 = arith.select %eq3A_73, %add3A_17, %broadcast_in_dim3A_75 : vector<4096x8xi1>, vector<4096x8xf32>
    %reduce_sum3A_77 = arith.constant dense<0.000000e+00> : vector<4096xf32>
    %reduce_sum3A_78 = vector.multi_reduction <add>, %select_n3A_76, %reduce_sum3A_77 [1] : vector<4096x8xf32> to vector<4096xf32>
    %broadcast_in_dim3A_79 = vector.shape_cast %reduce_sum3A_78 : vector<4096xf32> to vector<4096x1xf32>
    %eq3A_80 = arith.constant 2 : i32
    %eq3A_81 = vector.broadcast %eq3A_80 : i32 to vector<4096x8xi32>
    %eq3A_82 = arith.cmpi eq, %select_n3A, %eq3A_81 : vector<4096x8xi32>
    %broadcast_in_dim3A_83 = vector.shape_cast %broadcast_in_dim3A_79 : vector<4096x1xf32> to vector<4096x1xf32>
    %broadcast_in_dim3A_84 = vector.broadcast %broadcast_in_dim3A_83 : vector<4096x1xf32> to vector<4096x8xf32>
    %select_n3A_85 = arith.select %eq3A_82, %broadcast_in_dim3A_84, %select_n3A_70 : vector<4096x8xi1>, vector<4096x8xf32>
    %eq3A_86 = arith.constant 3 : i32
    %eq3A_87 = vector.broadcast %eq3A_86 : i32 to vector<4096x8xi32>
    %eq3A_88 = arith.cmpi eq, %select_n3A, %eq3A_87 : vector<4096x8xi32>
    %jit3A_89 = arith.constant 0.000000e+00 : f32
    %broadcast_in_dim3A_90 = vector.broadcast %jit3A_89 : f32 to vector<4096x8xf32>
    %select_n3A_91 = arith.select %eq3A_88, %add3A_17, %broadcast_in_dim3A_90 : vector<4096x8xi1>, vector<4096x8xf32>
    %reduce_sum3A_92 = arith.constant dense<0.000000e+00> : vector<4096xf32>
    %reduce_sum3A_93 = vector.multi_reduction <add>, %select_n3A_91, %reduce_sum3A_92 [1] : vector<4096x8xf32> to vector<4096xf32>
    %broadcast_in_dim3A_94 = vector.shape_cast %reduce_sum3A_93 : vector<4096xf32> to vector<4096x1xf32>
    %eq3A_95 = arith.constant 3 : i32
    %eq3A_96 = vector.broadcast %eq3A_95 : i32 to vector<4096x8xi32>
    %eq3A_97 = arith.cmpi eq, %select_n3A, %eq3A_96 : vector<4096x8xi32>
    %broadcast_in_dim3A_98 = vector.shape_cast %broadcast_in_dim3A_94 : vector<4096x1xf32> to vector<4096x1xf32>
    %broadcast_in_dim3A_99 = vector.broadcast %broadcast_in_dim3A_98 : vector<4096x1xf32> to vector<4096x8xf32>
    %select_n3A_100 = arith.select %eq3A_97, %broadcast_in_dim3A_99, %select_n3A_85 : vector<4096x8xi1>, vector<4096x8xf32>
    %reduce_max3A = arith.constant dense<0xFF800000> : vector<4096xf32>
    %reduce_max3A_101 = vector.multi_reduction <maximumf>, %select_n3A_100, %reduce_max3A [1] : vector<4096x8xf32> to vector<4096xf32>
    %broadcast_in_dim3A_102 = vector.shape_cast %reduce_max3A_101 : vector<4096xf32> to vector<4096x1xf32>
    %eq3A_103 = vector.broadcast %broadcast_in_dim3A_102 : vector<4096x1xf32> to vector<4096x8xf32>
    %eq3A_104 = arith.cmpf oeq, %select_n3A_100, %eq3A_103 : vector<4096x8xf32>
    %jit3A_105 = arith.constant 127 : i32
    %broadcast_in_dim3A_106 = vector.broadcast %jit3A_105 : i32 to vector<4096x8xi32>
    %select_n3A_107 = arith.select %eq3A_104, %select_n3A, %broadcast_in_dim3A_106 : vector<4096x8xi1>, vector<4096x8xi32>
    %reduce_min3A = arith.constant dense<2147483647> : vector<4096xi32>
    %reduce_min3A_108 = vector.multi_reduction <minsi>, %select_n3A_107, %reduce_min3A [1] : vector<4096x8xi32> to vector<4096xi32>
    %broadcast_in_dim3A_109 = vector.shape_cast %reduce_min3A_108 : vector<4096xi32> to vector<4096x1xi32>
    %eq3A_110 = vector.broadcast %broadcast_in_dim3A_109 : vector<4096x1xi32> to vector<4096x8xi32>
    %eq3A_111 = arith.cmpi eq, %select_n3A, %eq3A_110 : vector<4096x8xi32>
    %jit3A_112 = arith.constant -1.000000e+30 : f32
    %broadcast_in_dim3A_113 = vector.broadcast %jit3A_112 : f32 to vector<4096x8xf32>
    %select_n3A_114 = arith.select %eq3A_111, %broadcast_in_dim3A_113, %select_n3A_100 : vector<4096x8xi1>, vector<4096x8xf32>
    %reduce_max3A_115 = arith.constant dense<0xFF800000> : vector<4096xf32>
    %reduce_max3A_116 = vector.multi_reduction <maximumf>, %select_n3A_114, %reduce_max3A_115 [1] : vector<4096x8xf32> to vector<4096xf32>
    %broadcast_in_dim3A_117 = vector.shape_cast %reduce_max3A_116 : vector<4096xf32> to vector<4096x1xf32>
    %eq3A_118 = vector.broadcast %broadcast_in_dim3A_117 : vector<4096x1xf32> to vector<4096x8xf32>
    %eq3A_119 = arith.cmpf oeq, %select_n3A_114, %eq3A_118 : vector<4096x8xf32>
    %jit3A_120 = arith.constant 127 : i32
    %broadcast_in_dim3A_121 = vector.broadcast %jit3A_120 : i32 to vector<4096x8xi32>
    %select_n3A_122 = arith.select %eq3A_119, %select_n3A, %broadcast_in_dim3A_121 : vector<4096x8xi1>, vector<4096x8xi32>
    %reduce_min3A_123 = arith.constant dense<2147483647> : vector<4096xi32>
    %reduce_min3A_124 = vector.multi_reduction <minsi>, %select_n3A_122, %reduce_min3A_123 [1] : vector<4096x8xi32> to vector<4096xi32>
    %broadcast_in_dim3A_125 = vector.shape_cast %reduce_min3A_124 : vector<4096xi32> to vector<4096x1xi32>
    %eq3A_126 = vector.broadcast %broadcast_in_dim3A_109 : vector<4096x1xi32> to vector<4096x8xi32>
    %eq3A_127 = arith.cmpi eq, %select_n3A, %eq3A_126 : vector<4096x8xi32>
    %eq3A_128 = vector.broadcast %broadcast_in_dim3A_125 : vector<4096x1xi32> to vector<4096x8xi32>
    %eq3A_129 = arith.cmpi eq, %select_n3A, %eq3A_128 : vector<4096x8xi32>
    %or3A = arith.ori %eq3A_127, %eq3A_129 : vector<4096x8xi1>
    %jit3A_130 = arith.constant 0.000000e+00 : f32
    %broadcast_in_dim3A_131 = vector.broadcast %jit3A_130 : f32 to vector<4096x8xf32>
    %select_n3A_132 = arith.select %or3A, %add3A_17, %broadcast_in_dim3A_131 : vector<4096x8xi1>, vector<4096x8xf32>
    %reduce_max3A_133 = arith.constant dense<0xFF800000> : vector<4096xf32>
    %reduce_max3A_134 = vector.multi_reduction <maximumf>, %select_n3A_132, %reduce_max3A_133 [1] : vector<4096x8xf32> to vector<4096xf32>
    %broadcast_in_dim3A_135 = vector.shape_cast %reduce_max3A_134 : vector<4096xf32> to vector<4096x1xf32>
    %eq3A_136 = vector.broadcast %broadcast_in_dim3A_135 : vector<4096x1xf32> to vector<4096x8xf32>
    %eq3A_137 = arith.cmpf oeq, %select_n3A_132, %eq3A_136 : vector<4096x8xf32>
    %jit3A_138 = arith.constant 127 : i32
    %broadcast_in_dim3A_139 = vector.broadcast %jit3A_138 : i32 to vector<4096x8xi32>
    %select_n3A_140 = arith.select %eq3A_137, %iota3A, %broadcast_in_dim3A_139 : vector<4096x8xi1>, vector<4096x8xi32>
    %reduce_min3A_141 = arith.constant dense<2147483647> : vector<4096xi32>
    %reduce_min3A_142 = vector.multi_reduction <minsi>, %select_n3A_140, %reduce_min3A_141 [1] : vector<4096x8xi32> to vector<4096xi32>
    %broadcast_in_dim3A_143 = vector.shape_cast %reduce_min3A_142 : vector<4096xi32> to vector<4096x1xi32>
    %eq3A_144 = vector.broadcast %broadcast_in_dim3A_143 : vector<4096x1xi32> to vector<4096x8xi32>
    %eq3A_145 = arith.cmpi eq, %iota3A, %eq3A_144 : vector<4096x8xi32>
    %jit3A_146 = arith.constant -1.000000e+30 : f32
    %broadcast_in_dim3A_147 = vector.broadcast %jit3A_146 : f32 to vector<4096x8xf32>
    %select_n3A_148 = arith.select %eq3A_145, %broadcast_in_dim3A_147, %select_n3A_132 : vector<4096x8xi1>, vector<4096x8xf32>
    %reduce_max3A_149 = arith.constant dense<0xFF800000> : vector<4096xf32>
    %reduce_max3A_150 = vector.multi_reduction <maximumf>, %select_n3A_148, %reduce_max3A_149 [1] : vector<4096x8xf32> to vector<4096xf32>
    %broadcast_in_dim3A_151 = vector.shape_cast %reduce_max3A_150 : vector<4096xf32> to vector<4096x1xf32>
    %eq3A_152 = vector.broadcast %broadcast_in_dim3A_151 : vector<4096x1xf32> to vector<4096x8xf32>
    %eq3A_153 = arith.cmpf oeq, %select_n3A_148, %eq3A_152 : vector<4096x8xf32>
    %jit3A_154 = arith.constant 127 : i32
    %broadcast_in_dim3A_155 = vector.broadcast %jit3A_154 : i32 to vector<4096x8xi32>
    %select_n3A_156 = arith.select %eq3A_153, %iota3A, %broadcast_in_dim3A_155 : vector<4096x8xi1>, vector<4096x8xi32>
    %reduce_min3A_157 = arith.constant dense<2147483647> : vector<4096xi32>
    %reduce_min3A_158 = vector.multi_reduction <minsi>, %select_n3A_156, %reduce_min3A_157 [1] : vector<4096x8xi32> to vector<4096xi32>
    %broadcast_in_dim3A_159 = vector.shape_cast %reduce_min3A_158 : vector<4096xi32> to vector<4096x1xi32>
    %eq3A_160 = vector.broadcast %broadcast_in_dim3A_143 : vector<4096x1xi32> to vector<4096x8xi32>
    %eq3A_161 = arith.cmpi eq, %iota3A, %eq3A_160 : vector<4096x8xi32>
    %jit3A_162 = arith.constant 0.000000e+00 : f32
    %broadcast_in_dim3A_163 = vector.broadcast %jit3A_162 : f32 to vector<4096x8xf32>
    %select_n3A_164 = arith.select %eq3A_161, %div3A_15, %broadcast_in_dim3A_163 : vector<4096x8xi1>, vector<4096x8xf32>
    %reduce_sum3A_165 = arith.constant dense<0.000000e+00> : vector<4096xf32>
    %reduce_sum3A_166 = vector.multi_reduction <add>, %select_n3A_164, %reduce_sum3A_165 [1] : vector<4096x8xf32> to vector<4096xf32>
    %broadcast_in_dim3A_167 = vector.shape_cast %reduce_sum3A_166 : vector<4096xf32> to vector<4096x1xf32>
    %eq3A_168 = vector.broadcast %broadcast_in_dim3A_159 : vector<4096x1xi32> to vector<4096x8xi32>
    %eq3A_169 = arith.cmpi eq, %iota3A, %eq3A_168 : vector<4096x8xi32>
    %jit3A_170 = arith.constant 0.000000e+00 : f32
    %broadcast_in_dim3A_171 = vector.broadcast %jit3A_170 : f32 to vector<4096x8xf32>
    %select_n3A_172 = arith.select %eq3A_169, %div3A_15, %broadcast_in_dim3A_171 : vector<4096x8xi1>, vector<4096x8xf32>
    %reduce_sum3A_173 = arith.constant dense<0.000000e+00> : vector<4096xf32>
    %reduce_sum3A_174 = vector.multi_reduction <add>, %select_n3A_172, %reduce_sum3A_173 [1] : vector<4096x8xf32> to vector<4096xf32>
    %broadcast_in_dim3A_175 = vector.shape_cast %reduce_sum3A_174 : vector<4096xf32> to vector<4096x1xf32>
    %add3A_176 = arith.addf %broadcast_in_dim3A_167, %broadcast_in_dim3A_175 : vector<4096x1xf32>
    %add3A_177 = arith.constant 9.99999968E-21 : f32
    %add3A_178 = vector.broadcast %add3A_177 : f32 to vector<4096x1xf32>
    %add3A_179 = arith.addf %add3A_176, %add3A_178 : vector<4096x1xf32>
    %div3A_180 = arith.divf %broadcast_in_dim3A_167, %add3A_179 : vector<4096x1xf32>
    %div3A_181 = arith.divf %broadcast_in_dim3A_175, %add3A_179 : vector<4096x1xf32>
    %eq3A_182 = vector.broadcast %broadcast_in_dim3A_143 : vector<4096x1xi32> to vector<4096x8xi32>
    %eq3A_183 = arith.cmpi eq, %iota3A, %eq3A_182 : vector<4096x8xi32>
    %eq3A_184 = vector.broadcast %broadcast_in_dim3A_159 : vector<4096x1xi32> to vector<4096x8xi32>
    %eq3A_185 = arith.cmpi eq, %iota3A, %eq3A_184 : vector<4096x8xi32>
    %or3A_186 = arith.ori %eq3A_183, %eq3A_185 : vector<4096x8xi1>
    %convert_element_type3A_187 = arith.extui %or3A_186 : vector<4096x8xi1> to vector<4096x8xi32>
    %convert_element_type3A_188 = arith.sitofp %convert_element_type3A_187 : vector<4096x8xi32> to vector<4096x8xf32>
    %iota3A_189 = tpu.iota {dimensions = array<i32: 0>} : vector<512x512xi32>
    %iota3A_190 = tpu.iota {dimensions = array<i32: 1>} : vector<512x512xi32>
    %lt3A = arith.cmpi slt, %iota3A_190, %iota3A_189 : vector<512x512xi32>
    %convert_element_type3A_191 = arith.extui %lt3A : vector<512x512xi1> to vector<512x512xi32>
    %convert_element_type3A_192 = arith.sitofp %convert_element_type3A_191 : vector<512x512xi32> to vector<512x512xf32>
    %broadcast_in_dim3A_193 = arith.constant 0.000000e+00 : f32
    %broadcast_in_dim3A_194 = vector.broadcast %broadcast_in_dim3A_193 : f32 to vector<1x8xf32>
    %slice3A = vector.extract_strided_slice %convert_element_type3A_188 {offsets = [0, 0], sizes = [512, 8], strides = [1, 1]} : vector<4096x8xf32> to vector<512x8xf32>
    %dot_general3A_195 = arith.constant dense<0.000000e+00> : vector<512x8xf32>
    %dot_general3A_196 = tpu.matmul %convert_element_type3A_192, %slice3A, %dot_general3A_195 {dimension_numbers = #tpu.dot_dimension_numbers<[1], [0], [0], [1], [0, 0, 1, 1], [], []>, precision = #tpu.contract_precision<fp32>, transpose_lhs_hint = false} : vector<512x512xf32>, vector<512x8xf32>, vector<512x8xf32> -> vector<512x8xf32>
    %add3A_197 = vector.broadcast %broadcast_in_dim3A_194 : vector<1x8xf32> to vector<512x8xf32>
    %add3A_198 = arith.addf %add3A_197, %dot_general3A_196 : vector<512x8xf32>
    %reduce_sum3A_199 = arith.constant dense<0.000000e+00> : vector<8xf32>
    %reduce_sum3A_200 = vector.multi_reduction <add>, %slice3A, %reduce_sum3A_199 [0] : vector<512x8xf32> to vector<8xf32>
    %broadcast_in_dim3A_201 = vector.shape_cast %reduce_sum3A_200 : vector<8xf32> to vector<1x8xf32>
    %add3A_202 = arith.addf %broadcast_in_dim3A_194, %broadcast_in_dim3A_201 : vector<1x8xf32>
    %slice3A_203 = vector.extract_strided_slice %convert_element_type3A_188 {offsets = [512, 0], sizes = [512, 8], strides = [1, 1]} : vector<4096x8xf32> to vector<512x8xf32>
    %dot_general3A_204 = arith.constant dense<0.000000e+00> : vector<512x8xf32>
    %dot_general3A_205 = tpu.matmul %convert_element_type3A_192, %slice3A_203, %dot_general3A_204 {dimension_numbers = #tpu.dot_dimension_numbers<[1], [0], [0], [1], [0, 0, 1, 1], [], []>, precision = #tpu.contract_precision<fp32>, transpose_lhs_hint = false} : vector<512x512xf32>, vector<512x8xf32>, vector<512x8xf32> -> vector<512x8xf32>
    %add3A_206 = vector.broadcast %add3A_202 : vector<1x8xf32> to vector<512x8xf32>
    %add3A_207 = arith.addf %add3A_206, %dot_general3A_205 : vector<512x8xf32>
    %reduce_sum3A_208 = arith.constant dense<0.000000e+00> : vector<8xf32>
    %reduce_sum3A_209 = vector.multi_reduction <add>, %slice3A_203, %reduce_sum3A_208 [0] : vector<512x8xf32> to vector<8xf32>
    %broadcast_in_dim3A_210 = vector.shape_cast %reduce_sum3A_209 : vector<8xf32> to vector<1x8xf32>
    %add3A_211 = arith.addf %add3A_202, %broadcast_in_dim3A_210 : vector<1x8xf32>
    %slice3A_212 = vector.extract_strided_slice %convert_element_type3A_188 {offsets = [1024, 0], sizes = [512, 8], strides = [1, 1]} : vector<4096x8xf32> to vector<512x8xf32>
    %dot_general3A_213 = arith.constant dense<0.000000e+00> : vector<512x8xf32>
    %dot_general3A_214 = tpu.matmul %convert_element_type3A_192, %slice3A_212, %dot_general3A_213 {dimension_numbers = #tpu.dot_dimension_numbers<[1], [0], [0], [1], [0, 0, 1, 1], [], []>, precision = #tpu.contract_precision<fp32>, transpose_lhs_hint = false} : vector<512x512xf32>, vector<512x8xf32>, vector<512x8xf32> -> vector<512x8xf32>
    %add3A_215 = vector.broadcast %add3A_211 : vector<1x8xf32> to vector<512x8xf32>
    %add3A_216 = arith.addf %add3A_215, %dot_general3A_214 : vector<512x8xf32>
    %reduce_sum3A_217 = arith.constant dense<0.000000e+00> : vector<8xf32>
    %reduce_sum3A_218 = vector.multi_reduction <add>, %slice3A_212, %reduce_sum3A_217 [0] : vector<512x8xf32> to vector<8xf32>
    %broadcast_in_dim3A_219 = vector.shape_cast %reduce_sum3A_218 : vector<8xf32> to vector<1x8xf32>
    %add3A_220 = arith.addf %add3A_211, %broadcast_in_dim3A_219 : vector<1x8xf32>
    %slice3A_221 = vector.extract_strided_slice %convert_element_type3A_188 {offsets = [1536, 0], sizes = [512, 8], strides = [1, 1]} : vector<4096x8xf32> to vector<512x8xf32>
    %dot_general3A_222 = arith.constant dense<0.000000e+00> : vector<512x8xf32>
    %dot_general3A_223 = tpu.matmul %convert_element_type3A_192, %slice3A_221, %dot_general3A_222 {dimension_numbers = #tpu.dot_dimension_numbers<[1], [0], [0], [1], [0, 0, 1, 1], [], []>, precision = #tpu.contract_precision<fp32>, transpose_lhs_hint = false} : vector<512x512xf32>, vector<512x8xf32>, vector<512x8xf32> -> vector<512x8xf32>
    %add3A_224 = vector.broadcast %add3A_220 : vector<1x8xf32> to vector<512x8xf32>
    %add3A_225 = arith.addf %add3A_224, %dot_general3A_223 : vector<512x8xf32>
    %reduce_sum3A_226 = arith.constant dense<0.000000e+00> : vector<8xf32>
    %reduce_sum3A_227 = vector.multi_reduction <add>, %slice3A_221, %reduce_sum3A_226 [0] : vector<512x8xf32> to vector<8xf32>
    %broadcast_in_dim3A_228 = vector.shape_cast %reduce_sum3A_227 : vector<8xf32> to vector<1x8xf32>
    %add3A_229 = arith.addf %add3A_220, %broadcast_in_dim3A_228 : vector<1x8xf32>
    %slice3A_230 = vector.extract_strided_slice %convert_element_type3A_188 {offsets = [2048, 0], sizes = [512, 8], strides = [1, 1]} : vector<4096x8xf32> to vector<512x8xf32>
    %dot_general3A_231 = arith.constant dense<0.000000e+00> : vector<512x8xf32>
    %dot_general3A_232 = tpu.matmul %convert_element_type3A_192, %slice3A_230, %dot_general3A_231 {dimension_numbers = #tpu.dot_dimension_numbers<[1], [0], [0], [1], [0, 0, 1, 1], [], []>, precision = #tpu.contract_precision<fp32>, transpose_lhs_hint = false} : vector<512x512xf32>, vector<512x8xf32>, vector<512x8xf32> -> vector<512x8xf32>
    %add3A_233 = vector.broadcast %add3A_229 : vector<1x8xf32> to vector<512x8xf32>
    %add3A_234 = arith.addf %add3A_233, %dot_general3A_232 : vector<512x8xf32>
    %reduce_sum3A_235 = arith.constant dense<0.000000e+00> : vector<8xf32>
    %reduce_sum3A_236 = vector.multi_reduction <add>, %slice3A_230, %reduce_sum3A_235 [0] : vector<512x8xf32> to vector<8xf32>
    %broadcast_in_dim3A_237 = vector.shape_cast %reduce_sum3A_236 : vector<8xf32> to vector<1x8xf32>
    %add3A_238 = arith.addf %add3A_229, %broadcast_in_dim3A_237 : vector<1x8xf32>
    %slice3A_239 = vector.extract_strided_slice %convert_element_type3A_188 {offsets = [2560, 0], sizes = [512, 8], strides = [1, 1]} : vector<4096x8xf32> to vector<512x8xf32>
    %dot_general3A_240 = arith.constant dense<0.000000e+00> : vector<512x8xf32>
    %dot_general3A_241 = tpu.matmul %convert_element_type3A_192, %slice3A_239, %dot_general3A_240 {dimension_numbers = #tpu.dot_dimension_numbers<[1], [0], [0], [1], [0, 0, 1, 1], [], []>, precision = #tpu.contract_precision<fp32>, transpose_lhs_hint = false} : vector<512x512xf32>, vector<512x8xf32>, vector<512x8xf32> -> vector<512x8xf32>
    %add3A_242 = vector.broadcast %add3A_238 : vector<1x8xf32> to vector<512x8xf32>
    %add3A_243 = arith.addf %add3A_242, %dot_general3A_241 : vector<512x8xf32>
    %reduce_sum3A_244 = arith.constant dense<0.000000e+00> : vector<8xf32>
    %reduce_sum3A_245 = vector.multi_reduction <add>, %slice3A_239, %reduce_sum3A_244 [0] : vector<512x8xf32> to vector<8xf32>
    %broadcast_in_dim3A_246 = vector.shape_cast %reduce_sum3A_245 : vector<8xf32> to vector<1x8xf32>
    %add3A_247 = arith.addf %add3A_238, %broadcast_in_dim3A_246 : vector<1x8xf32>
    %slice3A_248 = vector.extract_strided_slice %convert_element_type3A_188 {offsets = [3072, 0], sizes = [512, 8], strides = [1, 1]} : vector<4096x8xf32> to vector<512x8xf32>
    %dot_general3A_249 = arith.constant dense<0.000000e+00> : vector<512x8xf32>
    %dot_general3A_250 = tpu.matmul %convert_element_type3A_192, %slice3A_248, %dot_general3A_249 {dimension_numbers = #tpu.dot_dimension_numbers<[1], [0], [0], [1], [0, 0, 1, 1], [], []>, precision = #tpu.contract_precision<fp32>, transpose_lhs_hint = false} : vector<512x512xf32>, vector<512x8xf32>, vector<512x8xf32> -> vector<512x8xf32>
    %add3A_251 = vector.broadcast %add3A_247 : vector<1x8xf32> to vector<512x8xf32>
    %add3A_252 = arith.addf %add3A_251, %dot_general3A_250 : vector<512x8xf32>
    %reduce_sum3A_253 = arith.constant dense<0.000000e+00> : vector<8xf32>
    %reduce_sum3A_254 = vector.multi_reduction <add>, %slice3A_248, %reduce_sum3A_253 [0] : vector<512x8xf32> to vector<8xf32>
    %broadcast_in_dim3A_255 = vector.shape_cast %reduce_sum3A_254 : vector<8xf32> to vector<1x8xf32>
    %add3A_256 = arith.addf %add3A_247, %broadcast_in_dim3A_255 : vector<1x8xf32>
    %slice3A_257 = vector.extract_strided_slice %convert_element_type3A_188 {offsets = [3584, 0], sizes = [512, 8], strides = [1, 1]} : vector<4096x8xf32> to vector<512x8xf32>
    %dot_general3A_258 = arith.constant dense<0.000000e+00> : vector<512x8xf32>
    %dot_general3A_259 = tpu.matmul %convert_element_type3A_192, %slice3A_257, %dot_general3A_258 {dimension_numbers = #tpu.dot_dimension_numbers<[1], [0], [0], [1], [0, 0, 1, 1], [], []>, precision = #tpu.contract_precision<fp32>, transpose_lhs_hint = false} : vector<512x512xf32>, vector<512x8xf32>, vector<512x8xf32> -> vector<512x8xf32>
    %add3A_260 = vector.broadcast %add3A_256 : vector<1x8xf32> to vector<512x8xf32>
    %add3A_261 = arith.addf %add3A_260, %dot_general3A_259 : vector<512x8xf32>
    %reduce_sum3A_262 = arith.constant dense<0.000000e+00> : vector<8xf32>
    %reduce_sum3A_263 = vector.multi_reduction <add>, %slice3A_257, %reduce_sum3A_262 [0] : vector<512x8xf32> to vector<8xf32>
    %broadcast_in_dim3A_264 = vector.shape_cast %reduce_sum3A_263 : vector<8xf32> to vector<1x8xf32>
    %add3A_265 = arith.addf %add3A_256, %broadcast_in_dim3A_264 : vector<1x8xf32>
    %concatenate3A = tpu.concatenate %add3A_198, %add3A_207, %add3A_216, %add3A_225, %add3A_234, %add3A_243, %add3A_252, %add3A_261 in 0 : vector<512x8xf32>, vector<512x8xf32>, vector<512x8xf32>, vector<512x8xf32>, vector<512x8xf32>, vector<512x8xf32>, vector<512x8xf32>, vector<512x8xf32> -> vector<4096x8xf32>
    %iota3A_266 = tpu.iota {dimensions = array<i32: 1>} : vector<1x8xi32>
    %convert_element_type3A_267 = arith.fptosi %add3A_265 : vector<1x8xf32> to vector<1x8xi32>
    %add3A_268 = arith.constant 511 : i32
    %add3A_269 = vector.broadcast %add3A_268 : i32 to vector<1x8xi32>
    %add3A_270 = arith.addi %convert_element_type3A_267, %add3A_269 : vector<1x8xi32>
    %jit3A_271 = arith.constant 512 : i32
    %div3A_272 = vector.broadcast %jit3A_271 : i32 to vector<1x8xi32>
    %div3A_273 = arith.divsi %add3A_270, %div3A_272 : vector<1x8xi32>
    %sign3A_274 = arith.constant 0 : i32
    %sign3A_275 = vector.broadcast %sign3A_274 : i32 to vector<1x8xi32>
    %sign3A_276 = arith.cmpi sgt, %add3A_270, %sign3A_275 : vector<1x8xi32>
    %sign3A_277 = arith.extui %sign3A_276 : vector<1x8xi1> to vector<1x8xi32>
    %sign3A_278 = arith.constant 0 : i32
    %sign3A_279 = vector.broadcast %sign3A_278 : i32 to vector<1x8xi32>
    %sign3A_280 = arith.cmpi slt, %add3A_270, %sign3A_279 : vector<1x8xi32>
    %sign3A_281 = arith.extui %sign3A_280 : vector<1x8xi1> to vector<1x8xi32>
    %sign3A_282 = arith.subi %sign3A_277, %sign3A_281 : vector<1x8xi32>
    %sign3A_283 = arith.constant 0 : i32
    %sign3A_284 = arith.cmpi sgt, %jit3A_271, %sign3A_283 : i32
    %sign3A_285 = arith.extui %sign3A_284 : i1 to i32
    %sign3A_286 = arith.constant 0 : i32
    %sign3A_287 = arith.cmpi slt, %jit3A_271, %sign3A_286 : i32
    %sign3A_288 = arith.extui %sign3A_287 : i1 to i32
    %sign3A_289 = arith.subi %sign3A_285, %sign3A_288 : i32
    %ne3A_290 = vector.broadcast %sign3A_289 : i32 to vector<1x8xi32>
    %ne3A_291 = arith.cmpi ne, %sign3A_282, %ne3A_290 : vector<1x8xi32>
    %rem3A_292 = vector.broadcast %jit3A_271 : i32 to vector<1x8xi32>
    %rem3A_293 = arith.remsi %add3A_270, %rem3A_292 : vector<1x8xi32>
    %ne3A_294 = arith.constant 0 : i32
    %ne3A_295 = vector.broadcast %ne3A_294 : i32 to vector<1x8xi32>
    %ne3A_296 = arith.cmpi ne, %rem3A_293, %ne3A_295 : vector<1x8xi32>
    %and3A_297 = arith.andi %ne3A_291, %ne3A_296 : vector<1x8xi1>
    %sub3A_298 = arith.constant 1 : i32
    %sub3A_299 = vector.broadcast %sub3A_298 : i32 to vector<1x8xi32>
    %sub3A_300 = arith.subi %div3A_273, %sub3A_299 : vector<1x8xi32>
    %select_n3A_301 = arith.select %and3A_297, %sub3A_300, %div3A_273 : vector<1x8xi1>, vector<1x8xi32>
    %broadcast_in_dim3A_302 = arith.constant 0 : i32
    %broadcast_in_dim3A_303 = vector.broadcast %broadcast_in_dim3A_302 : i32 to vector<1x8xi32>
    %broadcast_in_dim3A_304 = arith.constant 0 : i32
    %broadcast_in_dim3A_305 = vector.broadcast %broadcast_in_dim3A_304 : i32 to vector<1x1xi32>
    %eq3A_306 = arith.constant 0 : i32
    %eq3A_307 = vector.broadcast %eq3A_306 : i32 to vector<1x8xi32>
    %eq3A_308 = arith.cmpi eq, %iota3A_266, %eq3A_307 : vector<1x8xi32>
    %broadcast_in_dim3A_309 = vector.shape_cast %broadcast_in_dim3A_305 : vector<1x1xi32> to vector<1x1xi32>
    %broadcast_in_dim3A_310 = vector.broadcast %broadcast_in_dim3A_309 : vector<1x1xi32> to vector<1x8xi32>
    %select_n3A_311 = arith.select %eq3A_308, %broadcast_in_dim3A_310, %broadcast_in_dim3A_303 : vector<1x8xi1>, vector<1x8xi32>
    %eq3A_312 = arith.constant 0 : i32
    %eq3A_313 = vector.broadcast %eq3A_312 : i32 to vector<1x8xi32>
    %eq3A_314 = arith.cmpi eq, %iota3A_266, %eq3A_313 : vector<1x8xi32>
    %jit3A_315 = arith.constant 0 : i32
    %broadcast_in_dim3A_316 = vector.broadcast %jit3A_315 : i32 to vector<1x8xi32>
    %select_n3A_317 = arith.select %eq3A_314, %select_n3A_301, %broadcast_in_dim3A_316 : vector<1x8xi1>, vector<1x8xi32>
    %reduce_sum3A_318 = arith.constant dense<0> : vector<1xi32>
    %reduce_sum3A_319 = vector.multi_reduction <add>, %select_n3A_317, %reduce_sum3A_318 [1] : vector<1x8xi32> to vector<1xi32>
    %broadcast_in_dim3A_320 = vector.shape_cast %reduce_sum3A_319 : vector<1xi32> to vector<1x1xi32>
    %mul3A = arith.constant 512 : i32
    %mul3A_321 = vector.broadcast %mul3A : i32 to vector<1x1xi32>
    %mul3A_322 = arith.muli %broadcast_in_dim3A_320, %mul3A_321 : vector<1x1xi32>
    %add3A_323 = arith.addi %broadcast_in_dim3A_305, %mul3A_322 : vector<1x1xi32>
    %eq3A_324 = arith.constant 1 : i32
    %eq3A_325 = vector.broadcast %eq3A_324 : i32 to vector<1x8xi32>
    %eq3A_326 = arith.cmpi eq, %iota3A_266, %eq3A_325 : vector<1x8xi32>
    %broadcast_in_dim3A_327 = vector.shape_cast %add3A_323 : vector<1x1xi32> to vector<1x1xi32>
    %broadcast_in_dim3A_328 = vector.broadcast %broadcast_in_dim3A_327 : vector<1x1xi32> to vector<1x8xi32>
    %select_n3A_329 = arith.select %eq3A_326, %broadcast_in_dim3A_328, %select_n3A_311 : vector<1x8xi1>, vector<1x8xi32>
    %eq3A_330 = arith.constant 1 : i32
    %eq3A_331 = vector.broadcast %eq3A_330 : i32 to vector<1x8xi32>
    %eq3A_332 = arith.cmpi eq, %iota3A_266, %eq3A_331 : vector<1x8xi32>
    %jit3A_333 = arith.constant 0 : i32
    %broadcast_in_dim3A_334 = vector.broadcast %jit3A_333 : i32 to vector<1x8xi32>
    %select_n3A_335 = arith.select %eq3A_332, %select_n3A_301, %broadcast_in_dim3A_334 : vector<1x8xi1>, vector<1x8xi32>
    %reduce_sum3A_336 = arith.constant dense<0> : vector<1xi32>
    %reduce_sum3A_337 = vector.multi_reduction <add>, %select_n3A_335, %reduce_sum3A_336 [1] : vector<1x8xi32> to vector<1xi32>
    %broadcast_in_dim3A_338 = vector.shape_cast %reduce_sum3A_337 : vector<1xi32> to vector<1x1xi32>
    %mul3A_339 = arith.constant 512 : i32
    %mul3A_340 = vector.broadcast %mul3A_339 : i32 to vector<1x1xi32>
    %mul3A_341 = arith.muli %broadcast_in_dim3A_338, %mul3A_340 : vector<1x1xi32>
    %add3A_342 = arith.addi %add3A_323, %mul3A_341 : vector<1x1xi32>
    %eq3A_343 = arith.constant 2 : i32
    %eq3A_344 = vector.broadcast %eq3A_343 : i32 to vector<1x8xi32>
    %eq3A_345 = arith.cmpi eq, %iota3A_266, %eq3A_344 : vector<1x8xi32>
    %broadcast_in_dim3A_346 = vector.shape_cast %add3A_342 : vector<1x1xi32> to vector<1x1xi32>
    %broadcast_in_dim3A_347 = vector.broadcast %broadcast_in_dim3A_346 : vector<1x1xi32> to vector<1x8xi32>
    %select_n3A_348 = arith.select %eq3A_345, %broadcast_in_dim3A_347, %select_n3A_329 : vector<1x8xi1>, vector<1x8xi32>
    %eq3A_349 = arith.constant 2 : i32
    %eq3A_350 = vector.broadcast %eq3A_349 : i32 to vector<1x8xi32>
    %eq3A_351 = arith.cmpi eq, %iota3A_266, %eq3A_350 : vector<1x8xi32>
    %jit3A_352 = arith.constant 0 : i32
    %broadcast_in_dim3A_353 = vector.broadcast %jit3A_352 : i32 to vector<1x8xi32>
    %select_n3A_354 = arith.select %eq3A_351, %select_n3A_301, %broadcast_in_dim3A_353 : vector<1x8xi1>, vector<1x8xi32>
    %reduce_sum3A_355 = arith.constant dense<0> : vector<1xi32>
    %reduce_sum3A_356 = vector.multi_reduction <add>, %select_n3A_354, %reduce_sum3A_355 [1] : vector<1x8xi32> to vector<1xi32>
    %broadcast_in_dim3A_357 = vector.shape_cast %reduce_sum3A_356 : vector<1xi32> to vector<1x1xi32>
    %mul3A_358 = arith.constant 512 : i32
    %mul3A_359 = vector.broadcast %mul3A_358 : i32 to vector<1x1xi32>
    %mul3A_360 = arith.muli %broadcast_in_dim3A_357, %mul3A_359 : vector<1x1xi32>
    %add3A_361 = arith.addi %add3A_342, %mul3A_360 : vector<1x1xi32>
    %eq3A_362 = arith.constant 3 : i32
    %eq3A_363 = vector.broadcast %eq3A_362 : i32 to vector<1x8xi32>
    %eq3A_364 = arith.cmpi eq, %iota3A_266, %eq3A_363 : vector<1x8xi32>
    %broadcast_in_dim3A_365 = vector.shape_cast %add3A_361 : vector<1x1xi32> to vector<1x1xi32>
    %broadcast_in_dim3A_366 = vector.broadcast %broadcast_in_dim3A_365 : vector<1x1xi32> to vector<1x8xi32>
    %select_n3A_367 = arith.select %eq3A_364, %broadcast_in_dim3A_366, %select_n3A_348 : vector<1x8xi1>, vector<1x8xi32>
    %eq3A_368 = arith.constant 3 : i32
    %eq3A_369 = vector.broadcast %eq3A_368 : i32 to vector<1x8xi32>
    %eq3A_370 = arith.cmpi eq, %iota3A_266, %eq3A_369 : vector<1x8xi32>
    %jit3A_371 = arith.constant 0 : i32
    %broadcast_in_dim3A_372 = vector.broadcast %jit3A_371 : i32 to vector<1x8xi32>
    %select_n3A_373 = arith.select %eq3A_370, %select_n3A_301, %broadcast_in_dim3A_372 : vector<1x8xi1>, vector<1x8xi32>
    %reduce_sum3A_374 = arith.constant dense<0> : vector<1xi32>
    %reduce_sum3A_375 = vector.multi_reduction <add>, %select_n3A_373, %reduce_sum3A_374 [1] : vector<1x8xi32> to vector<1xi32>
    %broadcast_in_dim3A_376 = vector.shape_cast %reduce_sum3A_375 : vector<1xi32> to vector<1x1xi32>
    %mul3A_377 = arith.constant 512 : i32
    %mul3A_378 = vector.broadcast %mul3A_377 : i32 to vector<1x1xi32>
    %mul3A_379 = arith.muli %broadcast_in_dim3A_376, %mul3A_378 : vector<1x1xi32>
    %add3A_380 = arith.addi %add3A_361, %mul3A_379 : vector<1x1xi32>
    %eq3A_381 = arith.constant 4 : i32
    %eq3A_382 = vector.broadcast %eq3A_381 : i32 to vector<1x8xi32>
    %eq3A_383 = arith.cmpi eq, %iota3A_266, %eq3A_382 : vector<1x8xi32>
    %broadcast_in_dim3A_384 = vector.shape_cast %add3A_380 : vector<1x1xi32> to vector<1x1xi32>
    %broadcast_in_dim3A_385 = vector.broadcast %broadcast_in_dim3A_384 : vector<1x1xi32> to vector<1x8xi32>
    %select_n3A_386 = arith.select %eq3A_383, %broadcast_in_dim3A_385, %select_n3A_367 : vector<1x8xi1>, vector<1x8xi32>
    %eq3A_387 = arith.constant 4 : i32
    %eq3A_388 = vector.broadcast %eq3A_387 : i32 to vector<1x8xi32>
    %eq3A_389 = arith.cmpi eq, %iota3A_266, %eq3A_388 : vector<1x8xi32>
    %jit3A_390 = arith.constant 0 : i32
    %broadcast_in_dim3A_391 = vector.broadcast %jit3A_390 : i32 to vector<1x8xi32>
    %select_n3A_392 = arith.select %eq3A_389, %select_n3A_301, %broadcast_in_dim3A_391 : vector<1x8xi1>, vector<1x8xi32>
    %reduce_sum3A_393 = arith.constant dense<0> : vector<1xi32>
    %reduce_sum3A_394 = vector.multi_reduction <add>, %select_n3A_392, %reduce_sum3A_393 [1] : vector<1x8xi32> to vector<1xi32>
    %broadcast_in_dim3A_395 = vector.shape_cast %reduce_sum3A_394 : vector<1xi32> to vector<1x1xi32>
    %mul3A_396 = arith.constant 512 : i32
    %mul3A_397 = vector.broadcast %mul3A_396 : i32 to vector<1x1xi32>
    %mul3A_398 = arith.muli %broadcast_in_dim3A_395, %mul3A_397 : vector<1x1xi32>
    %add3A_399 = arith.addi %add3A_380, %mul3A_398 : vector<1x1xi32>
    %eq3A_400 = arith.constant 5 : i32
    %eq3A_401 = vector.broadcast %eq3A_400 : i32 to vector<1x8xi32>
    %eq3A_402 = arith.cmpi eq, %iota3A_266, %eq3A_401 : vector<1x8xi32>
    %broadcast_in_dim3A_403 = vector.shape_cast %add3A_399 : vector<1x1xi32> to vector<1x1xi32>
    %broadcast_in_dim3A_404 = vector.broadcast %broadcast_in_dim3A_403 : vector<1x1xi32> to vector<1x8xi32>
    %select_n3A_405 = arith.select %eq3A_402, %broadcast_in_dim3A_404, %select_n3A_386 : vector<1x8xi1>, vector<1x8xi32>
    %eq3A_406 = arith.constant 5 : i32
    %eq3A_407 = vector.broadcast %eq3A_406 : i32 to vector<1x8xi32>
    %eq3A_408 = arith.cmpi eq, %iota3A_266, %eq3A_407 : vector<1x8xi32>
    %jit3A_409 = arith.constant 0 : i32
    %broadcast_in_dim3A_410 = vector.broadcast %jit3A_409 : i32 to vector<1x8xi32>
    %select_n3A_411 = arith.select %eq3A_408, %select_n3A_301, %broadcast_in_dim3A_410 : vector<1x8xi1>, vector<1x8xi32>
    %reduce_sum3A_412 = arith.constant dense<0> : vector<1xi32>
    %reduce_sum3A_413 = vector.multi_reduction <add>, %select_n3A_411, %reduce_sum3A_412 [1] : vector<1x8xi32> to vector<1xi32>
    %broadcast_in_dim3A_414 = vector.shape_cast %reduce_sum3A_413 : vector<1xi32> to vector<1x1xi32>
    %mul3A_415 = arith.constant 512 : i32
    %mul3A_416 = vector.broadcast %mul3A_415 : i32 to vector<1x1xi32>
    %mul3A_417 = arith.muli %broadcast_in_dim3A_414, %mul3A_416 : vector<1x1xi32>
    %add3A_418 = arith.addi %add3A_399, %mul3A_417 : vector<1x1xi32>
    %eq3A_419 = arith.constant 6 : i32
    %eq3A_420 = vector.broadcast %eq3A_419 : i32 to vector<1x8xi32>
    %eq3A_421 = arith.cmpi eq, %iota3A_266, %eq3A_420 : vector<1x8xi32>
    %broadcast_in_dim3A_422 = vector.shape_cast %add3A_418 : vector<1x1xi32> to vector<1x1xi32>
    %broadcast_in_dim3A_423 = vector.broadcast %broadcast_in_dim3A_422 : vector<1x1xi32> to vector<1x8xi32>
    %select_n3A_424 = arith.select %eq3A_421, %broadcast_in_dim3A_423, %select_n3A_405 : vector<1x8xi1>, vector<1x8xi32>
    %eq3A_425 = arith.constant 6 : i32
    %eq3A_426 = vector.broadcast %eq3A_425 : i32 to vector<1x8xi32>
    %eq3A_427 = arith.cmpi eq, %iota3A_266, %eq3A_426 : vector<1x8xi32>
    %jit3A_428 = arith.constant 0 : i32
    %broadcast_in_dim3A_429 = vector.broadcast %jit3A_428 : i32 to vector<1x8xi32>
    %select_n3A_430 = arith.select %eq3A_427, %select_n3A_301, %broadcast_in_dim3A_429 : vector<1x8xi1>, vector<1x8xi32>
    %reduce_sum3A_431 = arith.constant dense<0> : vector<1xi32>
    %reduce_sum3A_432 = vector.multi_reduction <add>, %select_n3A_430, %reduce_sum3A_431 [1] : vector<1x8xi32> to vector<1xi32>
    %broadcast_in_dim3A_433 = vector.shape_cast %reduce_sum3A_432 : vector<1xi32> to vector<1x1xi32>
    %mul3A_434 = arith.constant 512 : i32
    %mul3A_435 = vector.broadcast %mul3A_434 : i32 to vector<1x1xi32>
    %mul3A_436 = arith.muli %broadcast_in_dim3A_433, %mul3A_435 : vector<1x1xi32>
    %add3A_437 = arith.addi %add3A_418, %mul3A_436 : vector<1x1xi32>
    %eq3A_438 = arith.constant 7 : i32
    %eq3A_439 = vector.broadcast %eq3A_438 : i32 to vector<1x8xi32>
    %eq3A_440 = arith.cmpi eq, %iota3A_266, %eq3A_439 : vector<1x8xi32>
    %broadcast_in_dim3A_441 = vector.shape_cast %add3A_437 : vector<1x1xi32> to vector<1x1xi32>
    %broadcast_in_dim3A_442 = vector.broadcast %broadcast_in_dim3A_441 : vector<1x1xi32> to vector<1x8xi32>
    %select_n3A_443 = arith.select %eq3A_440, %broadcast_in_dim3A_442, %select_n3A_424 : vector<1x8xi1>, vector<1x8xi32>
    %convert_element_type3A_444 = arith.fptosi %concatenate3A : vector<4096x8xf32> to vector<4096x8xi32>
    %add3A_445 = vector.broadcast %select_n3A_443 : vector<1x8xi32> to vector<4096x8xi32>
    %add3A_446 = arith.addi %add3A_445, %convert_element_type3A_444 : vector<4096x8xi32>
    %eq3A_447 = vector.broadcast %broadcast_in_dim3A_143 : vector<4096x1xi32> to vector<4096x8xi32>
    %eq3A_448 = arith.cmpi eq, %iota3A, %eq3A_447 : vector<4096x8xi32>
    %jit3A_449 = arith.constant 0 : i32
    %broadcast_in_dim3A_450 = vector.broadcast %jit3A_449 : i32 to vector<4096x8xi32>
    %select_n3A_451 = arith.select %eq3A_448, %add3A_446, %broadcast_in_dim3A_450 : vector<4096x8xi1>, vector<4096x8xi32>
    %reduce_sum3A_452 = arith.constant dense<0> : vector<4096xi32>
    %reduce_sum3A_453 = vector.multi_reduction <add>, %select_n3A_451, %reduce_sum3A_452 [1] : vector<4096x8xi32> to vector<4096xi32>
    %broadcast_in_dim3A_454 = vector.shape_cast %reduce_sum3A_453 : vector<4096xi32> to vector<4096x1xi32>
    %eq3A_455 = vector.broadcast %broadcast_in_dim3A_159 : vector<4096x1xi32> to vector<4096x8xi32>
    %eq3A_456 = arith.cmpi eq, %iota3A, %eq3A_455 : vector<4096x8xi32>
    %jit3A_457 = arith.constant 0 : i32
    %broadcast_in_dim3A_458 = vector.broadcast %jit3A_457 : i32 to vector<4096x8xi32>
    %select_n3A_459 = arith.select %eq3A_456, %add3A_446, %broadcast_in_dim3A_458 : vector<4096x8xi1>, vector<4096x8xi32>
    %reduce_sum3A_460 = arith.constant dense<0> : vector<4096xi32>
    %reduce_sum3A_461 = vector.multi_reduction <add>, %select_n3A_459, %reduce_sum3A_460 [1] : vector<4096x8xi32> to vector<4096xi32>
    %broadcast_in_dim3A_462 = vector.shape_cast %reduce_sum3A_461 : vector<4096xi32> to vector<4096x1xi32>
    %concatenate3A_463 = tpu.concatenate %broadcast_in_dim3A_454, %broadcast_in_dim3A_462 in 1 : vector<4096x1xi32>, vector<4096x1xi32> -> vector<4096x2xi32>
    %swap3A = arith.constant 0 : index
    %swap3A_464 = arith.constant 0 : index
    %swap3A_465 = vector.load %arg4[%swap3A, %swap3A_464] : memref<4096x2xi32, #tpu.memory_space<vmem>>, vector<4096x2xi32>
    tpu.vector_store %arg4[%swap3A, %swap3A_464], %concatenate3A_463 {strides = array<i32>} : memref<4096x2xi32, #tpu.memory_space<vmem>>, vector<4096x2xi32>,
    %concatenate3A_466 = tpu.concatenate %div3A_180, %div3A_181 in 1 : vector<4096x1xf32>, vector<4096x1xf32> -> vector<4096x2xf32>
    %swap3A_467 = arith.constant 0 : index
    %swap3A_468 = arith.constant 0 : index
    %swap3A_469 = vector.load %arg5[%swap3A_467, %swap3A_468] : memref<4096x2xf32, #tpu.memory_space<vmem>>, vector<4096x2xf32>
    tpu.vector_store %arg5[%swap3A_467, %swap3A_468], %concatenate3A_466 {strides = array<i32>} : memref<4096x2xf32, #tpu.memory_space<vmem>>, vector<4096x2xf32>,
    %iota3A_470 = tpu.iota {dimensions = array<i32: 1>} : vector<1x24xi32>
    %broadcast_in_dim3A_471 = arith.constant 0 : i32
    %broadcast_in_dim3A_472 = vector.broadcast %broadcast_in_dim3A_471 : i32 to vector<1x24xi32>
    %eq3A_473 = arith.constant 0 : i32
    %eq3A_474 = vector.broadcast %eq3A_473 : i32 to vector<1x8xi32>
    %eq3A_475 = arith.cmpi eq, %iota3A_266, %eq3A_474 : vector<1x8xi32>
    %jit3A_476 = arith.constant 0 : i32
    %broadcast_in_dim3A_477 = vector.broadcast %jit3A_476 : i32 to vector<1x8xi32>
    %select_n3A_478 = arith.select %eq3A_475, %select_n3A_443, %broadcast_in_dim3A_477 : vector<1x8xi1>, vector<1x8xi32>
    %reduce_sum3A_479 = arith.constant dense<0> : vector<1xi32>
    %reduce_sum3A_480 = vector.multi_reduction <add>, %select_n3A_478, %reduce_sum3A_479 [1] : vector<1x8xi32> to vector<1xi32>
    %broadcast_in_dim3A_481 = vector.shape_cast %reduce_sum3A_480 : vector<1xi32> to vector<1x1xi32>
    %jit3A_482 = arith.constant 512 : i32
    %div3A_483 = vector.broadcast %jit3A_482 : i32 to vector<1x1xi32>
    %div3A_484 = arith.divsi %broadcast_in_dim3A_481, %div3A_483 : vector<1x1xi32>
    %sign3A_485 = arith.constant 0 : i32
    %sign3A_486 = vector.broadcast %sign3A_485 : i32 to vector<1x1xi32>
    %sign3A_487 = arith.cmpi sgt, %broadcast_in_dim3A_481, %sign3A_486 : vector<1x1xi32>
    %sign3A_488 = arith.extui %sign3A_487 : vector<1x1xi1> to vector<1x1xi32>
    %sign3A_489 = arith.constant 0 : i32
    %sign3A_490 = vector.broadcast %sign3A_489 : i32 to vector<1x1xi32>
    %sign3A_491 = arith.cmpi slt, %broadcast_in_dim3A_481, %sign3A_490 : vector<1x1xi32>
    %sign3A_492 = arith.extui %sign3A_491 : vector<1x1xi1> to vector<1x1xi32>
    %sign3A_493 = arith.subi %sign3A_488, %sign3A_492 : vector<1x1xi32>
    %sign3A_494 = arith.constant 0 : i32
    %sign3A_495 = arith.cmpi sgt, %jit3A_482, %sign3A_494 : i32
    %sign3A_496 = arith.extui %sign3A_495 : i1 to i32
    %sign3A_497 = arith.constant 0 : i32
    %sign3A_498 = arith.cmpi slt, %jit3A_482, %sign3A_497 : i32
    %sign3A_499 = arith.extui %sign3A_498 : i1 to i32
    %sign3A_500 = arith.subi %sign3A_496, %sign3A_499 : i32
    %ne3A_501 = vector.broadcast %sign3A_500 : i32 to vector<1x1xi32>
    %ne3A_502 = arith.cmpi ne, %sign3A_493, %ne3A_501 : vector<1x1xi32>
    %rem3A_503 = vector.broadcast %jit3A_482 : i32 to vector<1x1xi32>
    %rem3A_504 = arith.remsi %broadcast_in_dim3A_481, %rem3A_503 : vector<1x1xi32>
    %ne3A_505 = arith.constant 0 : i32
    %ne3A_506 = vector.broadcast %ne3A_505 : i32 to vector<1x1xi32>
    %ne3A_507 = arith.cmpi ne, %rem3A_504, %ne3A_506 : vector<1x1xi32>
    %and3A_508 = arith.andi %ne3A_502, %ne3A_507 : vector<1x1xi1>
    %sub3A_509 = arith.constant 1 : i32
    %sub3A_510 = vector.broadcast %sub3A_509 : i32 to vector<1x1xi32>
    %sub3A_511 = arith.subi %div3A_484, %sub3A_510 : vector<1x1xi32>
    %select_n3A_512 = arith.select %and3A_508, %sub3A_511, %div3A_484 : vector<1x1xi1>, vector<1x1xi32>
    %eq3A_513 = arith.constant 0 : i32
    %eq3A_514 = vector.broadcast %eq3A_513 : i32 to vector<1x8xi32>
    %eq3A_515 = arith.cmpi eq, %iota3A_266, %eq3A_514 : vector<1x8xi32>
    %jit3A_516 = arith.constant 0 : i32
    %broadcast_in_dim3A_517 = vector.broadcast %jit3A_516 : i32 to vector<1x8xi32>
    %select_n3A_518 = arith.select %eq3A_515, %select_n3A_301, %broadcast_in_dim3A_517 : vector<1x8xi1>, vector<1x8xi32>
    %reduce_sum3A_519 = arith.constant dense<0> : vector<1xi32>
    %reduce_sum3A_520 = vector.multi_reduction <add>, %select_n3A_518, %reduce_sum3A_519 [1] : vector<1x8xi32> to vector<1xi32>
    %broadcast_in_dim3A_521 = vector.shape_cast %reduce_sum3A_520 : vector<1xi32> to vector<1x1xi32>
    %ge3A = vector.broadcast %select_n3A_512 : vector<1x1xi32> to vector<1x24xi32>
    %ge3A_522 = arith.cmpi sge, %iota3A_470, %ge3A : vector<1x24xi32>
    %add3A_523 = arith.addi %select_n3A_512, %broadcast_in_dim3A_521 : vector<1x1xi32>
    %lt3A_524 = vector.broadcast %add3A_523 : vector<1x1xi32> to vector<1x24xi32>
    %lt3A_525 = arith.cmpi slt, %iota3A_470, %lt3A_524 : vector<1x24xi32>
    %and3A_526 = arith.andi %ge3A_522, %lt3A_525 : vector<1x24xi1>
    %jit3A_527 = arith.constant 0 : i32
    %broadcast_in_dim3A_528 = vector.broadcast %jit3A_527 : i32 to vector<1x24xi32>
    %select_n3A_529 = arith.select %and3A_526, %broadcast_in_dim3A_528, %broadcast_in_dim3A_472 : vector<1x24xi1>, vector<1x24xi32>
    %eq3A_530 = arith.constant 1 : i32
    %eq3A_531 = vector.broadcast %eq3A_530 : i32 to vector<1x8xi32>
    %eq3A_532 = arith.cmpi eq, %iota3A_266, %eq3A_531 : vector<1x8xi32>
    %jit3A_533 = arith.constant 0 : i32
    %broadcast_in_dim3A_534 = vector.broadcast %jit3A_533 : i32 to vector<1x8xi32>
    %select_n3A_535 = arith.select %eq3A_532, %select_n3A_443, %broadcast_in_dim3A_534 : vector<1x8xi1>, vector<1x8xi32>
    %reduce_sum3A_536 = arith.constant dense<0> : vector<1xi32>
    %reduce_sum3A_537 = vector.multi_reduction <add>, %select_n3A_535, %reduce_sum3A_536 [1] : vector<1x8xi32> to vector<1xi32>
    %broadcast_in_dim3A_538 = vector.shape_cast %reduce_sum3A_537 : vector<1xi32> to vector<1x1xi32>
    %jit3A_539 = arith.constant 512 : i32
    %div3A_540 = vector.broadcast %jit3A_539 : i32 to vector<1x1xi32>
    %div3A_541 = arith.divsi %broadcast_in_dim3A_538, %div3A_540 : vector<1x1xi32>
    %sign3A_542 = arith.constant 0 : i32
    %sign3A_543 = vector.broadcast %sign3A_542 : i32 to vector<1x1xi32>
    %sign3A_544 = arith.cmpi sgt, %broadcast_in_dim3A_538, %sign3A_543 : vector<1x1xi32>
    %sign3A_545 = arith.extui %sign3A_544 : vector<1x1xi1> to vector<1x1xi32>
    %sign3A_546 = arith.constant 0 : i32
    %sign3A_547 = vector.broadcast %sign3A_546 : i32 to vector<1x1xi32>
    %sign3A_548 = arith.cmpi slt, %broadcast_in_dim3A_538, %sign3A_547 : vector<1x1xi32>
    %sign3A_549 = arith.extui %sign3A_548 : vector<1x1xi1> to vector<1x1xi32>
    %sign3A_550 = arith.subi %sign3A_545, %sign3A_549 : vector<1x1xi32>
    %sign3A_551 = arith.constant 0 : i32
    %sign3A_552 = arith.cmpi sgt, %jit3A_539, %sign3A_551 : i32
    %sign3A_553 = arith.extui %sign3A_552 : i1 to i32
    %sign3A_554 = arith.constant 0 : i32
    %sign3A_555 = arith.cmpi slt, %jit3A_539, %sign3A_554 : i32
    %sign3A_556 = arith.extui %sign3A_555 : i1 to i32
    %sign3A_557 = arith.subi %sign3A_553, %sign3A_556 : i32
    %ne3A_558 = vector.broadcast %sign3A_557 : i32 to vector<1x1xi32>
    %ne3A_559 = arith.cmpi ne, %sign3A_550, %ne3A_558 : vector<1x1xi32>
    %rem3A_560 = vector.broadcast %jit3A_539 : i32 to vector<1x1xi32>
    %rem3A_561 = arith.remsi %broadcast_in_dim3A_538, %rem3A_560 : vector<1x1xi32>
    %ne3A_562 = arith.constant 0 : i32
    %ne3A_563 = vector.broadcast %ne3A_562 : i32 to vector<1x1xi32>
    %ne3A_564 = arith.cmpi ne, %rem3A_561, %ne3A_563 : vector<1x1xi32>
    %and3A_565 = arith.andi %ne3A_559, %ne3A_564 : vector<1x1xi1>
    %sub3A_566 = arith.constant 1 : i32
    %sub3A_567 = vector.broadcast %sub3A_566 : i32 to vector<1x1xi32>
    %sub3A_568 = arith.subi %div3A_541, %sub3A_567 : vector<1x1xi32>
    %select_n3A_569 = arith.select %and3A_565, %sub3A_568, %div3A_541 : vector<1x1xi1>, vector<1x1xi32>
    %eq3A_570 = arith.constant 1 : i32
    %eq3A_571 = vector.broadcast %eq3A_570 : i32 to vector<1x8xi32>
    %eq3A_572 = arith.cmpi eq, %iota3A_266, %eq3A_571 : vector<1x8xi32>
    %jit3A_573 = arith.constant 0 : i32
    %broadcast_in_dim3A_574 = vector.broadcast %jit3A_573 : i32 to vector<1x8xi32>
    %select_n3A_575 = arith.select %eq3A_572, %select_n3A_301, %broadcast_in_dim3A_574 : vector<1x8xi1>, vector<1x8xi32>
    %reduce_sum3A_576 = arith.constant dense<0> : vector<1xi32>
    %reduce_sum3A_577 = vector.multi_reduction <add>, %select_n3A_575, %reduce_sum3A_576 [1] : vector<1x8xi32> to vector<1xi32>
    %broadcast_in_dim3A_578 = vector.shape_cast %reduce_sum3A_577 : vector<1xi32> to vector<1x1xi32>
    %ge3A_579 = vector.broadcast %select_n3A_569 : vector<1x1xi32> to vector<1x24xi32>
    %ge3A_580 = arith.cmpi sge, %iota3A_470, %ge3A_579 : vector<1x24xi32>
    %add3A_581 = arith.addi %select_n3A_569, %broadcast_in_dim3A_578 : vector<1x1xi32>
    %lt3A_582 = vector.broadcast %add3A_581 : vector<1x1xi32> to vector<1x24xi32>
    %lt3A_583 = arith.cmpi slt, %iota3A_470, %lt3A_582 : vector<1x24xi32>
    %and3A_584 = arith.andi %ge3A_580, %lt3A_583 : vector<1x24xi1>
    %jit3A_585 = arith.constant 1 : i32
    %broadcast_in_dim3A_586 = vector.broadcast %jit3A_585 : i32 to vector<1x24xi32>
    %select_n3A_587 = arith.select %and3A_584, %broadcast_in_dim3A_586, %select_n3A_529 : vector<1x24xi1>, vector<1x24xi32>
    %eq3A_588 = arith.constant 2 : i32
    %eq3A_589 = vector.broadcast %eq3A_588 : i32 to vector<1x8xi32>
    %eq3A_590 = arith.cmpi eq, %iota3A_266, %eq3A_589 : vector<1x8xi32>
    %jit3A_591 = arith.constant 0 : i32
    %broadcast_in_dim3A_592 = vector.broadcast %jit3A_591 : i32 to vector<1x8xi32>
    %select_n3A_593 = arith.select %eq3A_590, %select_n3A_443, %broadcast_in_dim3A_592 : vector<1x8xi1>, vector<1x8xi32>
    %reduce_sum3A_594 = arith.constant dense<0> : vector<1xi32>
    %reduce_sum3A_595 = vector.multi_reduction <add>, %select_n3A_593, %reduce_sum3A_594 [1] : vector<1x8xi32> to vector<1xi32>
    %broadcast_in_dim3A_596 = vector.shape_cast %reduce_sum3A_595 : vector<1xi32> to vector<1x1xi32>
    %jit3A_597 = arith.constant 512 : i32
    %div3A_598 = vector.broadcast %jit3A_597 : i32 to vector<1x1xi32>
    %div3A_599 = arith.divsi %broadcast_in_dim3A_596, %div3A_598 : vector<1x1xi32>
    %sign3A_600 = arith.constant 0 : i32
    %sign3A_601 = vector.broadcast %sign3A_600 : i32 to vector<1x1xi32>
    %sign3A_602 = arith.cmpi sgt, %broadcast_in_dim3A_596, %sign3A_601 : vector<1x1xi32>
    %sign3A_603 = arith.extui %sign3A_602 : vector<1x1xi1> to vector<1x1xi32>
    %sign3A_604 = arith.constant 0 : i32
    %sign3A_605 = vector.broadcast %sign3A_604 : i32 to vector<1x1xi32>
    %sign3A_606 = arith.cmpi slt, %broadcast_in_dim3A_596, %sign3A_605 : vector<1x1xi32>
    %sign3A_607 = arith.extui %sign3A_606 : vector<1x1xi1> to vector<1x1xi32>
    %sign3A_608 = arith.subi %sign3A_603, %sign3A_607 : vector<1x1xi32>
    %sign3A_609 = arith.constant 0 : i32
    %sign3A_610 = arith.cmpi sgt, %jit3A_597, %sign3A_609 : i32
    %sign3A_611 = arith.extui %sign3A_610 : i1 to i32
    %sign3A_612 = arith.constant 0 : i32
    %sign3A_613 = arith.cmpi slt, %jit3A_597, %sign3A_612 : i32
    %sign3A_614 = arith.extui %sign3A_613 : i1 to i32
    %sign3A_615 = arith.subi %sign3A_611, %sign3A_614 : i32
    %ne3A_616 = vector.broadcast %sign3A_615 : i32 to vector<1x1xi32>
    %ne3A_617 = arith.cmpi ne, %sign3A_608, %ne3A_616 : vector<1x1xi32>
    %rem3A_618 = vector.broadcast %jit3A_597 : i32 to vector<1x1xi32>
    %rem3A_619 = arith.remsi %broadcast_in_dim3A_596, %rem3A_618 : vector<1x1xi32>
    %ne3A_620 = arith.constant 0 : i32
    %ne3A_621 = vector.broadcast %ne3A_620 : i32 to vector<1x1xi32>
    %ne3A_622 = arith.cmpi ne, %rem3A_619, %ne3A_621 : vector<1x1xi32>
    %and3A_623 = arith.andi %ne3A_617, %ne3A_622 : vector<1x1xi1>
    %sub3A_624 = arith.constant 1 : i32
    %sub3A_625 = vector.broadcast %sub3A_624 : i32 to vector<1x1xi32>
    %sub3A_626 = arith.subi %div3A_599, %sub3A_625 : vector<1x1xi32>
    %select_n3A_627 = arith.select %and3A_623, %sub3A_626, %div3A_599 : vector<1x1xi1>, vector<1x1xi32>
    %eq3A_628 = arith.constant 2 : i32
    %eq3A_629 = vector.broadcast %eq3A_628 : i32 to vector<1x8xi32>
    %eq3A_630 = arith.cmpi eq, %iota3A_266, %eq3A_629 : vector<1x8xi32>
    %jit3A_631 = arith.constant 0 : i32
    %broadcast_in_dim3A_632 = vector.broadcast %jit3A_631 : i32 to vector<1x8xi32>
    %select_n3A_633 = arith.select %eq3A_630, %select_n3A_301, %broadcast_in_dim3A_632 : vector<1x8xi1>, vector<1x8xi32>
    %reduce_sum3A_634 = arith.constant dense<0> : vector<1xi32>
    %reduce_sum3A_635 = vector.multi_reduction <add>, %select_n3A_633, %reduce_sum3A_634 [1] : vector<1x8xi32> to vector<1xi32>
    %broadcast_in_dim3A_636 = vector.shape_cast %reduce_sum3A_635 : vector<1xi32> to vector<1x1xi32>
    %ge3A_637 = vector.broadcast %select_n3A_627 : vector<1x1xi32> to vector<1x24xi32>
    %ge3A_638 = arith.cmpi sge, %iota3A_470, %ge3A_637 : vector<1x24xi32>
    %add3A_639 = arith.addi %select_n3A_627, %broadcast_in_dim3A_636 : vector<1x1xi32>
    %lt3A_640 = vector.broadcast %add3A_639 : vector<1x1xi32> to vector<1x24xi32>
    %lt3A_641 = arith.cmpi slt, %iota3A_470, %lt3A_640 : vector<1x24xi32>
    %and3A_642 = arith.andi %ge3A_638, %lt3A_641 : vector<1x24xi1>
    %jit3A_643 = arith.constant 2 : i32
    %broadcast_in_dim3A_644 = vector.broadcast %jit3A_643 : i32 to vector<1x24xi32>
    %select_n3A_645 = arith.select %and3A_642, %broadcast_in_dim3A_644, %select_n3A_587 : vector<1x24xi1>, vector<1x24xi32>
    %eq3A_646 = arith.constant 3 : i32
    %eq3A_647 = vector.broadcast %eq3A_646 : i32 to vector<1x8xi32>
    %eq3A_648 = arith.cmpi eq, %iota3A_266, %eq3A_647 : vector<1x8xi32>
    %jit3A_649 = arith.constant 0 : i32
    %broadcast_in_dim3A_650 = vector.broadcast %jit3A_649 : i32 to vector<1x8xi32>
    %select_n3A_651 = arith.select %eq3A_648, %select_n3A_443, %broadcast_in_dim3A_650 : vector<1x8xi1>, vector<1x8xi32>
    %reduce_sum3A_652 = arith.constant dense<0> : vector<1xi32>
    %reduce_sum3A_653 = vector.multi_reduction <add>, %select_n3A_651, %reduce_sum3A_652 [1] : vector<1x8xi32> to vector<1xi32>
    %broadcast_in_dim3A_654 = vector.shape_cast %reduce_sum3A_653 : vector<1xi32> to vector<1x1xi32>
    %jit3A_655 = arith.constant 512 : i32
    %div3A_656 = vector.broadcast %jit3A_655 : i32 to vector<1x1xi32>
    %div3A_657 = arith.divsi %broadcast_in_dim3A_654, %div3A_656 : vector<1x1xi32>
    %sign3A_658 = arith.constant 0 : i32
    %sign3A_659 = vector.broadcast %sign3A_658 : i32 to vector<1x1xi32>
    %sign3A_660 = arith.cmpi sgt, %broadcast_in_dim3A_654, %sign3A_659 : vector<1x1xi32>
    %sign3A_661 = arith.extui %sign3A_660 : vector<1x1xi1> to vector<1x1xi32>
    %sign3A_662 = arith.constant 0 : i32
    %sign3A_663 = vector.broadcast %sign3A_662 : i32 to vector<1x1xi32>
    %sign3A_664 = arith.cmpi slt, %broadcast_in_dim3A_654, %sign3A_663 : vector<1x1xi32>
    %sign3A_665 = arith.extui %sign3A_664 : vector<1x1xi1> to vector<1x1xi32>
    %sign3A_666 = arith.subi %sign3A_661, %sign3A_665 : vector<1x1xi32>
    %sign3A_667 = arith.constant 0 : i32
    %sign3A_668 = arith.cmpi sgt, %jit3A_655, %sign3A_667 : i32
    %sign3A_669 = arith.extui %sign3A_668 : i1 to i32
    %sign3A_670 = arith.constant 0 : i32
    %sign3A_671 = arith.cmpi slt, %jit3A_655, %sign3A_670 : i32
    %sign3A_672 = arith.extui %sign3A_671 : i1 to i32
    %sign3A_673 = arith.subi %sign3A_669, %sign3A_672 : i32
    %ne3A_674 = vector.broadcast %sign3A_673 : i32 to vector<1x1xi32>
    %ne3A_675 = arith.cmpi ne, %sign3A_666, %ne3A_674 : vector<1x1xi32>
    %rem3A_676 = vector.broadcast %jit3A_655 : i32 to vector<1x1xi32>
    %rem3A_677 = arith.remsi %broadcast_in_dim3A_654, %rem3A_676 : vector<1x1xi32>
    %ne3A_678 = arith.constant 0 : i32
    %ne3A_679 = vector.broadcast %ne3A_678 : i32 to vector<1x1xi32>
    %ne3A_680 = arith.cmpi ne, %rem3A_677, %ne3A_679 : vector<1x1xi32>
    %and3A_681 = arith.andi %ne3A_675, %ne3A_680 : vector<1x1xi1>
    %sub3A_682 = arith.constant 1 : i32
    %sub3A_683 = vector.broadcast %sub3A_682 : i32 to vector<1x1xi32>
    %sub3A_684 = arith.subi %div3A_657, %sub3A_683 : vector<1x1xi32>
    %select_n3A_685 = arith.select %and3A_681, %sub3A_684, %div3A_657 : vector<1x1xi1>, vector<1x1xi32>
    %eq3A_686 = arith.constant 3 : i32
    %eq3A_687 = vector.broadcast %eq3A_686 : i32 to vector<1x8xi32>
    %eq3A_688 = arith.cmpi eq, %iota3A_266, %eq3A_687 : vector<1x8xi32>
    %jit3A_689 = arith.constant 0 : i32
    %broadcast_in_dim3A_690 = vector.broadcast %jit3A_689 : i32 to vector<1x8xi32>
    %select_n3A_691 = arith.select %eq3A_688, %select_n3A_301, %broadcast_in_dim3A_690 : vector<1x8xi1>, vector<1x8xi32>
    %reduce_sum3A_692 = arith.constant dense<0> : vector<1xi32>
    %reduce_sum3A_693 = vector.multi_reduction <add>, %select_n3A_691, %reduce_sum3A_692 [1] : vector<1x8xi32> to vector<1xi32>
    %broadcast_in_dim3A_694 = vector.shape_cast %reduce_sum3A_693 : vector<1xi32> to vector<1x1xi32>
    %ge3A_695 = vector.broadcast %select_n3A_685 : vector<1x1xi32> to vector<1x24xi32>
    %ge3A_696 = arith.cmpi sge, %iota3A_470, %ge3A_695 : vector<1x24xi32>
    %add3A_697 = arith.addi %select_n3A_685, %broadcast_in_dim3A_694 : vector<1x1xi32>
    %lt3A_698 = vector.broadcast %add3A_697 : vector<1x1xi32> to vector<1x24xi32>
    %lt3A_699 = arith.cmpi slt, %iota3A_470, %lt3A_698 : vector<1x24xi32>
    %and3A_700 = arith.andi %ge3A_696, %lt3A_699 : vector<1x24xi1>
    %jit3A_701 = arith.constant 3 : i32
    %broadcast_in_dim3A_702 = vector.broadcast %jit3A_701 : i32 to vector<1x24xi32>
    %select_n3A_703 = arith.select %and3A_700, %broadcast_in_dim3A_702, %select_n3A_645 : vector<1x24xi1>, vector<1x24xi32>
    %eq3A_704 = arith.constant 4 : i32
    %eq3A_705 = vector.broadcast %eq3A_704 : i32 to vector<1x8xi32>
    %eq3A_706 = arith.cmpi eq, %iota3A_266, %eq3A_705 : vector<1x8xi32>
    %jit3A_707 = arith.constant 0 : i32
    %broadcast_in_dim3A_708 = vector.broadcast %jit3A_707 : i32 to vector<1x8xi32>
    %select_n3A_709 = arith.select %eq3A_706, %select_n3A_443, %broadcast_in_dim3A_708 : vector<1x8xi1>, vector<1x8xi32>
    %reduce_sum3A_710 = arith.constant dense<0> : vector<1xi32>
    %reduce_sum3A_711 = vector.multi_reduction <add>, %select_n3A_709, %reduce_sum3A_710 [1] : vector<1x8xi32> to vector<1xi32>
    %broadcast_in_dim3A_712 = vector.shape_cast %reduce_sum3A_711 : vector<1xi32> to vector<1x1xi32>
    %jit3A_713 = arith.constant 512 : i32
    %div3A_714 = vector.broadcast %jit3A_713 : i32 to vector<1x1xi32>
    %div3A_715 = arith.divsi %broadcast_in_dim3A_712, %div3A_714 : vector<1x1xi32>
    %sign3A_716 = arith.constant 0 : i32
    %sign3A_717 = vector.broadcast %sign3A_716 : i32 to vector<1x1xi32>
    %sign3A_718 = arith.cmpi sgt, %broadcast_in_dim3A_712, %sign3A_717 : vector<1x1xi32>
    %sign3A_719 = arith.extui %sign3A_718 : vector<1x1xi1> to vector<1x1xi32>
    %sign3A_720 = arith.constant 0 : i32
    %sign3A_721 = vector.broadcast %sign3A_720 : i32 to vector<1x1xi32>
    %sign3A_722 = arith.cmpi slt, %broadcast_in_dim3A_712, %sign3A_721 : vector<1x1xi32>
    %sign3A_723 = arith.extui %sign3A_722 : vector<1x1xi1> to vector<1x1xi32>
    %sign3A_724 = arith.subi %sign3A_719, %sign3A_723 : vector<1x1xi32>
    %sign3A_725 = arith.constant 0 : i32
    %sign3A_726 = arith.cmpi sgt, %jit3A_713, %sign3A_725 : i32
    %sign3A_727 = arith.extui %sign3A_726 : i1 to i32
    %sign3A_728 = arith.constant 0 : i32
    %sign3A_729 = arith.cmpi slt, %jit3A_713, %sign3A_728 : i32
    %sign3A_730 = arith.extui %sign3A_729 : i1 to i32
    %sign3A_731 = arith.subi %sign3A_727, %sign3A_730 : i32
    %ne3A_732 = vector.broadcast %sign3A_731 : i32 to vector<1x1xi32>
    %ne3A_733 = arith.cmpi ne, %sign3A_724, %ne3A_732 : vector<1x1xi32>
    %rem3A_734 = vector.broadcast %jit3A_713 : i32 to vector<1x1xi32>
    %rem3A_735 = arith.remsi %broadcast_in_dim3A_712, %rem3A_734 : vector<1x1xi32>
    %ne3A_736 = arith.constant 0 : i32
    %ne3A_737 = vector.broadcast %ne3A_736 : i32 to vector<1x1xi32>
    %ne3A_738 = arith.cmpi ne, %rem3A_735, %ne3A_737 : vector<1x1xi32>
    %and3A_739 = arith.andi %ne3A_733, %ne3A_738 : vector<1x1xi1>
    %sub3A_740 = arith.constant 1 : i32
    %sub3A_741 = vector.broadcast %sub3A_740 : i32 to vector<1x1xi32>
    %sub3A_742 = arith.subi %div3A_715, %sub3A_741 : vector<1x1xi32>
    %select_n3A_743 = arith.select %and3A_739, %sub3A_742, %div3A_715 : vector<1x1xi1>, vector<1x1xi32>
    %eq3A_744 = arith.constant 4 : i32
    %eq3A_745 = vector.broadcast %eq3A_744 : i32 to vector<1x8xi32>
    %eq3A_746 = arith.cmpi eq, %iota3A_266, %eq3A_745 : vector<1x8xi32>
    %jit3A_747 = arith.constant 0 : i32
    %broadcast_in_dim3A_748 = vector.broadcast %jit3A_747 : i32 to vector<1x8xi32>
    %select_n3A_749 = arith.select %eq3A_746, %select_n3A_301, %broadcast_in_dim3A_748 : vector<1x8xi1>, vector<1x8xi32>
    %reduce_sum3A_750 = arith.constant dense<0> : vector<1xi32>
    %reduce_sum3A_751 = vector.multi_reduction <add>, %select_n3A_749, %reduce_sum3A_750 [1] : vector<1x8xi32> to vector<1xi32>
    %broadcast_in_dim3A_752 = vector.shape_cast %reduce_sum3A_751 : vector<1xi32> to vector<1x1xi32>
    %ge3A_753 = vector.broadcast %select_n3A_743 : vector<1x1xi32> to vector<1x24xi32>
    %ge3A_754 = arith.cmpi sge, %iota3A_470, %ge3A_753 : vector<1x24xi32>
    %add3A_755 = arith.addi %select_n3A_743, %broadcast_in_dim3A_752 : vector<1x1xi32>
    %lt3A_756 = vector.broadcast %add3A_755 : vector<1x1xi32> to vector<1x24xi32>
    %lt3A_757 = arith.cmpi slt, %iota3A_470, %lt3A_756 : vector<1x24xi32>
    %and3A_758 = arith.andi %ge3A_754, %lt3A_757 : vector<1x24xi1>
    %jit3A_759 = arith.constant 4 : i32
    %broadcast_in_dim3A_760 = vector.broadcast %jit3A_759 : i32 to vector<1x24xi32>
    %select_n3A_761 = arith.select %and3A_758, %broadcast_in_dim3A_760, %select_n3A_703 : vector<1x24xi1>, vector<1x24xi32>
    %eq3A_762 = arith.constant 5 : i32
    %eq3A_763 = vector.broadcast %eq3A_762 : i32 to vector<1x8xi32>
    %eq3A_764 = arith.cmpi eq, %iota3A_266, %eq3A_763 : vector<1x8xi32>
    %jit3A_765 = arith.constant 0 : i32
    %broadcast_in_dim3A_766 = vector.broadcast %jit3A_765 : i32 to vector<1x8xi32>
    %select_n3A_767 = arith.select %eq3A_764, %select_n3A_443, %broadcast_in_dim3A_766 : vector<1x8xi1>, vector<1x8xi32>
    %reduce_sum3A_768 = arith.constant dense<0> : vector<1xi32>
    %reduce_sum3A_769 = vector.multi_reduction <add>, %select_n3A_767, %reduce_sum3A_768 [1] : vector<1x8xi32> to vector<1xi32>
    %broadcast_in_dim3A_770 = vector.shape_cast %reduce_sum3A_769 : vector<1xi32> to vector<1x1xi32>
    %jit3A_771 = arith.constant 512 : i32
    %div3A_772 = vector.broadcast %jit3A_771 : i32 to vector<1x1xi32>
    %div3A_773 = arith.divsi %broadcast_in_dim3A_770, %div3A_772 : vector<1x1xi32>
    %sign3A_774 = arith.constant 0 : i32
    %sign3A_775 = vector.broadcast %sign3A_774 : i32 to vector<1x1xi32>
    %sign3A_776 = arith.cmpi sgt, %broadcast_in_dim3A_770, %sign3A_775 : vector<1x1xi32>
    %sign3A_777 = arith.extui %sign3A_776 : vector<1x1xi1> to vector<1x1xi32>
    %sign3A_778 = arith.constant 0 : i32
    %sign3A_779 = vector.broadcast %sign3A_778 : i32 to vector<1x1xi32>
    %sign3A_780 = arith.cmpi slt, %broadcast_in_dim3A_770, %sign3A_779 : vector<1x1xi32>
    %sign3A_781 = arith.extui %sign3A_780 : vector<1x1xi1> to vector<1x1xi32>
    %sign3A_782 = arith.subi %sign3A_777, %sign3A_781 : vector<1x1xi32>
    %sign3A_783 = arith.constant 0 : i32
    %sign3A_784 = arith.cmpi sgt, %jit3A_771, %sign3A_783 : i32
    %sign3A_785 = arith.extui %sign3A_784 : i1 to i32
    %sign3A_786 = arith.constant 0 : i32
    %sign3A_787 = arith.cmpi slt, %jit3A_771, %sign3A_786 : i32
    %sign3A_788 = arith.extui %sign3A_787 : i1 to i32
    %sign3A_789 = arith.subi %sign3A_785, %sign3A_788 : i32
    %ne3A_790 = vector.broadcast %sign3A_789 : i32 to vector<1x1xi32>
    %ne3A_791 = arith.cmpi ne, %sign3A_782, %ne3A_790 : vector<1x1xi32>
    %rem3A_792 = vector.broadcast %jit3A_771 : i32 to vector<1x1xi32>
    %rem3A_793 = arith.remsi %broadcast_in_dim3A_770, %rem3A_792 : vector<1x1xi32>
    %ne3A_794 = arith.constant 0 : i32
    %ne3A_795 = vector.broadcast %ne3A_794 : i32 to vector<1x1xi32>
    %ne3A_796 = arith.cmpi ne, %rem3A_793, %ne3A_795 : vector<1x1xi32>
    %and3A_797 = arith.andi %ne3A_791, %ne3A_796 : vector<1x1xi1>
    %sub3A_798 = arith.constant 1 : i32
    %sub3A_799 = vector.broadcast %sub3A_798 : i32 to vector<1x1xi32>
    %sub3A_800 = arith.subi %div3A_773, %sub3A_799 : vector<1x1xi32>
    %select_n3A_801 = arith.select %and3A_797, %sub3A_800, %div3A_773 : vector<1x1xi1>, vector<1x1xi32>
    %eq3A_802 = arith.constant 5 : i32
    %eq3A_803 = vector.broadcast %eq3A_802 : i32 to vector<1x8xi32>
    %eq3A_804 = arith.cmpi eq, %iota3A_266, %eq3A_803 : vector<1x8xi32>
    %jit3A_805 = arith.constant 0 : i32
    %broadcast_in_dim3A_806 = vector.broadcast %jit3A_805 : i32 to vector<1x8xi32>
    %select_n3A_807 = arith.select %eq3A_804, %select_n3A_301, %broadcast_in_dim3A_806 : vector<1x8xi1>, vector<1x8xi32>
    %reduce_sum3A_808 = arith.constant dense<0> : vector<1xi32>
    %reduce_sum3A_809 = vector.multi_reduction <add>, %select_n3A_807, %reduce_sum3A_808 [1] : vector<1x8xi32> to vector<1xi32>
    %broadcast_in_dim3A_810 = vector.shape_cast %reduce_sum3A_809 : vector<1xi32> to vector<1x1xi32>
    %ge3A_811 = vector.broadcast %select_n3A_801 : vector<1x1xi32> to vector<1x24xi32>
    %ge3A_812 = arith.cmpi sge, %iota3A_470, %ge3A_811 : vector<1x24xi32>
    %add3A_813 = arith.addi %select_n3A_801, %broadcast_in_dim3A_810 : vector<1x1xi32>
    %lt3A_814 = vector.broadcast %add3A_813 : vector<1x1xi32> to vector<1x24xi32>
    %lt3A_815 = arith.cmpi slt, %iota3A_470, %lt3A_814 : vector<1x24xi32>
    %and3A_816 = arith.andi %ge3A_812, %lt3A_815 : vector<1x24xi1>
    %jit3A_817 = arith.constant 5 : i32
    %broadcast_in_dim3A_818 = vector.broadcast %jit3A_817 : i32 to vector<1x24xi32>
    %select_n3A_819 = arith.select %and3A_816, %broadcast_in_dim3A_818, %select_n3A_761 : vector<1x24xi1>, vector<1x24xi32>
    %eq3A_820 = arith.constant 6 : i32
    %eq3A_821 = vector.broadcast %eq3A_820 : i32 to vector<1x8xi32>
    %eq3A_822 = arith.cmpi eq, %iota3A_266, %eq3A_821 : vector<1x8xi32>
    %jit3A_823 = arith.constant 0 : i32
    %broadcast_in_dim3A_824 = vector.broadcast %jit3A_823 : i32 to vector<1x8xi32>
    %select_n3A_825 = arith.select %eq3A_822, %select_n3A_443, %broadcast_in_dim3A_824 : vector<1x8xi1>, vector<1x8xi32>
    %reduce_sum3A_826 = arith.constant dense<0> : vector<1xi32>
    %reduce_sum3A_827 = vector.multi_reduction <add>, %select_n3A_825, %reduce_sum3A_826 [1] : vector<1x8xi32> to vector<1xi32>
    %broadcast_in_dim3A_828 = vector.shape_cast %reduce_sum3A_827 : vector<1xi32> to vector<1x1xi32>
    %jit3A_829 = arith.constant 512 : i32
    %div3A_830 = vector.broadcast %jit3A_829 : i32 to vector<1x1xi32>
    %div3A_831 = arith.divsi %broadcast_in_dim3A_828, %div3A_830 : vector<1x1xi32>
    %sign3A_832 = arith.constant 0 : i32
    %sign3A_833 = vector.broadcast %sign3A_832 : i32 to vector<1x1xi32>
    %sign3A_834 = arith.cmpi sgt, %broadcast_in_dim3A_828, %sign3A_833 : vector<1x1xi32>
    %sign3A_835 = arith.extui %sign3A_834 : vector<1x1xi1> to vector<1x1xi32>
    %sign3A_836 = arith.constant 0 : i32
    %sign3A_837 = vector.broadcast %sign3A_836 : i32 to vector<1x1xi32>
    %sign3A_838 = arith.cmpi slt, %broadcast_in_dim3A_828, %sign3A_837 : vector<1x1xi32>
    %sign3A_839 = arith.extui %sign3A_838 : vector<1x1xi1> to vector<1x1xi32>
    %sign3A_840 = arith.subi %sign3A_835, %sign3A_839 : vector<1x1xi32>
    %sign3A_841 = arith.constant 0 : i32
    %sign3A_842 = arith.cmpi sgt, %jit3A_829, %sign3A_841 : i32
    %sign3A_843 = arith.extui %sign3A_842 : i1 to i32
    %sign3A_844 = arith.constant 0 : i32
    %sign3A_845 = arith.cmpi slt, %jit3A_829, %sign3A_844 : i32
    %sign3A_846 = arith.extui %sign3A_845 : i1 to i32
    %sign3A_847 = arith.subi %sign3A_843, %sign3A_846 : i32
    %ne3A_848 = vector.broadcast %sign3A_847 : i32 to vector<1x1xi32>
    %ne3A_849 = arith.cmpi ne, %sign3A_840, %ne3A_848 : vector<1x1xi32>
    %rem3A_850 = vector.broadcast %jit3A_829 : i32 to vector<1x1xi32>
    %rem3A_851 = arith.remsi %broadcast_in_dim3A_828, %rem3A_850 : vector<1x1xi32>
    %ne3A_852 = arith.constant 0 : i32
    %ne3A_853 = vector.broadcast %ne3A_852 : i32 to vector<1x1xi32>
    %ne3A_854 = arith.cmpi ne, %rem3A_851, %ne3A_853 : vector<1x1xi32>
    %and3A_855 = arith.andi %ne3A_849, %ne3A_854 : vector<1x1xi1>
    %sub3A_856 = arith.constant 1 : i32
    %sub3A_857 = vector.broadcast %sub3A_856 : i32 to vector<1x1xi32>
    %sub3A_858 = arith.subi %div3A_831, %sub3A_857 : vector<1x1xi32>
    %select_n3A_859 = arith.select %and3A_855, %sub3A_858, %div3A_831 : vector<1x1xi1>, vector<1x1xi32>
    %eq3A_860 = arith.constant 6 : i32
    %eq3A_861 = vector.broadcast %eq3A_860 : i32 to vector<1x8xi32>
    %eq3A_862 = arith.cmpi eq, %iota3A_266, %eq3A_861 : vector<1x8xi32>
    %jit3A_863 = arith.constant 0 : i32
    %broadcast_in_dim3A_864 = vector.broadcast %jit3A_863 : i32 to vector<1x8xi32>
    %select_n3A_865 = arith.select %eq3A_862, %select_n3A_301, %broadcast_in_dim3A_864 : vector<1x8xi1>, vector<1x8xi32>
    %reduce_sum3A_866 = arith.constant dense<0> : vector<1xi32>
    %reduce_sum3A_867 = vector.multi_reduction <add>, %select_n3A_865, %reduce_sum3A_866 [1] : vector<1x8xi32> to vector<1xi32>
    %broadcast_in_dim3A_868 = vector.shape_cast %reduce_sum3A_867 : vector<1xi32> to vector<1x1xi32>
    %ge3A_869 = vector.broadcast %select_n3A_859 : vector<1x1xi32> to vector<1x24xi32>
    %ge3A_870 = arith.cmpi sge, %iota3A_470, %ge3A_869 : vector<1x24xi32>
    %add3A_871 = arith.addi %select_n3A_859, %broadcast_in_dim3A_868 : vector<1x1xi32>
    %lt3A_872 = vector.broadcast %add3A_871 : vector<1x1xi32> to vector<1x24xi32>
    %lt3A_873 = arith.cmpi slt, %iota3A_470, %lt3A_872 : vector<1x24xi32>
    %and3A_874 = arith.andi %ge3A_870, %lt3A_873 : vector<1x24xi1>
    %jit3A_875 = arith.constant 6 : i32
    %broadcast_in_dim3A_876 = vector.broadcast %jit3A_875 : i32 to vector<1x24xi32>
    %select_n3A_877 = arith.select %and3A_874, %broadcast_in_dim3A_876, %select_n3A_819 : vector<1x24xi1>, vector<1x24xi32>
    %eq3A_878 = arith.constant 7 : i32
    %eq3A_879 = vector.broadcast %eq3A_878 : i32 to vector<1x8xi32>
    %eq3A_880 = arith.cmpi eq, %iota3A_266, %eq3A_879 : vector<1x8xi32>
    %jit3A_881 = arith.constant 0 : i32
    %broadcast_in_dim3A_882 = vector.broadcast %jit3A_881 : i32 to vector<1x8xi32>
    %select_n3A_883 = arith.select %eq3A_880, %select_n3A_443, %broadcast_in_dim3A_882 : vector<1x8xi1>, vector<1x8xi32>
    %reduce_sum3A_884 = arith.constant dense<0> : vector<1xi32>
    %reduce_sum3A_885 = vector.multi_reduction <add>, %select_n3A_883, %reduce_sum3A_884 [1] : vector<1x8xi32> to vector<1xi32>
    %broadcast_in_dim3A_886 = vector.shape_cast %reduce_sum3A_885 : vector<1xi32> to vector<1x1xi32>
    %jit3A_887 = arith.constant 512 : i32
    %div3A_888 = vector.broadcast %jit3A_887 : i32 to vector<1x1xi32>
    %div3A_889 = arith.divsi %broadcast_in_dim3A_886, %div3A_888 : vector<1x1xi32>
    %sign3A_890 = arith.constant 0 : i32
    %sign3A_891 = vector.broadcast %sign3A_890 : i32 to vector<1x1xi32>
    %sign3A_892 = arith.cmpi sgt, %broadcast_in_dim3A_886, %sign3A_891 : vector<1x1xi32>
    %sign3A_893 = arith.extui %sign3A_892 : vector<1x1xi1> to vector<1x1xi32>
    %sign3A_894 = arith.constant 0 : i32
    %sign3A_895 = vector.broadcast %sign3A_894 : i32 to vector<1x1xi32>
    %sign3A_896 = arith.cmpi slt, %broadcast_in_dim3A_886, %sign3A_895 : vector<1x1xi32>
    %sign3A_897 = arith.extui %sign3A_896 : vector<1x1xi1> to vector<1x1xi32>
    %sign3A_898 = arith.subi %sign3A_893, %sign3A_897 : vector<1x1xi32>
    %sign3A_899 = arith.constant 0 : i32
    %sign3A_900 = arith.cmpi sgt, %jit3A_887, %sign3A_899 : i32
    %sign3A_901 = arith.extui %sign3A_900 : i1 to i32
    %sign3A_902 = arith.constant 0 : i32
    %sign3A_903 = arith.cmpi slt, %jit3A_887, %sign3A_902 : i32
    %sign3A_904 = arith.extui %sign3A_903 : i1 to i32
    %sign3A_905 = arith.subi %sign3A_901, %sign3A_904 : i32
    %ne3A_906 = vector.broadcast %sign3A_905 : i32 to vector<1x1xi32>
    %ne3A_907 = arith.cmpi ne, %sign3A_898, %ne3A_906 : vector<1x1xi32>
    %rem3A_908 = vector.broadcast %jit3A_887 : i32 to vector<1x1xi32>
    %rem3A_909 = arith.remsi %broadcast_in_dim3A_886, %rem3A_908 : vector<1x1xi32>
    %ne3A_910 = arith.constant 0 : i32
    %ne3A_911 = vector.broadcast %ne3A_910 : i32 to vector<1x1xi32>
    %ne3A_912 = arith.cmpi ne, %rem3A_909, %ne3A_911 : vector<1x1xi32>
    %and3A_913 = arith.andi %ne3A_907, %ne3A_912 : vector<1x1xi1>
    %sub3A_914 = arith.constant 1 : i32
    %sub3A_915 = vector.broadcast %sub3A_914 : i32 to vector<1x1xi32>
    %sub3A_916 = arith.subi %div3A_889, %sub3A_915 : vector<1x1xi32>
    %select_n3A_917 = arith.select %and3A_913, %sub3A_916, %div3A_889 : vector<1x1xi1>, vector<1x1xi32>
    %eq3A_918 = arith.constant 7 : i32
    %eq3A_919 = vector.broadcast %eq3A_918 : i32 to vector<1x8xi32>
    %eq3A_920 = arith.cmpi eq, %iota3A_266, %eq3A_919 : vector<1x8xi32>
    %jit3A_921 = arith.constant 0 : i32
    %broadcast_in_dim3A_922 = vector.broadcast %jit3A_921 : i32 to vector<1x8xi32>
    %select_n3A_923 = arith.select %eq3A_920, %select_n3A_301, %broadcast_in_dim3A_922 : vector<1x8xi1>, vector<1x8xi32>
    %reduce_sum3A_924 = arith.constant dense<0> : vector<1xi32>
    %reduce_sum3A_925 = vector.multi_reduction <add>, %select_n3A_923, %reduce_sum3A_924 [1] : vector<1x8xi32> to vector<1xi32>
    %broadcast_in_dim3A_926 = vector.shape_cast %reduce_sum3A_925 : vector<1xi32> to vector<1x1xi32>
    %ge3A_927 = vector.broadcast %select_n3A_917 : vector<1x1xi32> to vector<1x24xi32>
    %ge3A_928 = arith.cmpi sge, %iota3A_470, %ge3A_927 : vector<1x24xi32>
    %add3A_929 = arith.addi %select_n3A_917, %broadcast_in_dim3A_926 : vector<1x1xi32>
    %lt3A_930 = vector.broadcast %add3A_929 : vector<1x1xi32> to vector<1x24xi32>
    %lt3A_931 = arith.cmpi slt, %iota3A_470, %lt3A_930 : vector<1x24xi32>
    %and3A_932 = arith.andi %ge3A_928, %lt3A_931 : vector<1x24xi1>
    %jit3A_933 = arith.constant 7 : i32
    %broadcast_in_dim3A_934 = vector.broadcast %jit3A_933 : i32 to vector<1x24xi32>
    %select_n3A_935 = arith.select %and3A_932, %broadcast_in_dim3A_934, %select_n3A_877 : vector<1x24xi1>, vector<1x24xi32>
    %swap3A_936 = arith.constant 0 : index
    %swap3A_937 = arith.constant 0 : index
    %swap3A_938 = vector.load %arg6[%swap3A_936, %swap3A_937] : memref<1x24xi32, #tpu.memory_space<vmem>>, vector<1x24xi32>
    tpu.vector_store %arg6[%swap3A_936, %swap3A_937], %select_n3A_935 {strides = array<i32>} : memref<1x24xi32, #tpu.memory_space<vmem>>, vector<1x24xi32>,
    return
  }
  func.func @transform_0(%arg0: i32) -> (i32, i32) {
    %c0_i32 = arith.constant 0 : i32
    %c0_i32_0 = arith.constant 0 : i32
    %c0_i32_1 = arith.constant 0 : i32
    return %c0_i32, %c0_i32_0 : i32, i32
  }
  func.func @transform_1(%arg0: i32) -> (i32, i32) {
    %c0_i32 = arith.constant 0 : i32
    %c0_i32_0 = arith.constant 0 : i32
    %c0_i32_1 = arith.constant 0 : i32
    return %c0_i32, %c0_i32_0 : i32, i32
  }
  func.func @transform_2(%arg0: i32) -> (i32, i32) {
    %c0_i32 = arith.constant 0 : i32
    %c0_i32_0 = arith.constant 0 : i32
    %c0_i32_1 = arith.constant 0 : i32
    return %c0_i32, %c0_i32_0 : i32, i32
  }
  func.func @transform_3(%arg0: i32) -> (i32, i32) {
    %c0_i32 = arith.constant 0 : i32
    %c0_i32_0 = arith.constant 0 : i32
    %c0_i32_1 = arith.constant 0 : i32
    return %c0_i32, %c0_i32_0 : i32, i32
  }
  func.func @transform_4(%arg0: i32) -> (i32, i32) {
    %c0_i32 = arith.constant 0 : i32
    %c0_i32_0 = arith.constant 0 : i32
    %c0_i32_1 = arith.constant 0 : i32
    return %c0_i32, %c0_i32_0 : i32, i32
  }
  func.func @transform_5(%arg0: i32) -> (i32, i32) {
    %c0_i32 = arith.constant 0 : i32
    %c0_i32_0 = arith.constant 0 : i32
    %c0_i32_1 = arith.constant 0 : i32
    return %c0_i32, %c0_i32_0 : i32, i32
  }
}

</mosaic_0001>

<sc_bundles>
// kernel: _moe.10.cloned.1.call-start
scs
__scs_entry_jumppad:
0x0: {  	(pc) =	sbr.rel $0x88, $3  }
0x1: {  	(tag) =	ssettag $0x0;
	lr =	simm.s32 $0x1  }
0x2: {  	[smem:$0x3F9A] =	sst lr;
	_ =	strace $0xD0000000  }
0x3: {  	_ = 	snop  }
0x4: {  	_ = 	snop  }
0x5: {  	_ = 	snop  }
0x6: {  	_ = 	snop  }
0x7: {  	_ = 	snop  }
__scs_overlays_trampoline_lowered:
0x8: {  	[smem:$0x3FA9] =	sst s0  }
0x9: {  	[smem:$0x3FAA] =	sst s1  }
0xa: {  	[smem:$0x3FAB] =	sst s2  }
0xb: {  	[smem:$0x3FAC] =	sst s3  }
0xc: {  	[smem:$0x3FAD] =	sst s4  }
0xd: {  	[smem:$0x3FAE] =	sst s5  }
0xe: {  	[smem:$0x3FAF] =	sst s6  }
0xf: {  	[smem:$0x3FB0] =	sst s7  }
0x10: {  	[smem:$0x3FB1] =	sst s8  }
0x11: {  	[smem:$0x3FB2] =	sst s9;
	s0 =	simm.s32 @!p0 $0x0  }
0x12: {  	s1 =	sld [smem:$0x3F98];
	s0 =	simm.s32 @p0 $0x1  }
0x13: {  	[smem:$0x3FB3] =	sst s0;
	s0 =	simm.s32 @!p1 $0x0  }
0x14: {  	s2 =	sld [smem:$0x3F97];
	s0 =	simm.s32 @p1 $0x1  }
0x15: {  	[smem:$0x3FB4] =	sst s0;
	s0 =	simm.s32 @!p2 $0x0  }
0x16: {  	s3 =	sld [smem:$0x3FDB];
	s0 =	simm.s32 @p2 $0x1  }
0x17: {  	s4 =	simm.s32 $0x1BF5;
	[smem:$0x3FB6] =	sst s0  }
0x18: {  	s0 =	sld [smem:$0x3F99];
	_ =	swait.ge [sflag:s4], $0x0  }
0x19: {  	s7 =	sld [smem:$0x3F9A]  }
0x1a: {  	s8 =	sadd.s32 $0xFFFFE003, lr  }
0x1b: {  	s9 =	sadd.s32 $0xFFFFFEF7, lr;
	s5 =	simm.s32 $0xFFFFFFFF;
	p2 =	slt.u32 s8, $0xFFFFF086  }
0x1c: {  	p1 =	slt.u32 s9, $0xF7A;
	s5 =	simm.s32 @!p2 $0x0  }
0x1d: {  	s5 =	simm.s32 @p1 $0x1;
	p0 =	seq.s32 s7, s2  }
0x1e: {  	s7 =	smul.u32 @!p0 $0xF7A, s2;
	p2 =	seq.s32 @!p0 s5, $0x0  }
0x1f: {  	s9 =	smul.u32 $0xF7A, s1;
	s8 =	simm.s32 @!p0 $0x1BF5;
	p2 =	por !p2, p0  }
0x20: {  	[sflag:s8] =	ssyncset.s32 @!p0 $0xFFFFF086;
	s6 =	sadd.s32 @!p0 s3, s7;
	s7 =	simm.s32 @!p0 $0x108  }
0x21: {  	s3 =	sadd.s32 s3, s9;
	s6 =	sadd.s32 @!p0 $0x88, s6;
	s7 =	simm.s32 @p2 $0x1082  }
0x22: {  	[simem:s7], [sflag:s8] =	dma.local @!p0 [hbm:s6], $0xF7A  }
0x23: {  	s9 =	sor.u32 $0xD0000000, s2;
	s6 =	simm.s32 $0x108;
	_ =	swait.ge @!p0 [sflag:s8], $0x0  }
0x24: {  	s3 =	sadd.s32 $0x88, s3;
	s6 =	simm.s32 @!p1 $0x1082;
	[sflag:s4] =	ssyncset.s32 $0xFFFFF086  }
0x25: {  	[simem:s6], [sflag:s4] =	dma.local [hbm:s3], $0xF7A  }
0x26: {  	[smem:$0x3F9A] =	sst s1;
	(tag) =	ssettag s2;
	_ =	strace s9  }
0x27: {  	s1 =	sld [smem:$0x3FAA]  }
0x28: {  	s2 =	sld [smem:$0x3FAB]  }
0x29: {  	s4 =	sld [smem:$0x3FAD]  }
0x2a: {  	p0 =	seq.s32 s5, $0x0;
	s5 =	sld [smem:$0x3FAE]  }
0x2b: {  	s6 =	sld [smem:$0x3FAF]  }
0x2c: {  	s7 =	sld [smem:$0x3FB0]  }
0x2d: {  	s3 =	simm.s32 $0x108;
	s8 =	sld [smem:$0x3FB1]  }
0x2e: {  	s3 =	simm.s32 @!p0 $0x1082;
	s9 =	sld [smem:$0x3FB2]  }
0x2f: {  	lr =	sadd.s32 s0, s3;
	s0 =	sld [smem:$0x3FA9]  }
0x30: {  	s3 =	sld [smem:$0x3FAC]  }
0x31: {  	[smem:$0x3FB5] =	sst s10  }
0x32: {  	s10 =	sld [smem:$0x3FB3];
	_ =	sdelay $0x3  }
0x33: {  	p0 =	seq.s32 s10, $0x1;
	s10 =	sld [smem:$0x3FB5];
	_ =	sdelay $0x3  }
0x34: {  	[smem:$0x3FB5] =	sst s10  }
0x35: {  	s10 =	sld [smem:$0x3FB4];
	_ =	sdelay $0x3  }
0x36: {  	p1 =	seq.s32 s10, $0x1;
	s10 =	sld [smem:$0x3FB5];
	_ =	sdelay $0x3  }
0x37: {  	[smem:$0x3FB5] =	sst s10  }
0x38: {  	s10 =	sld [smem:$0x3FB6]  }
0x39: {  	_ = 	snop;
	(pc) =	sbr.ind lr, $3  }
0x3a: {  	_ = 	snop  }
0x3b: {  	_ = 	snop  }
0x3c: {  	p2 =	seq.s32 s10, $0x1;
	s10 =	sld [smem:$0x3FB5]  }
0x3d: {  	_ =	shalt  }
0x3e: {  	_ =	shalt  }
0x3f: {  	_ =	shalt  }
0x40: {  	_ =	shalt  }
0x41: {  	_ =	shalt  }
0x42: {  	_ =	shalt  }
0x43: {  	_ =	shalt  }
0x44: {  	_ =	shalt  }
0x45: {  	_ =	shalt  }
0x46: {  	_ =	shalt  }
0x47: {  	_ =	shalt  }
0x48: {  	_ =	shalt  }
0x49: {  	_ =	shalt  }
0x4a: {  	_ =	shalt  }
0x4b: {  	_ =	shalt  }
0x4c: {  	_ =	shalt  }
0x4d: {  	_ =	shalt  }
0x4e: {  	_ =	shalt  }
0x4f: {  	_ =	shalt  }
0x50: {  	_ =	shalt  }
0x51: {  	_ =	shalt  }
0x52: {  	_ =	shalt  }
0x53: {  	_ =	shalt  }
0x54: {  	_ =	shalt  }
0x55: {  	_ =	shalt  }
0x56: {  	_ =	shalt  }
0x57: {  	_ =	shalt  }
0x58: {  	_ =	shalt  }
0x59: {  	_ =	shalt  }
0x5a: {  	_ =	shalt  }
0x5b: {  	_ =	shalt  }
0x5c: {  	_ =	shalt  }
0x5d: {  	_ =	shalt  }
0x5e: {  	_ =	shalt  }
0x5f: {  	_ =	shalt  }
0x60: {  	_ =	shalt  }
0x61: {  	_ =	shalt  }
0x62: {  	_ =	shalt  }
0x63: {  	_ =	shalt  }
0x64: {  	_ =	shalt  }
0x65: {  	_ =	shalt  }
0x66: {  	_ =	shalt  }
0x67: {  	_ =	shalt  }
0x68: {  	_ =	shalt  }
0x69: {  	_ =	shalt  }
0x6a: {  	_ =	shalt  }
0x6b: {  	_ =	shalt  }
0x6c: {  	_ =	shalt  }
0x6d: {  	_ =	shalt  }
0x6e: {  	_ =	shalt  }
0x6f: {  	_ =	shalt  }
0x70: {  	_ =	shalt  }
0x71: {  	_ =	shalt  }
0x72: {  	_ =	shalt  }
0x73: {  	_ =	shalt  }
0x74: {  	_ =	shalt  }
0x75: {  	_ =	shalt  }
0x76: {  	_ =	shalt  }
0x77: {  	_ =	shalt  }
0x78: {  	_ =	shalt  }
0x79: {  	_ =	shalt  }
0x7a: {  	_ =	shalt  }
0x7b: {  	_ =	shalt  }
0x7c: {  	_ =	shalt  }
0x7d: {  	_ =	shalt  }
0x7e: {  	_ =	shalt  }
0x7f: {  	_ =	shalt  }
0x80: {  	_ =	shalt  }
0x81: {  	_ =	shalt  }
0x82: {  	_ =	shalt  }
0x83: {  	_ =	shalt  }
0x84: {  	_ =	shalt  }
0x85: {  	_ =	shalt  }
0x86: {  	_ =	shalt  }
0x87: {  	_ =	shalt  }
.Lfunc_end0:
.L_simem_size_0:
called_computation.1_lowered:
.L_overlay_start_0:
0x88: {  	s2 =	sld [smem:$0x3FD9]  }
0x89: {  	s3 =	sld [smem:$0x3FFE];
	_ =	sdelay $0x1  }
0x8a: {  	s1 =	srdreg.scid  }
0x8b: {  	s0 =	sand.u32 $0x1, s1  }
0x8c: {  	s16 =	sshll.u32 s0, $0xA;
	s2 =	sadd.s32 s3, s2  }
0x8d: {  	s2 =	sadd.s32 s2, s16  }
0x8e: {  	[smem:$0x3FC1] =	sst s2  }
0x8f: {  	_ = 	snop  }
0x90: {  	(tm) =	ssettm $0x1  }
0x91: {  	s17 =	sld [smem:$0x3FFB];
	_ =	sdelay $0x3  }
0x92: {  	_ =	strace s17  }
0x93: {  	s2 =	sld [smem:$0x3FFC];
	_ =	sdelay $0x3  }
0x94: {  	_ =	strace s2  }
0x95: {  	s2 =	sld [smem:$0x3FFD];
	_ =	sdelay $0x3  }
0x96: {  	_ =	strace s2  }
0x97: {  	_ =	strace $0x8FFFFFFF  }
0x98: {  	s18 =	sld [smem:$0x3FDB];
	_ =	sdelay $0x1  }
0x99: {  	s19 =	simm.s32 $_scs_section_size  }
0x9a: {  	s4 =	simm.s32 $_size__tile_overlayer_lowered;
	s5 =	simm.s32 $_tile_overlayer_lowered  }
0x9b: {  	s22 =	simm.s32 $0x1BFF;
	s21 =	sshll.u32 s5, $0x1;
	s2 =	sadd.s32 s19, s18  }
0x9c: {  	s6 =	simm.s32 $0x0;
	s20 =	sshll.u32 s4, $0x1;
	s4 =	sadd.s32 s21, s2  }
0x9d: {  	[timem:s6], [sflag:s22] =	dma.local [hbm:s4], s20  }
0x9e: {  	_ =	swait.ge [sflag:s22], s20  }
0x9f: {  	s3 =	ssub.s32 $0x0, s20;
	[sflag:s22] =	ssyncset.done $0x0  }
0xa0: {  	[sflag:s22] =	ssyncadd.s32 s3;
	_ =	sdelay $0x1  }
0xa1: {  	s23 =	simm.s32 $0x1B8B  }
0xa2: {  	_ =	swait.ge [sflag:s23], $0x1  }
0xa3: {  	[sflag:s23] =	ssyncset.done $0x0  }
0xa4: {  	s25 =	simm.s32 $0x1B8E;
	s24 =	sld [smem:$0x3FFE];
	[sflag:s23] =	ssyncadd.s32 $0xFFFFFFFF  }
0xa5: {  	s26 =	simm.s32 $execute0_lowered;
	[smem:$0x3FD2] =	sst s25  }
0xa6: {  	s4 =	sshll.u32 s26, $0x1;
	_ =	strace $0x80000049;
	[dreg:$0x1] =	wrdreg $0xFFFFFFFF  }
0xa7: {  	s28 =	simm.s32 $_size_execute0_lowered;
	s2 =	sadd.s32 s2, s4;
	[dreg:$0x0] =	wrdreg $0x0  }
0xa8: {  	s4 =	sshll.u32 s28, $0x1;
	[dreg:$0x2] =	wrdreg s2  }
0xa9: {  	[dreg:$0x3] =	wrdreg s4  }
0xaa: {  	[dreg:$0x4] =	wrdreg $0xC0  }
0xab: {  	_ =	task [dreg:s6], $0x5FFFF  }
0xac: {  	[dreg:$0x1] =	wrdreg $0xFFFFFFFF  }
0xad: {  	[dreg:$0x0] =	wrdreg $0x60  }
0xae: {  	[dreg:$0x2] =	wrdreg s24  }
0xaf: {  	[dreg:$0x3] =	wrdreg $0x9  }
0xb0: {  	_ =	task.clear_ibuf [dreg:s6], $0x4FFFF;
	_ =	strace $0x90000049  }
0xb1: {  	s29 =	simm.s32 $0x9;
	_ =	strace $0x8000004B  }
0xb2: {  	_ =	swait.ge [sflag:s29], $0x1  }
0xb3: {  	[sflag:s29] =	ssyncadd.s32 $0xFFFFFFFF  }
0xb4: {  	_ =	strace $0x9000004B  }
0xb5: {  	_ =	sfence  }
0xb6: {  	s30 =	sld [smem:$0x0];
	_ =	sdelay $0x2  }
0xb7: {  	s31 =	sshll.u32 s1, $0xD;
	s1 =	sshrl.u32 s1, $0x2  }
0xb8: {  	s3 =	sand.u32 $0x4000, s31;
	s1 =	sadd.s32 s1, s30  }
0xb9: {  	s0 =	sor.u32 s3, s0;
	s1 =	sshll.u32 s1, $0x11  }
0xba: {  	s0 =	sor.u32 s1, s0  }
0xbb: {  	s0 =	sadd.s32 $0x8F2B, s0  }
0xbc: {  	[sflag:s0] =	ssyncadd.remote.s32 $0x1  }
0xbd: {  	_ =	sfence.sel $0xFFFF  }
0xbe: {  	[dreg:$0x0] =	wrdreg $0xFFFFFFFF;
	(pc) =	sbr.abs _section_cstart, $3  }
0xbf: {  	[dreg:$0x1] =	wrdreg $0xFFFFFFFF  }
0xc0: {  	_ =	task.clear_ibuf [dreg:s6], $0x2FFFF;
	_ =	strace $0x9FFFFFFF  }
0xc1: {  	(tm) =	ssettm $0x7FFFFFFF  }
tec
execute0_lowered:
.L_overlay_start_1:
0x0: {  	(tag) =	ssettag $0x1  }
0x1: {  	s0 =	rddreg [dreg:$0x0]  }
0x2: {  	s1 =	srdreg.scid;
	s2 =	simm.s32 $0x0;
	s3 =	stileid.u32  }
0x3: {  	s1 =	sand.u32 $0x1, s1;
	[smem:$0x7FF] =	sst s2;
	s3 =	sshll.u32 s3, $0x8  }
0x4: {  	s5 =	sadd.s32 $0x2600, s0;
	s6 =	sadd.s32 $0x2400, s0;
	s4 =	sshll.u32 s1, $0x7  }
0x5: {  	s8 =	sadd.s32 $0x2800, s0;
	s9 =	sadd.s32 $0x82800, s0;
	s4 =	sor.u32 s4, s3  }
0x6: {  	_ =	strace $0x8000004A;
	s1 =	ssub.s32 $0x2, s1;
	s7 =	sshrl.u32 s4, $0x3  }
0x7: {  	s3 =	sadd.s32 $0x182800, s0;
	s30 =	sshll.u32 s4, $0x7;
	s10 =	sadd.s32 s5, s7  }
0x8: {  	s11 =	sor.u32 $0x20, s4;
	s7 =	sadd.s32 s6, s7;
	[dreg:$0x2] =	wrdreg s10  }
0x9: {  	s18 =	sor.u32 $0x40, s4;
	s31 =	sadd.s32 s8, s30;
	[dreg:$0x3] =	wrdreg s7  }
0xa: {  	s12 =	sadd.s32 s9, s30;
	s13 =	sshrl.u32 s11, $0x3;
	[dreg:$0x4] =	wrdreg s31  }
0xb: {  	s4 =	sor.u32 $0x60, s4;
	[dreg:$0x5] =	wrdreg s12;
	s14 =	sadd.s32 s5, s13  }
0xc: {  	s16 =	sshll.u32 s11, $0x7;
	s15 =	sadd.s32 s6, s13;
	[dreg:$0x6] =	wrdreg s14  }
0xd: {  	s20 =	sshrl.u32 s18, $0x3;
	s17 =	sadd.s32 s8, s16;
	[dreg:$0x7] =	wrdreg s15  }
0xe: {  	s23 =	sshll.u32 s18, $0x7;
	s19 =	sadd.s32 s9, s16;
	[dreg:$0x8] =	wrdreg s17  }
0xf: {  	s26 =	sshrl.u32 s4, $0x3;
	s21 =	sadd.s32 s5, s20;
	[dreg:$0x9] =	wrdreg s19  }
0x10: {  	s29 =	sshll.u32 s4, $0x7;
	s22 =	sadd.s32 s6, s20;
	[dreg:$0xa] =	wrdreg s21  }
0x11: {  	s4 =	sadd.s32 $0x182900, s0;
	s24 =	sadd.s32 s8, s23;
	[dreg:$0xb] =	wrdreg s22  }
0x12: {  	s12 =	sshrl.u32 s1, $0x1;
	s25 =	sadd.s32 s9, s23;
	[dreg:$0xc] =	wrdreg s24  }
0x13: {  	s5 =	sadd.s32 s5, s26;
	s28 =	sadd.s32 s6, s26;
	[dreg:$0xd] =	wrdreg s25  }
0x14: {  	s30 =	sadd.s32 s8, s29;
	s31 =	sadd.s32 s9, s29;
	[dreg:$0xe] =	wrdreg s5  }
0x15: {  	s6 =	sadd.s32 $0x182B00, s0;
	s8 =	simm.s32 $0x3;
	[dreg:$0xf] =	wrdreg s28  }
0x16: {  	v2 =	vlaneseq.u32;
	s26 =	simm.s32 $0x8100;
	s20 =	simm.s32 $0x2;
	[dreg:$0x10] =	wrdreg s30  }
0x17: {  	vm0 =	vmmov $0xffff;
	v1 =	vshrl.u32 v2, $0x3;
	s1 =	ssub.s32 s1, s12;
	s5 =	sadd.s32 $0x182A00, s0;
	[dreg:$0x11] =	wrdreg s31  }
0x18: {  	v0 =	vand.u32 $0x7, v2;
	v2 =	vor.u32 $0x8, v2;
	v1 =	vmul.u32 $0x8, v1;
	s22 =	simm.s32 $0x100;
	s19 =	simm.s32 $0x1;
	s7 =	smax.u32 s1, $0x1  }
.LBB2_1:
0x19: {  	s21 =	rddreg [dreg:$0x2]  }
0x1a: {  	[tilespmem:s2], [sflag:$0x3] =	stream.linear.gather [hbm4b:s21+s2], $0x20, $0x38;
	[tilespmem:$0x10100] =	vst v63  }
0x1b: {  	_ =	swait.ge [sflag:s8], $0x20  }
0x1c: {  	[sflag:s8] =	ssyncset.done $0x0  }
0x1d: {  	s0 =	simm.s32 $0x80;
	s30 =	rddreg [dreg:$0x3];
	[sflag:s8] =	ssyncadd.s32 $0xFFFFFFE0  }
0x1e: {  	[tilespmem:s0], [sflag:$0x3] =	stream.linear.gather [hbm4b:s30+s2], $0x20, $0x38;
	[tilespmem:$0x10100] =	vst v63  }
0x1f: {  	_ =	swait.ge [sflag:s8], $0x20  }
0x20: {  	[sflag:s8] =	ssyncset.done $0x0  }
0x21: {  	[sflag:s8] =	ssyncadd.s32 $0xFFFFFFE0  }
0x22: {  	v3 =	vld [tilespmem:$0x0];
	_ =	sdelay $0x4  }
0x23: {  	v4 =	vshll.u32 v3, $0x3  }
0x24: {  	v3 =	vand.u32 $0x7, v3;
	v4 =	vand.u32 $0xFFFFFFC0, v4  }
0x25: {  	v3 =	vor.u32 v3, v4  }
0x26: {  	v4 =	vperm.xlane v3, v0;
	_ =	sdelay $0x1  }
0x27: {  	v4 =	vadd.s32 v1, v4;
	_ =	sdelay $0x4  }
0x28: {  	[tilespmem:s22], [sflag:$0x1] =	stream.indirect_vreg.gather [hbm4b:s3+s2], $0x80, v4, vm0, $0xb8;
	[tilespmem:$0x10100] =	vst v63  }
0x29: {  	s31 =	simm.s32 $0x900;
	v3 =	vperm.xlane v3, v2  }
0x2a: {  	[tilespmem:s31], [sflag:$0x1] =	stream.indirect_vreg.gather [hbm4b:s4+s2], $0x80, v4, vm0, $0xb8;
	[tilespmem:$0x10100] =	vst v63  }
0x2b: {  	s1 =	simm.s32 $0x1100;
	v3 =	vadd.s32 v1, v3  }
0x2c: {  	[tilespmem:s1], [sflag:$0x1] =	stream.indirect_vreg.gather [hbm4b:s5+s2], $0x80, v4, vm0, $0xb8;
	[tilespmem:$0x10100] =	vst v63  }
0x2d: {  	s9 =	simm.s32 $0x1900  }
0x2e: {  	[tilespmem:s9], [sflag:$0x1] =	stream.indirect_vreg.gather [hbm4b:s6+s2], $0x80, v4, vm0, $0xb8;
	[tilespmem:$0x10100] =	vst v63  }
0x2f: {  	s10 =	simm.s32 $0x2100  }
0x30: {  	[tilespmem:s10], [sflag:$0x1] =	stream.indirect_vreg.gather [hbm4b:s3+s2], $0x80, v3, vm0, $0xb8;
	[tilespmem:$0x10100] =	vst v63  }
0x31: {  	s11 =	simm.s32 $0x2900  }
0x32: {  	[tilespmem:s11], [sflag:$0x1] =	stream.indirect_vreg.gather [hbm4b:s4+s2], $0x80, v3, vm0, $0xb8;
	[tilespmem:$0x10100] =	vst v63  }
0x33: {  	s12 =	simm.s32 $0x3100  }
0x34: {  	[tilespmem:s12], [sflag:$0x1] =	stream.indirect_vreg.gather [hbm4b:s5+s2], $0x80, v3, vm0, $0xb8;
	[tilespmem:$0x10100] =	vst v63  }
0x35: {  	s15 =	simm.s32 $0x3900  }
0x36: {  	[tilespmem:s15], [sflag:$0x1] =	stream.indirect_vreg.gather [hbm4b:s6+s2], $0x80, v3, vm0, $0xb8;
	[tilespmem:$0x10100] =	vst v63  }
0x37: {  	v3 =	vld [tilespmem:$0x10];
	_ =	sdelay $0x4  }
0x38: {  	v49 =	vshll.u32 v3, $0x3  }
0x39: {  	v3 =	vand.u32 $0x7, v3;
	v4 =	vand.u32 $0xFFFFFFC0, v49  }
0x3a: {  	v3 =	vor.u32 v3, v4  }
0x3b: {  	v4 =	vperm.xlane v3, v0;
	_ =	sdelay $0x1  }
0x3c: {  	v4 =	vadd.s32 v1, v4;
	_ =	sdelay $0x3  }
0x3d: {  	s16 =	simm.s32 $0x4100  }
0x3e: {  	[tilespmem:s16], [sflag:$0x1] =	stream.indirect_vreg.gather [hbm4b:s3+s2], $0x80, v4, vm0, $0xb8;
	[tilespmem:$0x10100] =	vst v63  }
0x3f: {  	s17 =	simm.s32 $0x4900;
	v3 =	vperm.xlane v3, v2  }
0x40: {  	[tilespmem:s17], [sflag:$0x1] =	stream.indirect_vreg.gather [hbm4b:s4+s2], $0x80, v4, vm0, $0xb8;
	[tilespmem:$0x10100] =	vst v63  }
0x41: {  	s18 =	simm.s32 $0x5100;
	v3 =	vadd.s32 v1, v3  }
0x42: {  	[tilespmem:s18], [sflag:$0x1] =	stream.indirect_vreg.gather [hbm4b:s5+s2], $0x80, v4, vm0, $0xb8;
	[tilespmem:$0x10100] =	vst v63  }
0x43: {  	s21 =	simm.s32 $0x5900  }
0x44: {  	[tilespmem:s21], [sflag:$0x1] =	stream.indirect_vreg.gather [hbm4b:s6+s2], $0x80, v4, vm0, $0xb8;
	[tilespmem:$0x10100] =	vst v63  }
0x45: {  	s23 =	simm.s32 $0x6100  }
0x46: {  	[tilespmem:s23], [sflag:$0x1] =	stream.indirect_vreg.gather [hbm4b:s3+s2], $0x80, v3, vm0, $0xb8;
	[tilespmem:$0x10100] =	vst v63  }
0x47: {  	s24 =	simm.s32 $0x6900  }
0x48: {  	[tilespmem:s24], [sflag:$0x1] =	stream.indirect_vreg.gather [hbm4b:s4+s2], $0x80, v3, vm0, $0xb8;
	[tilespmem:$0x10100] =	vst v63  }
0x49: {  	s25 =	simm.s32 $0x7100  }
0x4a: {  	[tilespmem:s25], [sflag:$0x1] =	stream.indirect_vreg.gather [hbm4b:s5+s2], $0x80, v3, vm0, $0xb8;
	[tilespmem:$0x10100] =	vst v63  }
0x4b: {  	s28 =	simm.s32 $0x7900  }
0x4c: {  	[tilespmem:s28], [sflag:$0x1] =	stream.indirect_vreg.gather [hbm4b:s6+s2], $0x80, v3, vm0, $0xb8;
	[tilespmem:$0x10100] =	vst v63  }
0x4d: {  	v3 =	vld [tilespmem:$0x80];
	_ =	sdelay $0x4  }
0x4e: {  	v50 =	vshll.u32 v3, $0x3  }
0x4f: {  	v3 =	vand.u32 $0x7, v3;
	v4 =	vand.u32 $0xFFFFFFC0, v50  }
0x50: {  	v3 =	vor.u32 v3, v4  }
0x51: {  	v4 =	vperm.xlane v3, v0;
	_ =	sdelay $0x1  }
0x52: {  	v4 =	vadd.s32 v1, v4;
	_ =	sdelay $0x4  }
0x53: {  	[tilespmem:s26], [sflag:$0x2] =	stream.indirect_vreg.gather [hbm4b:s3+s2], $0x80, v4, vm0, $0xb8;
	[tilespmem:$0x10100] =	vst v63  }
0x54: {  	s29 =	simm.s32 $0x8900;
	v3 =	vperm.xlane v3, v2  }
0x55: {  	[tilespmem:s29], [sflag:$0x2] =	stream.indirect_vreg.gather [hbm4b:s4+s2], $0x80, v4, vm0, $0xb8;
	[tilespmem:$0x10100] =	vst v63  }
0x56: {  	s30 =	simm.s32 $0x9100;
	v3 =	vadd.s32 v1, v3  }
0x57: {  	[tilespmem:s30], [sflag:$0x2] =	stream.indirect_vreg.gather [hbm4b:s5+s2], $0x80, v4, vm0, $0xb8;
	[tilespmem:$0x10100] =	vst v63  }
0x58: {  	s31 =	simm.s32 $0x9900  }
0x59: {  	[tilespmem:s31], [sflag:$0x2] =	stream.indirect_vreg.gather [hbm4b:s6+s2], $0x80, v4, vm0, $0xb8;
	[tilespmem:$0x10100] =	vst v63  }
0x5a: {  	s0 =	simm.s32 $0xA100  }
0x5b: {  	[tilespmem:s0], [sflag:$0x2] =	stream.indirect_vreg.gather [hbm4b:s3+s2], $0x80, v3, vm0, $0xb8;
	[tilespmem:$0x10100] =	vst v63  }
0x5c: {  	s16 =	simm.s32 $0xA900  }
0x5d: {  	[tilespmem:s16], [sflag:$0x2] =	stream.indirect_vreg.gather [hbm4b:s4+s2], $0x80, v3, vm0, $0xb8;
	[tilespmem:$0x10100] =	vst v63  }
0x5e: {  	s17 =	simm.s32 $0xB100  }
0x5f: {  	[tilespmem:s17], [sflag:$0x2] =	stream.indirect_vreg.gather [hbm4b:s5+s2], $0x80, v3, vm0, $0xb8;
	[tilespmem:$0x10100] =	vst v63  }
0x60: {  	s18 =	simm.s32 $0xB900  }
0x61: {  	[tilespmem:s18], [sflag:$0x2] =	stream.indirect_vreg.gather [hbm4b:s6+s2], $0x80, v3, vm0, $0xb8;
	[tilespmem:$0x10100] =	vst v63  }
0x62: {  	v3 =	vld [tilespmem:$0x90];
	_ =	sdelay $0x4  }
0x63: {  	v51 =	vshll.u32 v3, $0x3  }
0x64: {  	v3 =	vand.u32 $0x7, v3;
	v4 =	vand.u32 $0xFFFFFFC0, v51  }
0x65: {  	v3 =	vor.u32 v3, v4  }
0x66: {  	v4 =	vperm.xlane v3, v0;
	_ =	sdelay $0x1  }
0x67: {  	v4 =	vadd.s32 v1, v4;
	_ =	sdelay $0x3  }
0x68: {  	s23 =	simm.s32 $0xC100  }
0x69: {  	[tilespmem:s23], [sflag:$0x2] =	stream.indirect_vreg.gather [hbm4b:s3+s2], $0x80, v4, vm0, $0xb8;
	[tilespmem:$0x10100] =	vst v63  }
0x6a: {  	s24 =	simm.s32 $0xC900;
	v3 =	vperm.xlane v3, v2  }
0x6b: {  	[tilespmem:s24], [sflag:$0x2] =	stream.indirect_vreg.gather [hbm4b:s4+s2], $0x80, v4, vm0, $0xb8;
	[tilespmem:$0x10100] =	vst v63  }
0x6c: {  	s30 =	simm.s32 $0xD100;
	v3 =	vadd.s32 v1, v3  }
0x6d: {  	[tilespmem:s30], [sflag:$0x2] =	stream.indirect_vreg.gather [hbm4b:s5+s2], $0x80, v4, vm0, $0xb8;
	[tilespmem:$0x10100] =	vst v63  }
0x6e: {  	s0 =	simm.s32 $0xD900  }
0x6f: {  	[tilespmem:s0], [sflag:$0x2] =	stream.indirect_vreg.gather [hbm4b:s6+s2], $0x80, v4, vm0, $0xb8;
	[tilespmem:$0x10100] =	vst v63  }
0x70: {  	s16 =	simm.s32 $0xE100  }
0x71: {  	[tilespmem:s16], [sflag:$0x2] =	stream.indirect_vreg.gather [hbm4b:s3+s2], $0x80, v3, vm0, $0xb8;
	[tilespmem:$0x10100] =	vst v63  }
0x72: {  	s24 =	simm.s32 $0xE900  }
0x73: {  	[tilespmem:s24], [sflag:$0x2] =	stream.indirect_vreg.gather [hbm4b:s4+s2], $0x80, v3, vm0, $0xb8;
	[tilespmem:$0x10100] =	vst v63  }
0x74: {  	s30 =	simm.s32 $0xF100  }
0x75: {  	[tilespmem:s30], [sflag:$0x2] =	stream.indirect_vreg.gather [hbm4b:s5+s2], $0x80, v3, vm0, $0xb8;
	[tilespmem:$0x10100] =	vst v63  }
0x76: {  	s0 =	simm.s32 $0xF900  }
0x77: {  	[tilespmem:s0], [sflag:$0x2] =	stream.indirect_vreg.gather [hbm4b:s6+s2], $0x80, v3, vm0, $0xb8;
	[tilespmem:$0x10100] =	vst v63  }
0x78: {  	_ =	swait.ge [sflag:s19], $0x8000  }
0x79: {  	[sflag:s19] =	ssyncset.done $0x0  }
0x7a: {  	[sflag:s19] =	ssyncadd.s32 $0xFFFF8000  }
0x7b: {  	_ =	swait.ge [sflag:s20], $0x8000  }
0x7c: {  	[sflag:s20] =	ssyncset.done $0x0  }
0x7d: {  	s16 =	rddreg [dreg:$0x4];
	[sflag:s20] =	ssyncadd.s32 $0xFFFF8000  }
0x7e: {  	[hbm4b:s16+s2] =	stream.linear.scatter [tilespmem:s22], [sflag:$0x3], $0x8000, $0x38;
	[tilespmem:$0x10100] =	vst v63  }
0x7f: {  	_ =	swait.ge [sflag:s8], $0x8000  }
0x80: {  	[sflag:s8] =	ssyncset.done $0x0  }
0x81: {  	s30 =	rddreg [dreg:$0x5];
	[sflag:s8] =	ssyncadd.s32 $0xFFFF8000  }
0x82: {  	[hbm4b:s30+s2] =	stream.linear.scatter [tilespmem:s26], [sflag:$0x3], $0x8000, $0x38;
	[tilespmem:$0x10100] =	vst v63  }
0x83: {  	_ =	swait.ge [sflag:s8], $0x8000  }
0x84: {  	[sflag:s8] =	ssyncset.done $0x0  }
0x85: {  	s0 =	rddreg [dreg:$0x6];
	[sflag:s8] =	ssyncadd.s32 $0xFFFF8000  }
0x86: {  	[tilespmem:s2], [sflag:$0x3] =	stream.linear.gather [hbm4b:s0+s2], $0x20, $0x38;
	[tilespmem:$0x10100] =	vst v63  }
0x87: {  	_ =	swait.ge [sflag:s8], $0x20  }
0x88: {  	[sflag:s8] =	ssyncset.done $0x0  }
0x89: {  	s13 =	simm.s32 $0x80;
	s16 =	rddreg [dreg:$0x7];
	[sflag:s8] =	ssyncadd.s32 $0xFFFFFFE0  }
0x8a: {  	[tilespmem:s13], [sflag:$0x3] =	stream.linear.gather [hbm4b:s16+s2], $0x20, $0x38;
	[tilespmem:$0x10100] =	vst v63  }
0x8b: {  	_ =	swait.ge [sflag:s8], $0x20  }
0x8c: {  	[sflag:s8] =	ssyncset.done $0x0  }
0x8d: {  	[sflag:s8] =	ssyncadd.s32 $0xFFFFFFE0  }
0x8e: {  	v3 =	vld [tilespmem:$0x0];
	_ =	sdelay $0x4  }
0x8f: {  	v52 =	vshll.u32 v3, $0x3  }
0x90: {  	v3 =	vand.u32 $0x7, v3;
	v4 =	vand.u32 $0xFFFFFFC0, v52  }
0x91: {  	v3 =	vor.u32 v3, v4  }
0x92: {  	v4 =	vperm.xlane v3, v0;
	_ =	sdelay $0x1  }
0x93: {  	v4 =	vadd.s32 v1, v4;
	_ =	sdelay $0x4  }
0x94: {  	[tilespmem:s22], [sflag:$0x1] =	stream.indirect_vreg.gather [hbm4b:s3+s2], $0x80, v4, vm0, $0xb8;
	[tilespmem:$0x10100] =	vst v63  }
0x95: {  	s14 =	simm.s32 $0x900;
	v3 =	vperm.xlane v3, v2  }
0x96: {  	[tilespmem:s14], [sflag:$0x1] =	stream.indirect_vreg.gather [hbm4b:s4+s2], $0x80, v4, vm0, $0xb8;
	[tilespmem:$0x10100] =	vst v63  }
0x97: {  	s1 =	simm.s32 $0x1100;
	v3 =	vadd.s32 v1, v3  }
0x98: {  	[tilespmem:s1], [sflag:$0x1] =	stream.indirect_vreg.gather [hbm4b:s5+s2], $0x80, v4, vm0, $0xb8;
	[tilespmem:$0x10100] =	vst v63  }
0x99: {  	s9 =	simm.s32 $0x1900  }
0x9a: {  	[tilespmem:s9], [sflag:$0x1] =	stream.indirect_vreg.gather [hbm4b:s6+s2], $0x80, v4, vm0, $0xb8;
	[tilespmem:$0x10100] =	vst v63  }
0x9b: {  	s10 =	simm.s32 $0x2100  }
0x9c: {  	[tilespmem:s10], [sflag:$0x1] =	stream.indirect_vreg.gather [hbm4b:s3+s2], $0x80, v3, vm0, $0xb8;
	[tilespmem:$0x10100] =	vst v63  }
0x9d: {  	s11 =	simm.s32 $0x2900  }
0x9e: {  	[tilespmem:s11], [sflag:$0x1] =	stream.indirect_vreg.gather [hbm4b:s4+s2], $0x80, v3, vm0, $0xb8;
	[tilespmem:$0x10100] =	vst v63  }
0x9f: {  	s12 =	simm.s32 $0x3100  }
0xa0: {  	[tilespmem:s12], [sflag:$0x1] =	stream.indirect_vreg.gather [hbm4b:s5+s2], $0x80, v3, vm0, $0xb8;
	[tilespmem:$0x10100] =	vst v63  }
0xa1: {  	s15 =	simm.s32 $0x3900  }
0xa2: {  	[tilespmem:s15], [sflag:$0x1] =	stream.indirect_vreg.gather [hbm4b:s6+s2], $0x80, v3, vm0, $0xb8;
	[tilespmem:$0x10100] =	vst v63  }
0xa3: {  	v3 =	vld [tilespmem:$0x10];
	_ =	sdelay $0x4  }
0xa4: {  	v53 =	vshll.u32 v3, $0x3  }
0xa5: {  	v3 =	vand.u32 $0x7, v3;
	v4 =	vand.u32 $0xFFFFFFC0, v53  }
0xa6: {  	v3 =	vor.u32 v3, v4  }
0xa7: {  	v4 =	vperm.xlane v3, v0;
	_ =	sdelay $0x1  }
0xa8: {  	v4 =	vadd.s32 v1, v4;
	_ =	sdelay $0x3  }
0xa9: {  	s13 =	simm.s32 $0x4100  }
0xaa: {  	[tilespmem:s13], [sflag:$0x1] =	stream.indirect_vreg.gather [hbm4b:s3+s2], $0x80, v4, vm0, $0xb8;
	[tilespmem:$0x10100] =	vst v63  }
0xab: {  	s14 =	simm.s32 $0x4900;
	v3 =	vperm.xlane v3, v2  }
0xac: {  	[tilespmem:s14], [sflag:$0x1] =	stream.indirect_vreg.gather [hbm4b:s4+s2], $0x80, v4, vm0, $0xb8;
	[tilespmem:$0x10100] =	vst v63  }
0xad: {  	s0 =	simm.s32 $0x5100;
	v3 =	vadd.s32 v1, v3  }
0xae: {  	[tilespmem:s0], [sflag:$0x1] =	stream.indirect_vreg.gather [hbm4b:s5+s2], $0x80, v4, vm0, $0xb8;
	[tilespmem:$0x10100] =	vst v63  }
0xaf: {  	s1 =	simm.s32 $0x5900  }
0xb0: {  	[tilespmem:s1], [sflag:$0x1] =	stream.indirect_vreg.gather [hbm4b:s6+s2], $0x80, v4, vm0, $0xb8;
	[tilespmem:$0x10100] =	vst v63  }
0xb1: {  	s9 =	simm.s32 $0x6100  }
0xb2: {  	[tilespmem:s9], [sflag:$0x1] =	stream.indirect_vreg.gather [hbm4b:s3+s2], $0x80, v3, vm0, $0xb8;
	[tilespmem:$0x10100] =	vst v63  }
0xb3: {  	s10 =	simm.s32 $0x6900  }
0xb4: {  	[tilespmem:s10], [sflag:$0x1] =	stream.indirect_vreg.gather [hbm4b:s4+s2], $0x80, v3, vm0, $0xb8;
	[tilespmem:$0x10100] =	vst v63  }
0xb5: {  	s11 =	simm.s32 $0x7100  }
0xb6: {  	[tilespmem:s11], [sflag:$0x1] =	stream.indirect_vreg.gather [hbm4b:s5+s2], $0x80, v3, vm0, $0xb8;
	[tilespmem:$0x10100] =	vst v63  }
0xb7: {  	s15 =	simm.s32 $0x7900  }
0xb8: {  	[tilespmem:s15], [sflag:$0x1] =	stream.indirect_vreg.gather [hbm4b:s6+s2], $0x80, v3, vm0, $0xb8;
	[tilespmem:$0x10100] =	vst v63  }
0xb9: {  	v3 =	vld [tilespmem:$0x80];
	_ =	sdelay $0x4  }
0xba: {  	v54 =	vshll.u32 v3, $0x3  }
0xbb: {  	v3 =	vand.u32 $0x7, v3;
	v4 =	vand.u32 $0xFFFFFFC0, v54  }
0xbc: {  	v3 =	vor.u32 v3, v4  }
0xbd: {  	v4 =	vperm.xlane v3, v0;
	_ =	sdelay $0x1  }
0xbe: {  	v4 =	vadd.s32 v1, v4;
	_ =	sdelay $0x4  }
0xbf: {  	[tilespmem:s26], [sflag:$0x2] =	stream.indirect_vreg.gather [hbm4b:s3+s2], $0x80, v4, vm0, $0xb8;
	[tilespmem:$0x10100] =	vst v63  }
0xc0: {  	s16 =	simm.s32 $0x8900;
	v3 =	vperm.xlane v3, v2  }
0xc1: {  	[tilespmem:s16], [sflag:$0x2] =	stream.indirect_vreg.gather [hbm4b:s4+s2], $0x80, v4, vm0, $0xb8;
	[tilespmem:$0x10100] =	vst v63  }
0xc2: {  	s12 =	simm.s32 $0x9100;
	v3 =	vadd.s32 v1, v3  }
0xc3: {  	[tilespmem:s12], [sflag:$0x2] =	stream.indirect_vreg.gather [hbm4b:s5+s2], $0x80, v4, vm0, $0xb8;
	[tilespmem:$0x10100] =	vst v63  }
0xc4: {  	s25 =	simm.s32 $0x9900  }
0xc5: {  	[tilespmem:s25], [sflag:$0x2] =	stream.indirect_vreg.gather [hbm4b:s6+s2], $0x80, v4, vm0, $0xb8;
	[tilespmem:$0x10100] =	vst v63  }
0xc6: {  	s31 =	simm.s32 $0xA100  }
0xc7: {  	[tilespmem:s31], [sflag:$0x2] =	stream.indirect_vreg.gather [hbm4b:s3+s2], $0x80, v3, vm0, $0xb8;
	[tilespmem:$0x10100] =	vst v63  }
0xc8: {  	s28 =	simm.s32 $0xA900  }
0xc9: {  	[tilespmem:s28], [sflag:$0x2] =	stream.indirect_vreg.gather [hbm4b:s4+s2], $0x80, v3, vm0, $0xb8;
	[tilespmem:$0x10100] =	vst v63  }
0xca: {  	s29 =	simm.s32 $0xB100  }
0xcb: {  	[tilespmem:s29], [sflag:$0x2] =	stream.indirect_vreg.gather [hbm4b:s5+s2], $0x80, v3, vm0, $0xb8;
	[tilespmem:$0x10100] =	vst v63  }
0xcc: {  	s17 =	simm.s32 $0xB900  }
0xcd: {  	[tilespmem:s17], [sflag:$0x2] =	stream.indirect_vreg.gather [hbm4b:s6+s2], $0x80, v3, vm0, $0xb8;
	[tilespmem:$0x10100] =	vst v63  }
0xce: {  	v3 =	vld [tilespmem:$0x90];
	_ =	sdelay $0x4  }
0xcf: {  	v55 =	vshll.u32 v3, $0x3  }
0xd0: {  	v3 =	vand.u32 $0x7, v3;
	v4 =	vand.u32 $0xFFFFFFC0, v55  }
0xd1: {  	v3 =	vor.u32 v3, v4  }
0xd2: {  	v4 =	vperm.xlane v3, v0;
	_ =	sdelay $0x1  }
0xd3: {  	v4 =	vadd.s32 v1, v4;
	_ =	sdelay $0x3  }
0xd4: {  	s18 =	simm.s32 $0xC100  }
0xd5: {  	[tilespmem:s18], [sflag:$0x2] =	stream.indirect_vreg.gather [hbm4b:s3+s2], $0x80, v4, vm0, $0xb8;
	[tilespmem:$0x10100] =	vst v63  }
0xd6: {  	s23 =	simm.s32 $0xC900;
	v3 =	vperm.xlane v3, v2  }
0xd7: {  	[tilespmem:s23], [sflag:$0x2] =	stream.indirect_vreg.gather [hbm4b:s4+s2], $0x80, v4, vm0, $0xb8;
	[tilespmem:$0x10100] =	vst v63  }
0xd8: {  	s21 =	simm.s32 $0xD100;
	v3 =	vadd.s32 v1, v3  }
0xd9: {  	[tilespmem:s21], [sflag:$0x2] =	stream.indirect_vreg.gather [hbm4b:s5+s2], $0x80, v4, vm0, $0xb8;
	[tilespmem:$0x10100] =	vst v63  }
0xda: {  	s23 =	simm.s32 $0xD900  }
0xdb: {  	[tilespmem:s23], [sflag:$0x2] =	stream.indirect_vreg.gather [hbm4b:s6+s2], $0x80, v4, vm0, $0xb8;
	[tilespmem:$0x10100] =	vst v63  }
0xdc: {  	s31 =	simm.s32 $0xE100  }
0xdd: {  	[tilespmem:s31], [sflag:$0x2] =	stream.indirect_vreg.gather [hbm4b:s3+s2], $0x80, v3, vm0, $0xb8;
	[tilespmem:$0x10100] =	vst v63  }
0xde: {  	s21 =	simm.s32 $0xE900  }
0xdf: {  	[tilespmem:s21], [sflag:$0x2] =	stream.indirect_vreg.gather [hbm4b:s4+s2], $0x80, v3, vm0, $0xb8;
	[tilespmem:$0x10100] =	vst v63  }
0xe0: {  	s21 =	simm.s32 $0xF100  }
0xe1: {  	[tilespmem:s21], [sflag:$0x2] =	stream.indirect_vreg.gather [hbm4b:s5+s2], $0x80, v3, vm0, $0xb8;
	[tilespmem:$0x10100] =	vst v63  }
0xe2: {  	s24 =	simm.s32 $0xF900  }
0xe3: {  	[tilespmem:s24], [sflag:$0x2] =	stream.indirect_vreg.gather [hbm4b:s6+s2], $0x80, v3, vm0, $0xb8;
	[tilespmem:$0x10100] =	vst v63  }
0xe4: {  	_ =	swait.ge [sflag:s19], $0x8000  }
0xe5: {  	[sflag:s19] =	ssyncset.done $0x0  }
0xe6: {  	[sflag:s19] =	ssyncadd.s32 $0xFFFF8000  }
0xe7: {  	_ =	swait.ge [sflag:s20], $0x8000  }
0xe8: {  	[sflag:s20] =	ssyncset.done $0x0  }
0xe9: {  	s24 =	rddreg [dreg:$0x8];
	[sflag:s20] =	ssyncadd.s32 $0xFFFF8000  }
0xea: {  	[hbm4b:s24+s2] =	stream.linear.scatter [tilespmem:s22], [sflag:$0x3], $0x8000, $0x38;
	[tilespmem:$0x10100] =	vst v63  }
0xeb: {  	_ =	swait.ge [sflag:s8], $0x8000  }
0xec: {  	[sflag:s8] =	ssyncset.done $0x0  }
0xed: {  	s17 =	rddreg [dreg:$0x9];
	[sflag:s8] =	ssyncadd.s32 $0xFFFF8000  }
0xee: {  	[hbm4b:s17+s2] =	stream.linear.scatter [tilespmem:s26], [sflag:$0x3], $0x8000, $0x38;
	[tilespmem:$0x10100] =	vst v63  }
0xef: {  	_ =	swait.ge [sflag:s8], $0x8000  }
0xf0: {  	[sflag:s8] =	ssyncset.done $0x0  }
0xf1: {  	s24 =	rddreg [dreg:$0xa];
	[sflag:s8] =	ssyncadd.s32 $0xFFFF8000  }
0xf2: {  	[tilespmem:s2], [sflag:$0x3] =	stream.linear.gather [hbm4b:s24+s2], $0x20, $0x38;
	[tilespmem:$0x10100] =	vst v63  }
0xf3: {  	_ =	swait.ge [sflag:s8], $0x20  }
0xf4: {  	[sflag:s8] =	ssyncset.done $0x0  }
0xf5: {  	s24 =	simm.s32 $0x80;
	s17 =	rddreg [dreg:$0xb];
	[sflag:s8] =	ssyncadd.s32 $0xFFFFFFE0  }
0xf6: {  	[tilespmem:s24], [sflag:$0x3] =	stream.linear.gather [hbm4b:s17+s2], $0x20, $0x38;
	[tilespmem:$0x10100] =	vst v63  }
0xf7: {  	_ =	swait.ge [sflag:s8], $0x20  }
0xf8: {  	[sflag:s8] =	ssyncset.done $0x0  }
0xf9: {  	[sflag:s8] =	ssyncadd.s32 $0xFFFFFFE0  }
0xfa: {  	v3 =	vld [tilespmem:$0x0];
	_ =	sdelay $0x4  }
0xfb: {  	v56 =	vshll.u32 v3, $0x3  }
0xfc: {  	v3 =	vand.u32 $0x7, v3;
	v4 =	vand.u32 $0xFFFFFFC0, v56  }
0xfd: {  	v3 =	vor.u32 v3, v4  }
0xfe: {  	v4 =	vperm.xlane v3, v0;
	_ =	sdelay $0x1  }
0xff: {  	v4 =	vadd.s32 v1, v4;
	_ =	sdelay $0x4  }
0x100: {  	[tilespmem:s22], [sflag:$0x1] =	stream.indirect_vreg.gather [hbm4b:s3+s2], $0x80, v4, vm0, $0xb8;
	[tilespmem:$0x10100] =	vst v63  }
0x101: {  	s24 =	simm.s32 $0x900;
	v3 =	vperm.xlane v3, v2  }
0x102: {  	[tilespmem:s24], [sflag:$0x1] =	stream.indirect_vreg.gather [hbm4b:s4+s2], $0x80, v4, vm0, $0xb8;
	[tilespmem:$0x10100] =	vst v63  }
0x103: {  	s21 =	simm.s32 $0x1100;
	v3 =	vadd.s32 v1, v3  }
0x104: {  	[tilespmem:s21], [sflag:$0x1] =	stream.indirect_vreg.gather [hbm4b:s5+s2], $0x80, v4, vm0, $0xb8;
	[tilespmem:$0x10100] =	vst v63  }
0x105: {  	s24 =	simm.s32 $0x1900  }
0x106: {  	[tilespmem:s24], [sflag:$0x1] =	stream.indirect_vreg.gather [hbm4b:s6+s2], $0x80, v4, vm0, $0xb8;
	[tilespmem:$0x10100] =	vst v63  }
0x107: {  	s21 =	simm.s32 $0x2100  }
0x108: {  	[tilespmem:s21], [sflag:$0x1] =	stream.indirect_vreg.gather [hbm4b:s3+s2], $0x80, v3, vm0, $0xb8;
	[tilespmem:$0x10100] =	vst v63  }
0x109: {  	s24 =	simm.s32 $0x2900  }
0x10a: {  	[tilespmem:s24], [sflag:$0x1] =	stream.indirect_vreg.gather [hbm4b:s4+s2], $0x80, v3, vm0, $0xb8;
	[tilespmem:$0x10100] =	vst v63  }
0x10b: {  	s21 =	simm.s32 $0x3100  }
0x10c: {  	[tilespmem:s21], [sflag:$0x1] =	stream.indirect_vreg.gather [hbm4b:s5+s2], $0x80, v3, vm0, $0xb8;
	[tilespmem:$0x10100] =	vst v63  }
0x10d: {  	s24 =	simm.s32 $0x3900  }
0x10e: {  	[tilespmem:s24], [sflag:$0x1] =	stream.indirect_vreg.gather [hbm4b:s6+s2], $0x80, v3, vm0, $0xb8;
	[tilespmem:$0x10100] =	vst v63  }
0x10f: {  	v3 =	vld [tilespmem:$0x10];
	_ =	sdelay $0x4  }
0x110: {  	v57 =	vshll.u32 v3, $0x3  }
0x111: {  	v3 =	vand.u32 $0x7, v3;
	v4 =	vand.u32 $0xFFFFFFC0, v57  }
0x112: {  	v3 =	vor.u32 v3, v4  }
0x113: {  	v4 =	vperm.xlane v3, v0;
	_ =	sdelay $0x1  }
0x114: {  	v4 =	vadd.s32 v1, v4;
	_ =	sdelay $0x4  }
0x115: {  	[tilespmem:s13], [sflag:$0x1] =	stream.indirect_vreg.gather [hbm4b:s3+s2], $0x80, v4, vm0, $0xb8;
	[tilespmem:$0x10100] =	vst v63  }
0x116: {  	v3 =	vperm.xlane v3, v2  }
0x117: {  	[tilespmem:s14], [sflag:$0x1] =	stream.indirect_vreg.gather [hbm4b:s4+s2], $0x80, v4, vm0, $0xb8;
	[tilespmem:$0x10100] =	vst v63  }
0x118: {  	v3 =	vadd.s32 v1, v3  }
0x119: {  	[tilespmem:s0], [sflag:$0x1] =	stream.indirect_vreg.gather [hbm4b:s5+s2], $0x80, v4, vm0, $0xb8;
	[tilespmem:$0x10100] =	vst v63  }
0x11a: {  	_ = 	snop  }
0x11b: {  	[tilespmem:s1], [sflag:$0x1] =	stream.indirect_vreg.gather [hbm4b:s6+s2], $0x80, v4, vm0, $0xb8;
	[tilespmem:$0x10100] =	vst v63  }
0x11c: {  	_ = 	snop  }
0x11d: {  	[tilespmem:s9], [sflag:$0x1] =	stream.indirect_vreg.gather [hbm4b:s3+s2], $0x80, v3, vm0, $0xb8;
	[tilespmem:$0x10100] =	vst v63  }
0x11e: {  	_ = 	snop  }
0x11f: {  	[tilespmem:s10], [sflag:$0x1] =	stream.indirect_vreg.gather [hbm4b:s4+s2], $0x80, v3, vm0, $0xb8;
	[tilespmem:$0x10100] =	vst v63  }
0x120: {  	_ = 	snop  }
0x121: {  	[tilespmem:s11], [sflag:$0x1] =	stream.indirect_vreg.gather [hbm4b:s5+s2], $0x80, v3, vm0, $0xb8;
	[tilespmem:$0x10100] =	vst v63  }
0x122: {  	_ = 	snop  }
0x123: {  	[tilespmem:s15], [sflag:$0x1] =	stream.indirect_vreg.gather [hbm4b:s6+s2], $0x80, v3, vm0, $0xb8;
	[tilespmem:$0x10100] =	vst v63  }
0x124: {  	v3 =	vld [tilespmem:$0x80];
	_ =	sdelay $0x4  }
0x125: {  	v58 =	vshll.u32 v3, $0x3  }
0x126: {  	v3 =	vand.u32 $0x7, v3;
	v4 =	vand.u32 $0xFFFFFFC0, v58  }
0x127: {  	v3 =	vor.u32 v3, v4  }
0x128: {  	v4 =	vperm.xlane v3, v0;
	_ =	sdelay $0x1  }
0x129: {  	v4 =	vadd.s32 v1, v4;
	_ =	sdelay $0x4  }
0x12a: {  	[tilespmem:s26], [sflag:$0x2] =	stream.indirect_vreg.gather [hbm4b:s3+s2], $0x80, v4, vm0, $0xb8;
	[tilespmem:$0x10100] =	vst v63  }
0x12b: {  	v3 =	vperm.xlane v3, v2  }
0x12c: {  	[tilespmem:s16], [sflag:$0x2] =	stream.indirect_vreg.gather [hbm4b:s4+s2], $0x80, v4, vm0, $0xb8;
	[tilespmem:$0x10100] =	vst v63  }
0x12d: {  	v3 =	vadd.s32 v1, v3  }
0x12e: {  	[tilespmem:s12], [sflag:$0x2] =	stream.indirect_vreg.gather [hbm4b:s5+s2], $0x80, v4, vm0, $0xb8;
	[tilespmem:$0x10100] =	vst v63  }
0x12f: {  	s30 =	simm.s32 $0x9900  }
0x130: {  	[tilespmem:s30], [sflag:$0x2] =	stream.indirect_vreg.gather [hbm4b:s6+s2], $0x80, v4, vm0, $0xb8;
	[tilespmem:$0x10100] =	vst v63  }
0x131: {  	s25 =	simm.s32 $0xA100  }
0x132: {  	[tilespmem:s25], [sflag:$0x2] =	stream.indirect_vreg.gather [hbm4b:s3+s2], $0x80, v3, vm0, $0xb8;
	[tilespmem:$0x10100] =	vst v63  }
0x133: {  	s28 =	simm.s32 $0xA900  }
0x134: {  	[tilespmem:s28], [sflag:$0x2] =	stream.indirect_vreg.gather [hbm4b:s4+s2], $0x80, v3, vm0, $0xb8;
	[tilespmem:$0x10100] =	vst v63  }
0x135: {  	s29 =	simm.s32 $0xB100  }
0x136: {  	[tilespmem:s29], [sflag:$0x2] =	stream.indirect_vreg.gather [hbm4b:s5+s2], $0x80, v3, vm0, $0xb8;
	[tilespmem:$0x10100] =	vst v63  }
0x137: {  	s30 =	simm.s32 $0xB900  }
0x138: {  	[tilespmem:s30], [sflag:$0x2] =	stream.indirect_vreg.gather [hbm4b:s6+s2], $0x80, v3, vm0, $0xb8;
	[tilespmem:$0x10100] =	vst v63  }
0x139: {  	v3 =	vld [tilespmem:$0x90];
	_ =	sdelay $0x4  }
0x13a: {  	v59 =	vshll.u32 v3, $0x3  }
0x13b: {  	v3 =	vand.u32 $0x7, v3;
	v4 =	vand.u32 $0xFFFFFFC0, v59  }
0x13c: {  	v3 =	vor.u32 v3, v4  }
0x13d: {  	v4 =	vperm.xlane v3, v0;
	_ =	sdelay $0x1  }
0x13e: {  	v4 =	vadd.s32 v1, v4;
	_ =	sdelay $0x3  }
0x13f: {  	s0 =	simm.s32 $0xC100  }
0x140: {  	[tilespmem:s0], [sflag:$0x2] =	stream.indirect_vreg.gather [hbm4b:s3+s2], $0x80, v4, vm0, $0xb8;
	[tilespmem:$0x10100] =	vst v63  }
0x141: {  	s29 =	simm.s32 $0xC900;
	v3 =	vperm.xlane v3, v2  }
0x142: {  	[tilespmem:s29], [sflag:$0x2] =	stream.indirect_vreg.gather [hbm4b:s4+s2], $0x80, v4, vm0, $0xb8;
	[tilespmem:$0x10100] =	vst v63  }
0x143: {  	s18 =	simm.s32 $0xD100;
	v3 =	vadd.s32 v1, v3  }
0x144: {  	[tilespmem:s18], [sflag:$0x2] =	stream.indirect_vreg.gather [hbm4b:s5+s2], $0x80, v4, vm0, $0xb8;
	[tilespmem:$0x10100] =	vst v63  }
0x145: {  	s23 =	simm.s32 $0xD900  }
0x146: {  	[tilespmem:s23], [sflag:$0x2] =	stream.indirect_vreg.gather [hbm4b:s6+s2], $0x80, v4, vm0, $0xb8;
	[tilespmem:$0x10100] =	vst v63  }
0x147: {  	s31 =	simm.s32 $0xE100  }
0x148: {  	[tilespmem:s31], [sflag:$0x2] =	stream.indirect_vreg.gather [hbm4b:s3+s2], $0x80, v3, vm0, $0xb8;
	[tilespmem:$0x10100] =	vst v63  }
0x149: {  	s30 =	simm.s32 $0xE900  }
0x14a: {  	[tilespmem:s30], [sflag:$0x2] =	stream.indirect_vreg.gather [hbm4b:s4+s2], $0x80, v3, vm0, $0xb8;
	[tilespmem:$0x10100] =	vst v63  }
0x14b: {  	s31 =	simm.s32 $0xF100  }
0x14c: {  	[tilespmem:s31], [sflag:$0x2] =	stream.indirect_vreg.gather [hbm4b:s5+s2], $0x80, v3, vm0, $0xb8;
	[tilespmem:$0x10100] =	vst v63  }
0x14d: {  	s0 =	simm.s32 $0xF900  }
0x14e: {  	[tilespmem:s0], [sflag:$0x2] =	stream.indirect_vreg.gather [hbm4b:s6+s2], $0x80, v3, vm0, $0xb8;
	[tilespmem:$0x10100] =	vst v63  }
0x14f: {  	_ =	swait.ge [sflag:s19], $0x8000  }
0x150: {  	[sflag:s19] =	ssyncset.done $0x0  }
0x151: {  	[sflag:s19] =	ssyncadd.s32 $0xFFFF8000  }
0x152: {  	_ =	swait.ge [sflag:s20], $0x8000  }
0x153: {  	[sflag:s20] =	ssyncset.done $0x0  }
0x154: {  	s0 =	rddreg [dreg:$0xc];
	[sflag:s20] =	ssyncadd.s32 $0xFFFF8000  }
0x155: {  	[hbm4b:s0+s2] =	stream.linear.scatter [tilespmem:s22], [sflag:$0x3], $0x8000, $0x38;
	[tilespmem:$0x10100] =	vst v63  }
0x156: {  	_ =	swait.ge [sflag:s8], $0x8000  }
0x157: {  	[sflag:s8] =	ssyncset.done $0x0  }
0x158: {  	s0 =	rddreg [dreg:$0xd];
	[sflag:s8] =	ssyncadd.s32 $0xFFFF8000  }
0x159: {  	[hbm4b:s0+s2] =	stream.linear.scatter [tilespmem:s26], [sflag:$0x3], $0x8000, $0x38;
	[tilespmem:$0x10100] =	vst v63  }
0x15a: {  	_ =	swait.ge [sflag:s8], $0x8000  }
0x15b: {  	[sflag:s8] =	ssyncset.done $0x0  }
0x15c: {  	s0 =	rddreg [dreg:$0xe];
	[sflag:s8] =	ssyncadd.s32 $0xFFFF8000  }
0x15d: {  	[tilespmem:s2], [sflag:$0x3] =	stream.linear.gather [hbm4b:s0+s2], $0x20, $0x38;
	[tilespmem:$0x10100] =	vst v63  }
0x15e: {  	_ =	swait.ge [sflag:s8], $0x20  }
0x15f: {  	[sflag:s8] =	ssyncset.done $0x0  }
0x160: {  	s0 =	simm.s32 $0x80;
	s21 =	rddreg [dreg:$0xf];
	[sflag:s8] =	ssyncadd.s32 $0xFFFFFFE0  }
0x161: {  	[tilespmem:s0], [sflag:$0x3] =	stream.linear.gather [hbm4b:s21+s2], $0x20, $0x38;
	[tilespmem:$0x10100] =	vst v63  }
0x162: {  	_ =	swait.ge [sflag:s8], $0x20  }
0x163: {  	[sflag:s8] =	ssyncset.done $0x0  }
0x164: {  	[sflag:s8] =	ssyncadd.s32 $0xFFFFFFE0  }
0x165: {  	v3 =	vld [tilespmem:$0x0];
	_ =	sdelay $0x4  }
0x166: {  	v60 =	vshll.u32 v3, $0x3  }
0x167: {  	v3 =	vand.u32 $0x7, v3;
	v4 =	vand.u32 $0xFFFFFFC0, v60  }
0x168: {  	v3 =	vor.u32 v3, v4  }
0x169: {  	v4 =	vperm.xlane v3, v0;
	_ =	sdelay $0x1  }
0x16a: {  	v4 =	vadd.s32 v1, v4;
	_ =	sdelay $0x4  }
0x16b: {  	[tilespmem:s22], [sflag:$0x1] =	stream.indirect_vreg.gather [hbm4b:s3+s2], $0x80, v4, vm0, $0xb8;
	[tilespmem:$0x10100] =	vst v63  }
0x16c: {  	s21 =	simm.s32 $0x900;
	v3 =	vperm.xlane v3, v2  }
0x16d: {  	[tilespmem:s21], [sflag:$0x1] =	stream.indirect_vreg.gather [hbm4b:s4+s2], $0x80, v4, vm0, $0xb8;
	[tilespmem:$0x10100] =	vst v63  }
0x16e: {  	s0 =	simm.s32 $0x1100;
	v3 =	vadd.s32 v1, v3  }
0x16f: {  	[tilespmem:s0], [sflag:$0x1] =	stream.indirect_vreg.gather [hbm4b:s5+s2], $0x80, v4, vm0, $0xb8;
	[tilespmem:$0x10100] =	vst v63  }
0x170: {  	s0 =	simm.s32 $0x1900  }
0x171: {  	[tilespmem:s0], [sflag:$0x1] =	stream.indirect_vreg.gather [hbm4b:s6+s2], $0x80, v4, vm0, $0xb8;
	[tilespmem:$0x10100] =	vst v63  }
0x172: {  	s0 =	simm.s32 $0x2100  }
0x173: {  	[tilespmem:s0], [sflag:$0x1] =	stream.indirect_vreg.gather [hbm4b:s3+s2], $0x80, v3, vm0, $0xb8;
	[tilespmem:$0x10100] =	vst v63  }
0x174: {  	s0 =	simm.s32 $0x2900  }
0x175: {  	[tilespmem:s0], [sflag:$0x1] =	stream.indirect_vreg.gather [hbm4b:s4+s2], $0x80, v3, vm0, $0xb8;
	[tilespmem:$0x10100] =	vst v63  }
0x176: {  	s0 =	simm.s32 $0x3100  }
0x177: {  	[tilespmem:s0], [sflag:$0x1] =	stream.indirect_vreg.gather [hbm4b:s5+s2], $0x80, v3, vm0, $0xb8;
	[tilespmem:$0x10100] =	vst v63  }
0x178: {  	s21 =	simm.s32 $0x3900  }
0x179: {  	[tilespmem:s21], [sflag:$0x1] =	stream.indirect_vreg.gather [hbm4b:s6+s2], $0x80, v3, vm0, $0xb8;
	[tilespmem:$0x10100] =	vst v63  }
0x17a: {  	v3 =	vld [tilespmem:$0x10];
	_ =	sdelay $0x4  }
0x17b: {  	v61 =	vshll.u32 v3, $0x3  }
0x17c: {  	v3 =	vand.u32 $0x7, v3;
	v4 =	vand.u32 $0xFFFFFFC0, v61  }
0x17d: {  	v3 =	vor.u32 v3, v4  }
0x17e: {  	v4 =	vperm.xlane v3, v0;
	_ =	sdelay $0x1  }
0x17f: {  	v4 =	vadd.s32 v1, v4;
	_ =	sdelay $0x3  }
0x180: {  	s13 =	simm.s32 $0x4100  }
0x181: {  	[tilespmem:s13], [sflag:$0x1] =	stream.indirect_vreg.gather [hbm4b:s3+s2], $0x80, v4, vm0, $0xb8;
	[tilespmem:$0x10100] =	vst v63  }
0x182: {  	s14 =	simm.s32 $0x4900;
	v3 =	vperm.xlane v3, v2  }
0x183: {  	[tilespmem:s14], [sflag:$0x1] =	stream.indirect_vreg.gather [hbm4b:s4+s2], $0x80, v4, vm0, $0xb8;
	[tilespmem:$0x10100] =	vst v63  }
0x184: {  	s21 =	simm.s32 $0x5100;
	v3 =	vadd.s32 v1, v3  }
0x185: {  	[tilespmem:s21], [sflag:$0x1] =	stream.indirect_vreg.gather [hbm4b:s5+s2], $0x80, v4, vm0, $0xb8;
	[tilespmem:$0x10100] =	vst v63  }
0x186: {  	s1 =	simm.s32 $0x5900  }
0x187: {  	[tilespmem:s1], [sflag:$0x1] =	stream.indirect_vreg.gather [hbm4b:s6+s2], $0x80, v4, vm0, $0xb8;
	[tilespmem:$0x10100] =	vst v63  }
0x188: {  	s9 =	simm.s32 $0x6100  }
0x189: {  	[tilespmem:s9], [sflag:$0x1] =	stream.indirect_vreg.gather [hbm4b:s3+s2], $0x80, v3, vm0, $0xb8;
	[tilespmem:$0x10100] =	vst v63  }
0x18a: {  	s10 =	simm.s32 $0x6900  }
0x18b: {  	[tilespmem:s10], [sflag:$0x1] =	stream.indirect_vreg.gather [hbm4b:s4+s2], $0x80, v3, vm0, $0xb8;
	[tilespmem:$0x10100] =	vst v63  }
0x18c: {  	s11 =	simm.s32 $0x7100  }
0x18d: {  	[tilespmem:s11], [sflag:$0x1] =	stream.indirect_vreg.gather [hbm4b:s5+s2], $0x80, v3, vm0, $0xb8;
	[tilespmem:$0x10100] =	vst v63  }
0x18e: {  	s15 =	simm.s32 $0x7900  }
0x18f: {  	[tilespmem:s15], [sflag:$0x1] =	stream.indirect_vreg.gather [hbm4b:s6+s2], $0x80, v3, vm0, $0xb8;
	[tilespmem:$0x10100] =	vst v63  }
0x190: {  	v3 =	vld [tilespmem:$0x80];
	_ =	sdelay $0x4  }
0x191: {  	v62 =	vshll.u32 v3, $0x3  }
0x192: {  	v3 =	vand.u32 $0x7, v3;
	v4 =	vand.u32 $0xFFFFFFC0, v62  }
0x193: {  	v3 =	vor.u32 v3, v4  }
0x194: {  	v4 =	vperm.xlane v3, v0;
	_ =	sdelay $0x1  }
0x195: {  	v4 =	vadd.s32 v1, v4;
	_ =	sdelay $0x4  }
0x196: {  	[tilespmem:s26], [sflag:$0x2] =	stream.indirect_vreg.gather [hbm4b:s3+s2], $0x80, v4, vm0, $0xb8;
	[tilespmem:$0x10100] =	vst v63  }
0x197: {  	s16 =	simm.s32 $0x8900;
	v3 =	vperm.xlane v3, v2  }
0x198: {  	[tilespmem:s16], [sflag:$0x2] =	stream.indirect_vreg.gather [hbm4b:s4+s2], $0x80, v4, vm0, $0xb8;
	[tilespmem:$0x10100] =	vst v63  }
0x199: {  	s12 =	simm.s32 $0x9100;
	v3 =	vadd.s32 v1, v3  }
0x19a: {  	[tilespmem:s12], [sflag:$0x2] =	stream.indirect_vreg.gather [hbm4b:s5+s2], $0x80, v4, vm0, $0xb8;
	[tilespmem:$0x10100] =	vst v63  }
0x19b: {  	s17 =	simm.s32 $0x9900  }
0x19c: {  	[tilespmem:s17], [sflag:$0x2] =	stream.indirect_vreg.gather [hbm4b:s6+s2], $0x80, v4, vm0, $0xb8;
	[tilespmem:$0x10100] =	vst v63  }
0x19d: {  	s24 =	simm.s32 $0xA100  }
0x19e: {  	[tilespmem:s24], [sflag:$0x2] =	stream.indirect_vreg.gather [hbm4b:s3+s2], $0x80, v3, vm0, $0xb8;
	[tilespmem:$0x10100] =	vst v63  }
0x19f: {  	s25 =	simm.s32 $0xA900  }
0x1a0: {  	[tilespmem:s25], [sflag:$0x2] =	stream.indirect_vreg.gather [hbm4b:s4+s2], $0x80, v3, vm0, $0xb8;
	[tilespmem:$0x10100] =	vst v63  }
0x1a1: {  	s28 =	simm.s32 $0xB100  }
0x1a2: {  	[tilespmem:s28], [sflag:$0x2] =	stream.indirect_vreg.gather [hbm4b:s5+s2], $0x80, v3, vm0, $0xb8;
	[tilespmem:$0x10100] =	vst v63  }
0x1a3: {  	s24 =	simm.s32 $0xB900  }
0x1a4: {  	[tilespmem:s24], [sflag:$0x2] =	stream.indirect_vreg.gather [hbm4b:s6+s2], $0x80, v3, vm0, $0xb8;
	[tilespmem:$0x10100] =	vst v63  }
0x1a5: {  	v3 =	vld [tilespmem:$0x90];
	_ =	sdelay $0x4  }
0x1a6: {  	v63 =	vshll.u32 v3, $0x3  }
0x1a7: {  	v3 =	vand.u32 $0x7, v3;
	v4 =	vand.u32 $0xFFFFFFC0, v63  }
0x1a8: {  	v3 =	vor.u32 v3, v4  }
0x1a9: {  	v4 =	vperm.xlane v3, v0;
	_ =	sdelay $0x1  }
0x1aa: {  	v4 =	vadd.s32 v1, v4;
	_ =	sdelay $0x3  }
0x1ab: {  	s25 =	simm.s32 $0xC100  }
0x1ac: {  	[tilespmem:s25], [sflag:$0x2] =	stream.indirect_vreg.gather [hbm4b:s3+s2], $0x80, v4, vm0, $0xb8;
	[tilespmem:$0x10100] =	vst v63  }
0x1ad: {  	s28 =	simm.s32 $0xC900;
	v3 =	vperm.xlane v3, v2  }
0x1ae: {  	[tilespmem:s28], [sflag:$0x2] =	stream.indirect_vreg.gather [hbm4b:s4+s2], $0x80, v4, vm0, $0xb8;
	[tilespmem:$0x10100] =	vst v63  }
0x1af: {  	s29 =	simm.s32 $0xD100;
	v3 =	vadd.s32 v1, v3  }
0x1b0: {  	[tilespmem:s29], [sflag:$0x2] =	stream.indirect_vreg.gather [hbm4b:s5+s2], $0x80, v4, vm0, $0xb8;
	[tilespmem:$0x10100] =	vst v63  }
0x1b1: {  	s18 =	simm.s32 $0xD900  }
0x1b2: {  	[tilespmem:s18], [sflag:$0x2] =	stream.indirect_vreg.gather [hbm4b:s6+s2], $0x80, v4, vm0, $0xb8;
	[tilespmem:$0x10100] =	vst v63  }
0x1b3: {  	s23 =	simm.s32 $0xE100  }
0x1b4: {  	[tilespmem:s23], [sflag:$0x2] =	stream.indirect_vreg.gather [hbm4b:s3+s2], $0x80, v3, vm0, $0xb8;
	[tilespmem:$0x10100] =	vst v63  }
0x1b5: {  	s30 =	simm.s32 $0xE900  }
0x1b6: {  	[tilespmem:s30], [sflag:$0x2] =	stream.indirect_vreg.gather [hbm4b:s4+s2], $0x80, v3, vm0, $0xb8;
	[tilespmem:$0x10100] =	vst v63  }
0x1b7: {  	s31 =	simm.s32 $0xF100  }
0x1b8: {  	[tilespmem:s31], [sflag:$0x2] =	stream.indirect_vreg.gather [hbm4b:s5+s2], $0x80, v3, vm0, $0xb8;
	[tilespmem:$0x10100] =	vst v63  }
0x1b9: {  	s29 =	simm.s32 $0xF900  }
0x1ba: {  	[tilespmem:s29], [sflag:$0x2] =	stream.indirect_vreg.gather [hbm4b:s6+s2], $0x80, v3, vm0, $0xb8;
	[tilespmem:$0x10100] =	vst v63  }
0x1bb: {  	_ =	swait.ge [sflag:s19], $0x8000  }
0x1bc: {  	[sflag:s19] =	ssyncset.done $0x0  }
0x1bd: {  	[sflag:s19] =	ssyncadd.s32 $0xFFFF8000  }
0x1be: {  	_ =	swait.ge [sflag:s20], $0x8000  }
0x1bf: {  	[sflag:s20] =	ssyncset.done $0x0  }
0x1c0: {  	s30 =	rddreg [dreg:$0x10];
	[sflag:s20] =	ssyncadd.s32 $0xFFFF8000  }
0x1c1: {  	[hbm4b:s30+s2] =	stream.linear.scatter [tilespmem:s22], [sflag:$0x3], $0x8000, $0x38;
	[tilespmem:$0x10100] =	vst v63  }
0x1c2: {  	_ =	swait.ge [sflag:s8], $0x8000  }
0x1c3: {  	p0 =	sne.s32 s7, $0x1;
	[sflag:s8] =	ssyncset.done $0x0  }
.Ltmp0:
0x1c4: {  	s31 =	rddreg [dreg:$0x11];
	[sflag:s8] =	ssyncadd.s32 $0xFFFF8000;
	(pc) =	sbr.rel @p0 .LBB2_1-.Ltmp0, $4  }
0x1c5: {  	[hbm4b:s31+s2] =	stream.linear.scatter [tilespmem:s26], [sflag:$0x3], $0x8000, $0x38;
	[tilespmem:$0x10100] =	vst v63  }
0x1c6: {  	_ =	swait.ge [sflag:s8], $0x8000  }
0x1c7: {  	[sflag:s8] =	ssyncset.done $0x0  }
0x1c8: {  	s7 =	sadd.s32 $0xFFFFFFFF, s7;
	[sflag:s8] =	ssyncadd.s32 $0xFFFF8000  }
0x1c9: {  	_ =	sfence.sel $0x180000  }
0x1ca: {  	[bflag:$0x0] =	sbarrier.arrive $0xFFFF  }
0x1cb: {  	_ =	strace $0x9000004A  }
0x1cc: {  	s0 =	stileid.u32;
	[bflag:$0x2] =	sbarrier.arrive $0xFFFF  }
0x1cd: {  	p0 =	sne.s32 s0, $0x0;
	s0 =	rddreg [dreg:$0x1]  }
0x1ce: {  	s0 =	sadd.s32 @!p0 $0x100000, s0  }
0x1cf: {  	[sflag:s0] =	ssyncadd.tile.s32 @!p0 $0x1;
	_ =	shalt  }
.Lfunc_end2:
_tile_overlayer_lowered:
.L_overlay_start_2:
0x1d0: {  	(tag) =	ssettag $0x2  }
0x1d1: {  	s0 =	rddreg [dreg:$0x0];
	s2 =	stileid.u32  }
0x1d2: {  	s1 =	rddreg [dreg:$0x1];
	p0 =	sne.s32 s2, $0x0  }
0x1d3: {  	s3 =	rddreg [dreg:$0x2];
	[bflag:$0x3] =	sbarrier.arrive $0xFFFF;
	s2 =	simm.s32 @!p0 $0x1C03  }
0x1d4: {  	[timem:s3], [sflag:s2] =	dma.local @!p0 [hbm:s0], s1  }
0x1d5: {  	s0 =	simm.s32 @!p0 $0x3  }
0x1d6: {  	_ =	swait.ge @!p0 [sflag:s0], s1  }
0x1d7: {  	s1 =	ssub.s32 @!p0 $0x0, s1;
	[sflag:s0] =	ssyncset.done @!p0 $0x0  }
0x1d8: {  	[sflag:s0] =	ssyncadd.s32 @!p0 s1  }
0x1d9: {  	[bflag:$0x3] =	sbarrier.arrive $0xFFFF  }
0x1da: {  	_ =	shalt  }

// kernel: _moe.7.cloned.1.call-start
scs
__scs_entry_jumppad:
0x0: {  	(pc) =	sbr.rel $0x88, $3  }
0x1: {  	(tag) =	ssettag $0x0;
	lr =	simm.s32 $0x1  }
0x2: {  	[smem:$0x3F9A] =	sst lr;
	_ =	strace $0xD0000000  }
0x3: {  	_ = 	snop  }
0x4: {  	_ = 	snop  }
0x5: {  	_ = 	snop  }
0x6: {  	_ = 	snop  }
0x7: {  	_ = 	snop  }
__scs_overlays_trampoline_lowered:
0x8: {  	[smem:$0x3FA9] =	sst s0  }
0x9: {  	[smem:$0x3FAA] =	sst s1  }
0xa: {  	[smem:$0x3FAB] =	sst s2  }
0xb: {  	[smem:$0x3FAC] =	sst s3  }
0xc: {  	[smem:$0x3FAD] =	sst s4  }
0xd: {  	[smem:$0x3FAE] =	sst s5  }
0xe: {  	[smem:$0x3FAF] =	sst s6  }
0xf: {  	[smem:$0x3FB0] =	sst s7  }
0x10: {  	[smem:$0x3FB1] =	sst s8  }
0x11: {  	[smem:$0x3FB2] =	sst s9;
	s0 =	simm.s32 @!p0 $0x0  }
0x12: {  	s1 =	sld [smem:$0x3F98];
	s0 =	simm.s32 @p0 $0x1  }
0x13: {  	[smem:$0x3FB3] =	sst s0;
	s0 =	simm.s32 @!p1 $0x0  }
0x14: {  	s2 =	sld [smem:$0x3F97];
	s0 =	simm.s32 @p1 $0x1  }
0x15: {  	[smem:$0x3FB4] =	sst s0;
	s0 =	simm.s32 @!p2 $0x0  }
0x16: {  	s3 =	sld [smem:$0x3FDB];
	s0 =	simm.s32 @p2 $0x1  }
0x17: {  	s4 =	simm.s32 $0x1BF5;
	[smem:$0x3FB6] =	sst s0  }
0x18: {  	s0 =	sld [smem:$0x3F99];
	_ =	swait.ge [sflag:s4], $0x0  }
0x19: {  	s7 =	sld [smem:$0x3F9A]  }
0x1a: {  	s8 =	sadd.s32 $0xFFFFE003, lr  }
0x1b: {  	s9 =	sadd.s32 $0xFFFFFEF7, lr;
	s5 =	simm.s32 $0xFFFFFFFF;
	p2 =	slt.u32 s8, $0xFFFFF086  }
0x1c: {  	p1 =	slt.u32 s9, $0xF7A;
	s5 =	simm.s32 @!p2 $0x0  }
0x1d: {  	s5 =	simm.s32 @p1 $0x1;
	p0 =	seq.s32 s7, s2  }
0x1e: {  	s7 =	smul.u32 @!p0 $0xF7A, s2;
	p2 =	seq.s32 @!p0 s5, $0x0  }
0x1f: {  	s9 =	smul.u32 $0xF7A, s1;
	s8 =	simm.s32 @!p0 $0x1BF5;
	p2 =	por !p2, p0  }
0x20: {  	[sflag:s8] =	ssyncset.s32 @!p0 $0xFFFFF086;
	s6 =	sadd.s32 @!p0 s3, s7;
	s7 =	simm.s32 @!p0 $0x108  }
0x21: {  	s3 =	sadd.s32 s3, s9;
	s6 =	sadd.s32 @!p0 $0x88, s6;
	s7 =	simm.s32 @p2 $0x1082  }
0x22: {  	[simem:s7], [sflag:s8] =	dma.local @!p0 [hbm:s6], $0xF7A  }
0x23: {  	s9 =	sor.u32 $0xD0000000, s2;
	s6 =	simm.s32 $0x108;
	_ =	swait.ge @!p0 [sflag:s8], $0x0  }
0x24: {  	s3 =	sadd.s32 $0x88, s3;
	s6 =	simm.s32 @!p1 $0x1082;
	[sflag:s4] =	ssyncset.s32 $0xFFFFF086  }
0x25: {  	[simem:s6], [sflag:s4] =	dma.local [hbm:s3], $0xF7A  }
0x26: {  	[smem:$0x3F9A] =	sst s1;
	(tag) =	ssettag s2;
	_ =	strace s9  }
0x27: {  	s1 =	sld [smem:$0x3FAA]  }
0x28: {  	s2 =	sld [smem:$0x3FAB]  }
0x29: {  	s4 =	sld [smem:$0x3FAD]  }
0x2a: {  	p0 =	seq.s32 s5, $0x0;
	s5 =	sld [smem:$0x3FAE]  }
0x2b: {  	s6 =	sld [smem:$0x3FAF]  }
0x2c: {  	s7 =	sld [smem:$0x3FB0]  }
0x2d: {  	s3 =	simm.s32 $0x108;
	s8 =	sld [smem:$0x3FB1]  }
0x2e: {  	s3 =	simm.s32 @!p0 $0x1082;
	s9 =	sld [smem:$0x3FB2]  }
0x2f: {  	lr =	sadd.s32 s0, s3;
	s0 =	sld [smem:$0x3FA9]  }
0x30: {  	s3 =	sld [smem:$0x3FAC]  }
0x31: {  	[smem:$0x3FB5] =	sst s10  }
0x32: {  	s10 =	sld [smem:$0x3FB3];
	_ =	sdelay $0x3  }
0x33: {  	p0 =	seq.s32 s10, $0x1;
	s10 =	sld [smem:$0x3FB5];
	_ =	sdelay $0x3  }
0x34: {  	[smem:$0x3FB5] =	sst s10  }
0x35: {  	s10 =	sld [smem:$0x3FB4];
	_ =	sdelay $0x3  }
0x36: {  	p1 =	seq.s32 s10, $0x1;
	s10 =	sld [smem:$0x3FB5];
	_ =	sdelay $0x3  }
0x37: {  	[smem:$0x3FB5] =	sst s10  }
0x38: {  	s10 =	sld [smem:$0x3FB6]  }
0x39: {  	_ = 	snop;
	(pc) =	sbr.ind lr, $3  }
0x3a: {  	_ = 	snop  }
0x3b: {  	_ = 	snop  }
0x3c: {  	p2 =	seq.s32 s10, $0x1;
	s10 =	sld [smem:$0x3FB5]  }
0x3d: {  	_ =	shalt  }
0x3e: {  	_ =	shalt  }
0x3f: {  	_ =	shalt  }
0x40: {  	_ =	shalt  }
0x41: {  	_ =	shalt  }
0x42: {  	_ =	shalt  }
0x43: {  	_ =	shalt  }
0x44: {  	_ =	shalt  }
0x45: {  	_ =	shalt  }
0x46: {  	_ =	shalt  }
0x47: {  	_ =	shalt  }
0x48: {  	_ =	shalt  }
0x49: {  	_ =	shalt  }
0x4a: {  	_ =	shalt  }
0x4b: {  	_ =	shalt  }
0x4c: {  	_ =	shalt  }
0x4d: {  	_ =	shalt  }
0x4e: {  	_ =	shalt  }
0x4f: {  	_ =	shalt  }
0x50: {  	_ =	shalt  }
0x51: {  	_ =	shalt  }
0x52: {  	_ =	shalt  }
0x53: {  	_ =	shalt  }
0x54: {  	_ =	shalt  }
0x55: {  	_ =	shalt  }
0x56: {  	_ =	shalt  }
0x57: {  	_ =	shalt  }
0x58: {  	_ =	shalt  }
0x59: {  	_ =	shalt  }
0x5a: {  	_ =	shalt  }
0x5b: {  	_ =	shalt  }
0x5c: {  	_ =	shalt  }
0x5d: {  	_ =	shalt  }
0x5e: {  	_ =	shalt  }
0x5f: {  	_ =	shalt  }
0x60: {  	_ =	shalt  }
0x61: {  	_ =	shalt  }
0x62: {  	_ =	shalt  }
0x63: {  	_ =	shalt  }
0x64: {  	_ =	shalt  }
0x65: {  	_ =	shalt  }
0x66: {  	_ =	shalt  }
0x67: {  	_ =	shalt  }
0x68: {  	_ =	shalt  }
0x69: {  	_ =	shalt  }
0x6a: {  	_ =	shalt  }
0x6b: {  	_ =	shalt  }
0x6c: {  	_ =	shalt  }
0x6d: {  	_ =	shalt  }
0x6e: {  	_ =	shalt  }
0x6f: {  	_ =	shalt  }
0x70: {  	_ =	shalt  }
0x71: {  	_ =	shalt  }
0x72: {  	_ =	shalt  }
0x73: {  	_ =	shalt  }
0x74: {  	_ =	shalt  }
0x75: {  	_ =	shalt  }
0x76: {  	_ =	shalt  }
0x77: {  	_ =	shalt  }
0x78: {  	_ =	shalt  }
0x79: {  	_ =	shalt  }
0x7a: {  	_ =	shalt  }
0x7b: {  	_ =	shalt  }
0x7c: {  	_ =	shalt  }
0x7d: {  	_ =	shalt  }
0x7e: {  	_ =	shalt  }
0x7f: {  	_ =	shalt  }
0x80: {  	_ =	shalt  }
0x81: {  	_ =	shalt  }
0x82: {  	_ =	shalt  }
0x83: {  	_ =	shalt  }
0x84: {  	_ =	shalt  }
0x85: {  	_ =	shalt  }
0x86: {  	_ =	shalt  }
0x87: {  	_ =	shalt  }
.Lfunc_end0:
.L_simem_size_0:
called_computation_lowered:
.L_overlay_start_0:
0x88: {  	s2 =	sld [smem:$0x3FD9]  }
0x89: {  	s3 =	sld [smem:$0x3FFE];
	_ =	sdelay $0x1  }
0x8a: {  	s1 =	srdreg.scid  }
0x8b: {  	s0 =	sand.u32 $0x1, s1  }
0x8c: {  	s17 =	sshll.u32 s0, $0xA;
	s2 =	sadd.s32 s3, s2  }
0x8d: {  	s2 =	sadd.s32 s2, s17  }
0x8e: {  	[smem:$0x3FC1] =	sst s2  }
0x8f: {  	_ = 	snop  }
0x90: {  	s2 =	sld [smem:$0x3FC9];
	(tm) =	ssettm $0x1  }
0x91: {  	s18 =	sld [smem:$0x3FFB];
	_ =	sdelay $0x3  }
0x92: {  	_ =	strace s18  }
0x93: {  	s3 =	sld [smem:$0x3FFC];
	_ =	sdelay $0x3  }
0x94: {  	_ =	strace s3  }
0x95: {  	s3 =	sld [smem:$0x3FFD];
	_ =	sdelay $0x3  }
0x96: {  	_ =	strace s3  }
0x97: {  	_ =	strace $0x8FFFFFFF  }
0x98: {  	s19 =	sld [smem:$0x3FDB];
	_ =	sdelay $0x1  }
0x99: {  	s4 =	simm.s32 $_scs_section_size  }
0x9a: {  	s5 =	simm.s32 $_size__tile_overlayer_lowered;
	s6 =	simm.s32 $_tile_overlayer_lowered  }
0x9b: {  	s22 =	simm.s32 $0x1BFF;
	s21 =	sshll.u32 s6, $0x1;
	s3 =	sadd.s32 s4, s19  }
0x9c: {  	s7 =	simm.s32 $0x0;
	s20 =	sshll.u32 s5, $0x1;
	s5 =	sadd.s32 s21, s3  }
0x9d: {  	[timem:s7], [sflag:s22] =	dma.local [hbm:s5], s20  }
0x9e: {  	_ =	swait.ge [sflag:s22], s20  }
0x9f: {  	s4 =	ssub.s32 $0x0, s20;
	[sflag:s22] =	ssyncset.done $0x0  }
0xa0: {  	[sflag:s22] =	ssyncadd.s32 s4;
	_ =	sdelay $0x1  }
0xa1: {  	s23 =	simm.s32 $0x1B8B  }
0xa2: {  	_ =	swait.ge [sflag:s23], $0x1  }
0xa3: {  	[sflag:s23] =	ssyncset.done $0x0  }
0xa4: {  	s25 =	simm.s32 $0x1B8E;
	s24 =	sld [smem:$0x3FFE];
	[sflag:s23] =	ssyncadd.s32 $0xFFFFFFFF  }
0xa5: {  	s26 =	simm.s32 $execute0_lowered;
	[smem:$0x3FD2] =	sst s25  }
0xa6: {  	s5 =	sshll.u32 s26, $0x1;
	_ =	strace $0x80000046;
	[dreg:$0x1] =	wrdreg $0xFFFFFFFF  }
0xa7: {  	s28 =	simm.s32 $_size_execute0_lowered;
	s3 =	sadd.s32 s3, s5;
	[dreg:$0x0] =	wrdreg $0x0  }
0xa8: {  	s5 =	sshll.u32 s28, $0x1;
	[dreg:$0x2] =	wrdreg s3  }
0xa9: {  	[dreg:$0x3] =	wrdreg s5  }
0xaa: {  	[dreg:$0x4] =	wrdreg $0xC0  }
0xab: {  	_ =	task [dreg:s7], $0x5FFFF  }
0xac: {  	[dreg:$0x1] =	wrdreg $0xFFFFFFFF  }
0xad: {  	[dreg:$0x0] =	wrdreg $0x60  }
0xae: {  	[dreg:$0x2] =	wrdreg s24  }
0xaf: {  	[dreg:$0x3] =	wrdreg s2  }
0xb0: {  	[dreg:$0x4] =	wrdreg $0x9  }
0xb1: {  	_ =	task.clear_ibuf [dreg:s7], $0x5FFFF;
	_ =	strace $0x90000046  }
0xb2: {  	s29 =	simm.s32 $0x9;
	_ =	strace $0x80000048  }
0xb3: {  	_ =	swait.ge [sflag:s29], $0x1  }
0xb4: {  	[sflag:s29] =	ssyncadd.s32 $0xFFFFFFFF  }
0xb5: {  	_ =	strace $0x90000048  }
0xb6: {  	_ =	sfence  }
0xb7: {  	s30 =	sld [smem:$0x0];
	_ =	sdelay $0x2  }
0xb8: {  	s31 =	sshll.u32 s1, $0xD;
	s1 =	sshrl.u32 s1, $0x2  }
0xb9: {  	s3 =	sand.u32 $0x4000, s31;
	s1 =	sadd.s32 s1, s30  }
0xba: {  	s0 =	sor.u32 s3, s0;
	s1 =	sshll.u32 s1, $0x11  }
0xbb: {  	s0 =	sor.u32 s1, s0  }
0xbc: {  	s0 =	sadd.s32 $0x8F2B, s0  }
0xbd: {  	[sflag:s0] =	ssyncadd.remote.s32 $0x1  }
0xbe: {  	_ =	sfence.sel $0xFFFF  }
0xbf: {  	[dreg:$0x0] =	wrdreg $0xFFFFFFFF;
	(pc) =	sbr.abs _section_cstart, $3  }
0xc0: {  	[dreg:$0x1] =	wrdreg $0xFFFFFFFF  }
0xc1: {  	_ =	task.clear_ibuf [dreg:s7], $0x2FFFF;
	_ =	strace $0x9FFFFFFF  }
0xc2: {  	(tm) =	ssettm $0x7FFFFFFF  }
0xc3: {  	_ =	shalt  }
tec
execute0_lowered:
.L_overlay_start_1:
0x0: {  	(tag) =	ssettag $0x1  }
0x1: {  	s1 =	srdreg.scid;
	s6 =	rddreg [dreg:$0x0]  }
0x2: {  	s0 =	stileid.u32;
	s2 =	simm.s32 $0x0;
	s28 =	simm.s32 $0x2900  }
0x3: {  	s29 =	simm.s32 $0x3100;
	s30 =	simm.s32 $0x3900;
	s31 =	simm.s32 $0x1  }
0x4: {  	s3 =	sand.u32 $0x1, s1;
	s1 =	rddreg [dreg:$0x1];
	s4 =	sshll.u32 s0, $0x8  }
0x5: {  	[smem:$0x7FF] =	sst s2;
	s16 =	sadd.s32 $0x2600, s6;
	s5 =	sshll.u32 s3, $0x7  }
0x6: {  	s17 =	sadd.s32 $0x2400, s6;
	_ =	strace $0x80000047;
	s14 =	sor.u32 s5, s4  }
0x7: {  	s4 =	sshrl.u32 s14, $0x3;
	s0 =	sshll.u32 s14, $0x7;
	s7 =	sor.u32 $0x10, s14  }
0x8: {  	s13 =	sor.u32 $0x20, s14;
	s21 =	sor.u32 $0x30, s14;
	s24 =	sor.u32 $0x40, s14  }
0x9: {  	s26 =	sadd.s32 s16, s4;
	s4 =	sadd.s32 s17, s4;
	s8 =	sadd.s32 s1, s0  }
0xa: {  	s9 =	sshrl.u32 s7, $0x3;
	s12 =	sshll.u32 s7, $0x7;
	s18 =	sshrl.u32 s13, $0x3  }
0xb: {  	s5 =	sshll.u32 s13, $0x7;
	s22 =	sshrl.u32 s21, $0x3;
	[dreg:$0x3] =	wrdreg s26  }
0xc: {  	s7 =	sshll.u32 s21, $0x7;
	s25 =	sshrl.u32 s24, $0x3;
	[dreg:$0x4] =	wrdreg s4  }
0xd: {  	s21 =	simm.s32 $0x80;
	[dreg:$0x5] =	wrdreg s8;
	s10 =	sadd.s32 s16, s9  }
0xe: {  	s8 =	ssub.s32 $0x2, s3;
	s11 =	sadd.s32 s17, s9;
	[dreg:$0x6] =	wrdreg s10  }
0xf: {  	s15 =	sadd.s32 s1, s12;
	s9 =	sadd.s32 s16, s18;
	[dreg:$0x7] =	wrdreg s11  }
0x10: {  	s3 =	sadd.s32 $0x2800, s6;
	s4 =	sadd.s32 s17, s18;
	[dreg:$0x8] =	wrdreg s15  }
0x11: {  	s5 =	sadd.s32 s1, s5;
	s23 =	sadd.s32 s16, s22;
	[dreg:$0x9] =	wrdreg s9  }
0x12: {  	s7 =	sadd.s32 s1, s7;
	s12 =	sor.u32 $0x50, s14;
	[dreg:$0xa] =	wrdreg s4  }
0x13: {  	s20 =	sshrl.u32 s8, $0x1;
	s4 =	sadd.s32 $0x2900, s6;
	[dreg:$0xb] =	wrdreg s5  }
0x14: {  	s5 =	sadd.s32 $0x2A00, s6;
	s6 =	sadd.s32 $0x2B00, s6;
	[dreg:$0xc] =	wrdreg s23  }
0x15: {  	[dreg:$0xe] =	wrdreg s7;
	s7 =	sadd.s32 s16, s25;
	s9 =	sshll.u32 s24, $0x7  }
0x16: {  	s11 =	sshrl.u32 s12, $0x3;
	s15 =	sor.u32 $0x60, s14;
	s12 =	sshll.u32 s12, $0x7  }
0x17: {  	s23 =	simm.s32 $0x900;
	s24 =	simm.s32 $0x1100;
	s19 =	ssub.s32 s8, s20  }
0x18: {  	s8 =	sadd.s32 s17, s22;
	s9 =	sadd.s32 s1, s9;
	s10 =	sadd.s32 s16, s11  }
0x19: {  	s11 =	sadd.s32 s17, s11;
	s18 =	sshrl.u32 s15, $0x3;
	s12 =	sadd.s32 s1, s12  }
0x1a: {  	s20 =	sor.u32 $0x70, s14;
	s15 =	sshll.u32 s15, $0x7;
	s22 =	simm.s32 $0x100  }
0x1b: {  	[dreg:$0xd] =	wrdreg s8;
	s8 =	sadd.s32 s17, s25;
	s13 =	sadd.s32 s16, s18  }
0x1c: {  	s14 =	sadd.s32 s17, s18;
	s26 =	sshrl.u32 s20, $0x3;
	s15 =	sadd.s32 s1, s15  }
0x1d: {  	v2 =	vlaneseq.u32;
	s20 =	sshll.u32 s20, $0x7;
	s19 =	smax.u32 s19, $0x1;
	s25 =	simm.s32 $0x1900  }
0x1e: {  	vm0 =	vmmov $0xffff;
	v1 =	vshrl.u32 v2, $0x3;
	s16 =	sadd.s32 s16, s26;
	s17 =	sadd.s32 s17, s26;
	s18 =	sadd.s32 s1, s20  }
0x1f: {  	v0 =	vand.u32 $0x7, v2;
	v2 =	vor.u32 $0x8, v2;
	v1 =	vmul.u32 $0x8, v1;
	s20 =	simm.s32 $0x3;
	s26 =	simm.s32 $0x2100;
	s1 =	simm.s32 $0x2  }
.LBB2_1:
0x20: {  	s0 =	rddreg [dreg:$0x3]  }
0x21: {  	[tilespmem:s2], [sflag:$0x3] =	stream.linear.gather [hbm4b:s0+s2], $0x10, $0x38;
	[tilespmem:$0x4100] =	vst v63  }
0x22: {  	_ =	swait.ge [sflag:s20], $0x10  }
0x23: {  	[sflag:s20] =	ssyncset.done $0x0  }
0x24: {  	s0 =	rddreg [dreg:$0x4];
	[sflag:s20] =	ssyncadd.s32 $0xFFFFFFF0  }
0x25: {  	[tilespmem:s21], [sflag:$0x3] =	stream.linear.gather [hbm4b:s0+s2], $0x10, $0x38;
	[tilespmem:$0x4100] =	vst v63  }
0x26: {  	_ =	swait.ge [sflag:s20], $0x10  }
0x27: {  	[sflag:s20] =	ssyncset.done $0x0  }
0x28: {  	s0 =	rddreg [dreg:$0x5];
	[sflag:s20] =	ssyncadd.s32 $0xFFFFFFF0  }
0x29: {  	[tilespmem:s22], [sflag:$0x3] =	stream.linear.gather [hbm4b:s0+s2], $0x4000, $0x38;
	[tilespmem:$0x4100] =	vst v63  }
0x2a: {  	_ =	swait.ge [sflag:s20], $0x4000  }
0x2b: {  	[sflag:s20] =	ssyncset.done $0x0  }
0x2c: {  	[sflag:s20] =	ssyncadd.s32 $0xFFFFC000  }
0x2d: {  	v3 =	vld [tilespmem:$0x0];
	_ =	sdelay $0x4  }
0x2e: {  	v4 =	vshll.u32 v3, $0x3  }
0x2f: {  	v3 =	vand.u32 $0x7, v3;
	v4 =	vand.u32 $0xFFFFFFC0, v4  }
0x30: {  	v3 =	vor.u32 v3, v4  }
0x31: {  	v4 =	vperm.xlane v3, v0;
	_ =	sdelay $0x1  }
0x32: {  	v4 =	vadd.s32 v1, v4;
	_ =	sdelay $0x4  }
0x33: {  	[hbm4b:s3+s2] =	stream.indirect_vreg.scatter [tilespmem:s22], [sflag:$0x1], $0x80, v4, vm0, $0xb8;
	[tilespmem:$0x4100] =	vst v63  }
0x34: {  	v3 =	vperm.xlane v3, v2  }
0x35: {  	[hbm4b:s4+s2] =	stream.indirect_vreg.scatter [tilespmem:s23], [sflag:$0x1], $0x80, v4, vm0, $0xb8;
	[tilespmem:$0x4100] =	vst v63  }
0x36: {  	v3 =	vadd.s32 v1, v3  }
0x37: {  	[hbm4b:s5+s2] =	stream.indirect_vreg.scatter [tilespmem:s24], [sflag:$0x1], $0x80, v4, vm0, $0xb8;
	[tilespmem:$0x4100] =	vst v63  }
0x38: {  	_ = 	snop  }
0x39: {  	[hbm4b:s6+s2] =	stream.indirect_vreg.scatter [tilespmem:s25], [sflag:$0x1], $0x80, v4, vm0, $0xb8;
	[tilespmem:$0x4100] =	vst v63  }
0x3a: {  	_ = 	snop  }
0x3b: {  	[hbm4b:s3+s2] =	stream.indirect_vreg.scatter [tilespmem:s26], [sflag:$0x1], $0x80, v3, vm0, $0xb8;
	[tilespmem:$0x4100] =	vst v63  }
0x3c: {  	_ = 	snop  }
0x3d: {  	[hbm4b:s4+s2] =	stream.indirect_vreg.scatter [tilespmem:s28], [sflag:$0x1], $0x80, v3, vm0, $0xb8;
	[tilespmem:$0x4100] =	vst v63  }
0x3e: {  	_ = 	snop  }
0x3f: {  	[hbm4b:s5+s2] =	stream.indirect_vreg.scatter [tilespmem:s29], [sflag:$0x1], $0x80, v3, vm0, $0xb8;
	[tilespmem:$0x4100] =	vst v63  }
0x40: {  	_ = 	snop  }
0x41: {  	[hbm4b:s6+s2] =	stream.indirect_vreg.scatter [tilespmem:s30], [sflag:$0x1], $0x80, v3, vm0, $0xb8;
	[tilespmem:$0x4100] =	vst v63  }
0x42: {  	v3 =	vld [tilespmem:$0x80];
	_ =	sdelay $0x4  }
0x43: {  	v49 =	vshll.u32 v3, $0x3  }
0x44: {  	v3 =	vand.u32 $0x7, v3;
	v4 =	vand.u32 $0xFFFFFFC0, v49  }
0x45: {  	v3 =	vor.u32 v3, v4  }
0x46: {  	v4 =	vperm.xlane v3, v0;
	_ =	sdelay $0x1  }
0x47: {  	v4 =	vadd.s32 v1, v4;
	_ =	sdelay $0x4  }
0x48: {  	[hbm4b:s3+s2] =	stream.indirect_vreg.scatter [tilespmem:s22], [sflag:$0x2], $0x80, v4, vm0, $0xb8;
	[tilespmem:$0x4100] =	vst v63  }
0x49: {  	v3 =	vperm.xlane v3, v2  }
0x4a: {  	[hbm4b:s4+s2] =	stream.indirect_vreg.scatter [tilespmem:s23], [sflag:$0x2], $0x80, v4, vm0, $0xb8;
	[tilespmem:$0x4100] =	vst v63  }
0x4b: {  	v3 =	vadd.s32 v1, v3  }
0x4c: {  	[hbm4b:s5+s2] =	stream.indirect_vreg.scatter [tilespmem:s24], [sflag:$0x2], $0x80, v4, vm0, $0xb8;
	[tilespmem:$0x4100] =	vst v63  }
0x4d: {  	_ = 	snop  }
0x4e: {  	[hbm4b:s6+s2] =	stream.indirect_vreg.scatter [tilespmem:s25], [sflag:$0x2], $0x80, v4, vm0, $0xb8;
	[tilespmem:$0x4100] =	vst v63  }
0x4f: {  	_ = 	snop  }
0x50: {  	[hbm4b:s3+s2] =	stream.indirect_vreg.scatter [tilespmem:s26], [sflag:$0x2], $0x80, v3, vm0, $0xb8;
	[tilespmem:$0x4100] =	vst v63  }
0x51: {  	_ = 	snop  }
0x52: {  	[hbm4b:s4+s2] =	stream.indirect_vreg.scatter [tilespmem:s28], [sflag:$0x2], $0x80, v3, vm0, $0xb8;
	[tilespmem:$0x4100] =	vst v63  }
0x53: {  	_ = 	snop  }
0x54: {  	[hbm4b:s5+s2] =	stream.indirect_vreg.scatter [tilespmem:s29], [sflag:$0x2], $0x80, v3, vm0, $0xb8;
	[tilespmem:$0x4100] =	vst v63  }
0x55: {  	_ = 	snop  }
0x56: {  	[hbm4b:s6+s2] =	stream.indirect_vreg.scatter [tilespmem:s30], [sflag:$0x2], $0x80, v3, vm0, $0xb8;
	[tilespmem:$0x4100] =	vst v63  }
0x57: {  	_ =	swait.ge [sflag:s31], $0x4000  }
0x58: {  	[sflag:s31] =	ssyncset.done $0x0  }
0x59: {  	[sflag:s31] =	ssyncadd.s32 $0xFFFFC000  }
0x5a: {  	_ =	swait.ge [sflag:s1], $0x4000  }
0x5b: {  	[sflag:s1] =	ssyncset.done $0x0  }
0x5c: {  	s0 =	rddreg [dreg:$0x6];
	[sflag:s1] =	ssyncadd.s32 $0xFFFFC000  }
0x5d: {  	[tilespmem:s2], [sflag:$0x3] =	stream.linear.gather [hbm4b:s0+s2], $0x10, $0x38;
	[tilespmem:$0x4100] =	vst v63  }
0x5e: {  	_ =	swait.ge [sflag:s20], $0x10  }
0x5f: {  	[sflag:s20] =	ssyncset.done $0x0  }
0x60: {  	s0 =	rddreg [dreg:$0x7];
	[sflag:s20] =	ssyncadd.s32 $0xFFFFFFF0  }
0x61: {  	[tilespmem:s21], [sflag:$0x3] =	stream.linear.gather [hbm4b:s0+s2], $0x10, $0x38;
	[tilespmem:$0x4100] =	vst v63  }
0x62: {  	_ =	swait.ge [sflag:s20], $0x10  }
0x63: {  	[sflag:s20] =	ssyncset.done $0x0  }
0x64: {  	s0 =	rddreg [dreg:$0x8];
	[sflag:s20] =	ssyncadd.s32 $0xFFFFFFF0  }
0x65: {  	[tilespmem:s22], [sflag:$0x3] =	stream.linear.gather [hbm4b:s0+s2], $0x4000, $0x38;
	[tilespmem:$0x4100] =	vst v63  }
0x66: {  	_ =	swait.ge [sflag:s20], $0x4000  }
0x67: {  	[sflag:s20] =	ssyncset.done $0x0  }
0x68: {  	[sflag:s20] =	ssyncadd.s32 $0xFFFFC000  }
0x69: {  	v3 =	vld [tilespmem:$0x0];
	_ =	sdelay $0x4  }
0x6a: {  	v50 =	vshll.u32 v3, $0x3  }
0x6b: {  	v3 =	vand.u32 $0x7, v3;
	v4 =	vand.u32 $0xFFFFFFC0, v50  }
0x6c: {  	v3 =	vor.u32 v3, v4  }
0x6d: {  	v4 =	vperm.xlane v3, v0;
	_ =	sdelay $0x1  }
0x6e: {  	v4 =	vadd.s32 v1, v4;
	_ =	sdelay $0x4  }
0x6f: {  	[hbm4b:s3+s2] =	stream.indirect_vreg.scatter [tilespmem:s22], [sflag:$0x1], $0x80, v4, vm0, $0xb8;
	[tilespmem:$0x4100] =	vst v63  }
0x70: {  	v3 =	vperm.xlane v3, v2  }
0x71: {  	[hbm4b:s4+s2] =	stream.indirect_vreg.scatter [tilespmem:s23], [sflag:$0x1], $0x80, v4, vm0, $0xb8;
	[tilespmem:$0x4100] =	vst v63  }
0x72: {  	v3 =	vadd.s32 v1, v3  }
0x73: {  	[hbm4b:s5+s2] =	stream.indirect_vreg.scatter [tilespmem:s24], [sflag:$0x1], $0x80, v4, vm0, $0xb8;
	[tilespmem:$0x4100] =	vst v63  }
0x74: {  	_ = 	snop  }
0x75: {  	[hbm4b:s6+s2] =	stream.indirect_vreg.scatter [tilespmem:s25], [sflag:$0x1], $0x80, v4, vm0, $0xb8;
	[tilespmem:$0x4100] =	vst v63  }
0x76: {  	_ = 	snop  }
0x77: {  	[hbm4b:s3+s2] =	stream.indirect_vreg.scatter [tilespmem:s26], [sflag:$0x1], $0x80, v3, vm0, $0xb8;
	[tilespmem:$0x4100] =	vst v63  }
0x78: {  	_ = 	snop  }
0x79: {  	[hbm4b:s4+s2] =	stream.indirect_vreg.scatter [tilespmem:s28], [sflag:$0x1], $0x80, v3, vm0, $0xb8;
	[tilespmem:$0x4100] =	vst v63  }
0x7a: {  	_ = 	snop  }
0x7b: {  	[hbm4b:s5+s2] =	stream.indirect_vreg.scatter [tilespmem:s29], [sflag:$0x1], $0x80, v3, vm0, $0xb8;
	[tilespmem:$0x4100] =	vst v63  }
0x7c: {  	_ = 	snop  }
0x7d: {  	[hbm4b:s6+s2] =	stream.indirect_vreg.scatter [tilespmem:s30], [sflag:$0x1], $0x80, v3, vm0, $0xb8;
	[tilespmem:$0x4100] =	vst v63  }
0x7e: {  	v3 =	vld [tilespmem:$0x80];
	_ =	sdelay $0x4  }
0x7f: {  	v51 =	vshll.u32 v3, $0x3  }
0x80: {  	v3 =	vand.u32 $0x7, v3;
	v4 =	vand.u32 $0xFFFFFFC0, v51  }
0x81: {  	v3 =	vor.u32 v3, v4  }
0x82: {  	v4 =	vperm.xlane v3, v0;
	_ =	sdelay $0x1  }
0x83: {  	v4 =	vadd.s32 v1, v4;
	_ =	sdelay $0x4  }
0x84: {  	[hbm4b:s3+s2] =	stream.indirect_vreg.scatter [tilespmem:s22], [sflag:$0x2], $0x80, v4, vm0, $0xb8;
	[tilespmem:$0x4100] =	vst v63  }
0x85: {  	v3 =	vperm.xlane v3, v2  }
0x86: {  	[hbm4b:s4+s2] =	stream.indirect_vreg.scatter [tilespmem:s23], [sflag:$0x2], $0x80, v4, vm0, $0xb8;
	[tilespmem:$0x4100] =	vst v63  }
0x87: {  	v3 =	vadd.s32 v1, v3  }
0x88: {  	[hbm4b:s5+s2] =	stream.indirect_vreg.scatter [tilespmem:s24], [sflag:$0x2], $0x80, v4, vm0, $0xb8;
	[tilespmem:$0x4100] =	vst v63  }
0x89: {  	_ = 	snop  }
0x8a: {  	[hbm4b:s6+s2] =	stream.indirect_vreg.scatter [tilespmem:s25], [sflag:$0x2], $0x80, v4, vm0, $0xb8;
	[tilespmem:$0x4100] =	vst v63  }
0x8b: {  	_ = 	snop  }
0x8c: {  	[hbm4b:s3+s2] =	stream.indirect_vreg.scatter [tilespmem:s26], [sflag:$0x2], $0x80, v3, vm0, $0xb8;
	[tilespmem:$0x4100] =	vst v63  }
0x8d: {  	_ = 	snop  }
0x8e: {  	[hbm4b:s4+s2] =	stream.indirect_vreg.scatter [tilespmem:s28], [sflag:$0x2], $0x80, v3, vm0, $0xb8;
	[tilespmem:$0x4100] =	vst v63  }
0x8f: {  	_ = 	snop  }
0x90: {  	[hbm4b:s5+s2] =	stream.indirect_vreg.scatter [tilespmem:s29], [sflag:$0x2], $0x80, v3, vm0, $0xb8;
	[tilespmem:$0x4100] =	vst v63  }
0x91: {  	_ = 	snop  }
0x92: {  	[hbm4b:s6+s2] =	stream.indirect_vreg.scatter [tilespmem:s30], [sflag:$0x2], $0x80, v3, vm0, $0xb8;
	[tilespmem:$0x4100] =	vst v63  }
0x93: {  	_ =	swait.ge [sflag:s31], $0x4000  }
0x94: {  	[sflag:s31] =	ssyncset.done $0x0  }
0x95: {  	[sflag:s31] =	ssyncadd.s32 $0xFFFFC000  }
0x96: {  	_ =	swait.ge [sflag:s1], $0x4000  }
0x97: {  	[sflag:s1] =	ssyncset.done $0x0  }
0x98: {  	s0 =	rddreg [dreg:$0x9];
	[sflag:s1] =	ssyncadd.s32 $0xFFFFC000  }
0x99: {  	[tilespmem:s2], [sflag:$0x3] =	stream.linear.gather [hbm4b:s0+s2], $0x10, $0x38;
	[tilespmem:$0x4100] =	vst v63  }
0x9a: {  	_ =	swait.ge [sflag:s20], $0x10  }
0x9b: {  	[sflag:s20] =	ssyncset.done $0x0  }
0x9c: {  	s0 =	rddreg [dreg:$0xa];
	[sflag:s20] =	ssyncadd.s32 $0xFFFFFFF0  }
0x9d: {  	[tilespmem:s21], [sflag:$0x3] =	stream.linear.gather [hbm4b:s0+s2], $0x10, $0x38;
	[tilespmem:$0x4100] =	vst v63  }
0x9e: {  	_ =	swait.ge [sflag:s20], $0x10  }
0x9f: {  	[sflag:s20] =	ssyncset.done $0x0  }
0xa0: {  	s0 =	rddreg [dreg:$0xb];
	[sflag:s20] =	ssyncadd.s32 $0xFFFFFFF0  }
0xa1: {  	[tilespmem:s22], [sflag:$0x3] =	stream.linear.gather [hbm4b:s0+s2], $0x4000, $0x38;
	[tilespmem:$0x4100] =	vst v63  }
0xa2: {  	_ =	swait.ge [sflag:s20], $0x4000  }
0xa3: {  	[sflag:s20] =	ssyncset.done $0x0  }
0xa4: {  	[sflag:s20] =	ssyncadd.s32 $0xFFFFC000  }
0xa5: {  	v3 =	vld [tilespmem:$0x0];
	_ =	sdelay $0x4  }
0xa6: {  	v52 =	vshll.u32 v3, $0x3  }
0xa7: {  	v3 =	vand.u32 $0x7, v3;
	v4 =	vand.u32 $0xFFFFFFC0, v52  }
0xa8: {  	v3 =	vor.u32 v3, v4  }
0xa9: {  	v4 =	vperm.xlane v3, v0;
	_ =	sdelay $0x1  }
0xaa: {  	v4 =	vadd.s32 v1, v4;
	_ =	sdelay $0x4  }
0xab: {  	[hbm4b:s3+s2] =	stream.indirect_vreg.scatter [tilespmem:s22], [sflag:$0x1], $0x80, v4, vm0, $0xb8;
	[tilespmem:$0x4100] =	vst v63  }
0xac: {  	v3 =	vperm.xlane v3, v2  }
0xad: {  	[hbm4b:s4+s2] =	stream.indirect_vreg.scatter [tilespmem:s23], [sflag:$0x1], $0x80, v4, vm0, $0xb8;
	[tilespmem:$0x4100] =	vst v63  }
0xae: {  	v3 =	vadd.s32 v1, v3  }
0xaf: {  	[hbm4b:s5+s2] =	stream.indirect_vreg.scatter [tilespmem:s24], [sflag:$0x1], $0x80, v4, vm0, $0xb8;
	[tilespmem:$0x4100] =	vst v63  }
0xb0: {  	_ = 	snop  }
0xb1: {  	[hbm4b:s6+s2] =	stream.indirect_vreg.scatter [tilespmem:s25], [sflag:$0x1], $0x80, v4, vm0, $0xb8;
	[tilespmem:$0x4100] =	vst v63  }
0xb2: {  	_ = 	snop  }
0xb3: {  	[hbm4b:s3+s2] =	stream.indirect_vreg.scatter [tilespmem:s26], [sflag:$0x1], $0x80, v3, vm0, $0xb8;
	[tilespmem:$0x4100] =	vst v63  }
0xb4: {  	_ = 	snop  }
0xb5: {  	[hbm4b:s4+s2] =	stream.indirect_vreg.scatter [tilespmem:s28], [sflag:$0x1], $0x80, v3, vm0, $0xb8;
	[tilespmem:$0x4100] =	vst v63  }
0xb6: {  	_ = 	snop  }
0xb7: {  	[hbm4b:s5+s2] =	stream.indirect_vreg.scatter [tilespmem:s29], [sflag:$0x1], $0x80, v3, vm0, $0xb8;
	[tilespmem:$0x4100] =	vst v63  }
0xb8: {  	_ = 	snop  }
0xb9: {  	[hbm4b:s6+s2] =	stream.indirect_vreg.scatter [tilespmem:s30], [sflag:$0x1], $0x80, v3, vm0, $0xb8;
	[tilespmem:$0x4100] =	vst v63  }
0xba: {  	v3 =	vld [tilespmem:$0x80];
	_ =	sdelay $0x4  }
0xbb: {  	v53 =	vshll.u32 v3, $0x3  }
0xbc: {  	v3 =	vand.u32 $0x7, v3;
	v4 =	vand.u32 $0xFFFFFFC0, v53  }
0xbd: {  	v3 =	vor.u32 v3, v4  }
0xbe: {  	v4 =	vperm.xlane v3, v0;
	_ =	sdelay $0x1  }
0xbf: {  	v4 =	vadd.s32 v1, v4;
	_ =	sdelay $0x4  }
0xc0: {  	[hbm4b:s3+s2] =	stream.indirect_vreg.scatter [tilespmem:s22], [sflag:$0x2], $0x80, v4, vm0, $0xb8;
	[tilespmem:$0x4100] =	vst v63  }
0xc1: {  	v3 =	vperm.xlane v3, v2  }
0xc2: {  	[hbm4b:s4+s2] =	stream.indirect_vreg.scatter [tilespmem:s23], [sflag:$0x2], $0x80, v4, vm0, $0xb8;
	[tilespmem:$0x4100] =	vst v63  }
0xc3: {  	v3 =	vadd.s32 v1, v3  }
0xc4: {  	[hbm4b:s5+s2] =	stream.indirect_vreg.scatter [tilespmem:s24], [sflag:$0x2], $0x80, v4, vm0, $0xb8;
	[tilespmem:$0x4100] =	vst v63  }
0xc5: {  	_ = 	snop  }
0xc6: {  	[hbm4b:s6+s2] =	stream.indirect_vreg.scatter [tilespmem:s25], [sflag:$0x2], $0x80, v4, vm0, $0xb8;
	[tilespmem:$0x4100] =	vst v63  }
0xc7: {  	_ = 	snop  }
0xc8: {  	[hbm4b:s3+s2] =	stream.indirect_vreg.scatter [tilespmem:s26], [sflag:$0x2], $0x80, v3, vm0, $0xb8;
	[tilespmem:$0x4100] =	vst v63  }
0xc9: {  	_ = 	snop  }
0xca: {  	[hbm4b:s4+s2] =	stream.indirect_vreg.scatter [tilespmem:s28], [sflag:$0x2], $0x80, v3, vm0, $0xb8;
	[tilespmem:$0x4100] =	vst v63  }
0xcb: {  	_ = 	snop  }
0xcc: {  	[hbm4b:s5+s2] =	stream.indirect_vreg.scatter [tilespmem:s29], [sflag:$0x2], $0x80, v3, vm0, $0xb8;
	[tilespmem:$0x4100] =	vst v63  }
0xcd: {  	_ = 	snop  }
0xce: {  	[hbm4b:s6+s2] =	stream.indirect_vreg.scatter [tilespmem:s30], [sflag:$0x2], $0x80, v3, vm0, $0xb8;
	[tilespmem:$0x4100] =	vst v63  }
0xcf: {  	_ =	swait.ge [sflag:s31], $0x4000  }
0xd0: {  	[sflag:s31] =	ssyncset.done $0x0  }
0xd1: {  	[sflag:s31] =	ssyncadd.s32 $0xFFFFC000  }
0xd2: {  	_ =	swait.ge [sflag:s1], $0x4000  }
0xd3: {  	[sflag:s1] =	ssyncset.done $0x0  }
0xd4: {  	s0 =	rddreg [dreg:$0xc];
	[sflag:s1] =	ssyncadd.s32 $0xFFFFC000  }
0xd5: {  	[tilespmem:s2], [sflag:$0x3] =	stream.linear.gather [hbm4b:s0+s2], $0x10, $0x38;
	[tilespmem:$0x4100] =	vst v63  }
0xd6: {  	_ =	swait.ge [sflag:s20], $0x10  }
0xd7: {  	[sflag:s20] =	ssyncset.done $0x0  }
0xd8: {  	s0 =	rddreg [dreg:$0xd];
	[sflag:s20] =	ssyncadd.s32 $0xFFFFFFF0  }
0xd9: {  	[tilespmem:s21], [sflag:$0x3] =	stream.linear.gather [hbm4b:s0+s2], $0x10, $0x38;
	[tilespmem:$0x4100] =	vst v63  }
0xda: {  	_ =	swait.ge [sflag:s20], $0x10  }
0xdb: {  	[sflag:s20] =	ssyncset.done $0x0  }
0xdc: {  	s0 =	rddreg [dreg:$0xe];
	[sflag:s20] =	ssyncadd.s32 $0xFFFFFFF0  }
0xdd: {  	[tilespmem:s22], [sflag:$0x3] =	stream.linear.gather [hbm4b:s0+s2], $0x4000, $0x38;
	[tilespmem:$0x4100] =	vst v63  }
0xde: {  	_ =	swait.ge [sflag:s20], $0x4000  }
0xdf: {  	[sflag:s20] =	ssyncset.done $0x0  }
0xe0: {  	[sflag:s20] =	ssyncadd.s32 $0xFFFFC000  }
0xe1: {  	v3 =	vld [tilespmem:$0x0];
	_ =	sdelay $0x4  }
0xe2: {  	v54 =	vshll.u32 v3, $0x3  }
0xe3: {  	v3 =	vand.u32 $0x7, v3;
	v4 =	vand.u32 $0xFFFFFFC0, v54  }
0xe4: {  	v3 =	vor.u32 v3, v4  }
0xe5: {  	v4 =	vperm.xlane v3, v0;
	_ =	sdelay $0x1  }
0xe6: {  	v4 =	vadd.s32 v1, v4;
	_ =	sdelay $0x4  }
0xe7: {  	[hbm4b:s3+s2] =	stream.indirect_vreg.scatter [tilespmem:s22], [sflag:$0x1], $0x80, v4, vm0, $0xb8;
	[tilespmem:$0x4100] =	vst v63  }
0xe8: {  	v3 =	vperm.xlane v3, v2  }
0xe9: {  	[hbm4b:s4+s2] =	stream.indirect_vreg.scatter [tilespmem:s23], [sflag:$0x1], $0x80, v4, vm0, $0xb8;
	[tilespmem:$0x4100] =	vst v63  }
0xea: {  	v3 =	vadd.s32 v1, v3  }
0xeb: {  	[hbm4b:s5+s2] =	stream.indirect_vreg.scatter [tilespmem:s24], [sflag:$0x1], $0x80, v4, vm0, $0xb8;
	[tilespmem:$0x4100] =	vst v63  }
0xec: {  	_ = 	snop  }
0xed: {  	[hbm4b:s6+s2] =	stream.indirect_vreg.scatter [tilespmem:s25], [sflag:$0x1], $0x80, v4, vm0, $0xb8;
	[tilespmem:$0x4100] =	vst v63  }
0xee: {  	_ = 	snop  }
0xef: {  	[hbm4b:s3+s2] =	stream.indirect_vreg.scatter [tilespmem:s26], [sflag:$0x1], $0x80, v3, vm0, $0xb8;
	[tilespmem:$0x4100] =	vst v63  }
0xf0: {  	_ = 	snop  }
0xf1: {  	[hbm4b:s4+s2] =	stream.indirect_vreg.scatter [tilespmem:s28], [sflag:$0x1], $0x80, v3, vm0, $0xb8;
	[tilespmem:$0x4100] =	vst v63  }
0xf2: {  	_ = 	snop  }
0xf3: {  	[hbm4b:s5+s2] =	stream.indirect_vreg.scatter [tilespmem:s29], [sflag:$0x1], $0x80, v3, vm0, $0xb8;
	[tilespmem:$0x4100] =	vst v63  }
0xf4: {  	_ = 	snop  }
0xf5: {  	[hbm4b:s6+s2] =	stream.indirect_vreg.scatter [tilespmem:s30], [sflag:$0x1], $0x80, v3, vm0, $0xb8;
	[tilespmem:$0x4100] =	vst v63  }
0xf6: {  	v3 =	vld [tilespmem:$0x80];
	_ =	sdelay $0x4  }
0xf7: {  	v55 =	vshll.u32 v3, $0x3  }
0xf8: {  	v3 =	vand.u32 $0x7, v3;
	v4 =	vand.u32 $0xFFFFFFC0, v55  }
0xf9: {  	v3 =	vor.u32 v3, v4  }
0xfa: {  	v4 =	vperm.xlane v3, v0;
	_ =	sdelay $0x1  }
0xfb: {  	v4 =	vadd.s32 v1, v4;
	_ =	sdelay $0x4  }
0xfc: {  	[hbm4b:s3+s2] =	stream.indirect_vreg.scatter [tilespmem:s22], [sflag:$0x2], $0x80, v4, vm0, $0xb8;
	[tilespmem:$0x4100] =	vst v63  }
0xfd: {  	v3 =	vperm.xlane v3, v2  }
0xfe: {  	[hbm4b:s4+s2] =	stream.indirect_vreg.scatter [tilespmem:s23], [sflag:$0x2], $0x80, v4, vm0, $0xb8;
	[tilespmem:$0x4100] =	vst v63  }
0xff: {  	v3 =	vadd.s32 v1, v3  }
0x100: {  	[hbm4b:s5+s2] =	stream.indirect_vreg.scatter [tilespmem:s24], [sflag:$0x2], $0x80, v4, vm0, $0xb8;
	[tilespmem:$0x4100] =	vst v63  }
0x101: {  	_ = 	snop  }
0x102: {  	[hbm4b:s6+s2] =	stream.indirect_vreg.scatter [tilespmem:s25], [sflag:$0x2], $0x80, v4, vm0, $0xb8;
	[tilespmem:$0x4100] =	vst v63  }
0x103: {  	_ = 	snop  }
0x104: {  	[hbm4b:s3+s2] =	stream.indirect_vreg.scatter [tilespmem:s26], [sflag:$0x2], $0x80, v3, vm0, $0xb8;
	[tilespmem:$0x4100] =	vst v63  }
0x105: {  	_ = 	snop  }
0x106: {  	[hbm4b:s4+s2] =	stream.indirect_vreg.scatter [tilespmem:s28], [sflag:$0x2], $0x80, v3, vm0, $0xb8;
	[tilespmem:$0x4100] =	vst v63  }
0x107: {  	_ = 	snop  }
0x108: {  	[hbm4b:s5+s2] =	stream.indirect_vreg.scatter [tilespmem:s29], [sflag:$0x2], $0x80, v3, vm0, $0xb8;
	[tilespmem:$0x4100] =	vst v63  }
0x109: {  	_ = 	snop  }
0x10a: {  	[hbm4b:s6+s2] =	stream.indirect_vreg.scatter [tilespmem:s30], [sflag:$0x2], $0x80, v3, vm0, $0xb8;
	[tilespmem:$0x4100] =	vst v63  }
0x10b: {  	_ =	swait.ge [sflag:s31], $0x4000  }
0x10c: {  	[sflag:s31] =	ssyncset.done $0x0  }
0x10d: {  	[sflag:s31] =	ssyncadd.s32 $0xFFFFC000  }
0x10e: {  	_ =	swait.ge [sflag:s1], $0x4000  }
0x10f: {  	[sflag:s1] =	ssyncset.done $0x0  }
0x110: {  	[sflag:s1] =	ssyncadd.s32 $0xFFFFC000  }
0x111: {  	[tilespmem:s2], [sflag:$0x3] =	stream.linear.gather [hbm4b:s7+s2], $0x10, $0x38;
	[tilespmem:$0x4100] =	vst v63  }
0x112: {  	_ =	swait.ge [sflag:s20], $0x10  }
0x113: {  	[sflag:s20] =	ssyncset.done $0x0  }
0x114: {  	[sflag:s20] =	ssyncadd.s32 $0xFFFFFFF0  }
0x115: {  	[tilespmem:s21], [sflag:$0x3] =	stream.linear.gather [hbm4b:s8+s2], $0x10, $0x38;
	[tilespmem:$0x4100] =	vst v63  }
0x116: {  	_ =	swait.ge [sflag:s20], $0x10  }
0x117: {  	[sflag:s20] =	ssyncset.done $0x0  }
0x118: {  	[sflag:s20] =	ssyncadd.s32 $0xFFFFFFF0  }
0x119: {  	[tilespmem:s22], [sflag:$0x3] =	stream.linear.gather [hbm4b:s9+s2], $0x4000, $0x38;
	[tilespmem:$0x4100] =	vst v63  }
0x11a: {  	_ =	swait.ge [sflag:s20], $0x4000  }
0x11b: {  	[sflag:s20] =	ssyncset.done $0x0  }
0x11c: {  	[sflag:s20] =	ssyncadd.s32 $0xFFFFC000  }
0x11d: {  	v3 =	vld [tilespmem:$0x0];
	_ =	sdelay $0x4  }
0x11e: {  	v56 =	vshll.u32 v3, $0x3  }
0x11f: {  	v3 =	vand.u32 $0x7, v3;
	v4 =	vand.u32 $0xFFFFFFC0, v56  }
0x120: {  	v3 =	vor.u32 v3, v4  }
0x121: {  	v4 =	vperm.xlane v3, v0;
	_ =	sdelay $0x1  }
0x122: {  	v4 =	vadd.s32 v1, v4;
	_ =	sdelay $0x4  }
0x123: {  	[hbm4b:s3+s2] =	stream.indirect_vreg.scatter [tilespmem:s22], [sflag:$0x1], $0x80, v4, vm0, $0xb8;
	[tilespmem:$0x4100] =	vst v63  }
0x124: {  	v3 =	vperm.xlane v3, v2  }
0x125: {  	[hbm4b:s4+s2] =	stream.indirect_vreg.scatter [tilespmem:s23], [sflag:$0x1], $0x80, v4, vm0, $0xb8;
	[tilespmem:$0x4100] =	vst v63  }
0x126: {  	v3 =	vadd.s32 v1, v3  }
0x127: {  	[hbm4b:s5+s2] =	stream.indirect_vreg.scatter [tilespmem:s24], [sflag:$0x1], $0x80, v4, vm0, $0xb8;
	[tilespmem:$0x4100] =	vst v63  }
0x128: {  	_ = 	snop  }
0x129: {  	[hbm4b:s6+s2] =	stream.indirect_vreg.scatter [tilespmem:s25], [sflag:$0x1], $0x80, v4, vm0, $0xb8;
	[tilespmem:$0x4100] =	vst v63  }
0x12a: {  	_ = 	snop  }
0x12b: {  	[hbm4b:s3+s2] =	stream.indirect_vreg.scatter [tilespmem:s26], [sflag:$0x1], $0x80, v3, vm0, $0xb8;
	[tilespmem:$0x4100] =	vst v63  }
0x12c: {  	_ = 	snop  }
0x12d: {  	[hbm4b:s4+s2] =	stream.indirect_vreg.scatter [tilespmem:s28], [sflag:$0x1], $0x80, v3, vm0, $0xb8;
	[tilespmem:$0x4100] =	vst v63  }
0x12e: {  	_ = 	snop  }
0x12f: {  	[hbm4b:s5+s2] =	stream.indirect_vreg.scatter [tilespmem:s29], [sflag:$0x1], $0x80, v3, vm0, $0xb8;
	[tilespmem:$0x4100] =	vst v63  }
0x130: {  	_ = 	snop  }
0x131: {  	[hbm4b:s6+s2] =	stream.indirect_vreg.scatter [tilespmem:s30], [sflag:$0x1], $0x80, v3, vm0, $0xb8;
	[tilespmem:$0x4100] =	vst v63  }
0x132: {  	v3 =	vld [tilespmem:$0x80];
	_ =	sdelay $0x4  }
0x133: {  	v57 =	vshll.u32 v3, $0x3  }
0x134: {  	v3 =	vand.u32 $0x7, v3;
	v4 =	vand.u32 $0xFFFFFFC0, v57  }
0x135: {  	v3 =	vor.u32 v3, v4  }
0x136: {  	v4 =	vperm.xlane v3, v0;
	_ =	sdelay $0x1  }
0x137: {  	v4 =	vadd.s32 v1, v4;
	_ =	sdelay $0x4  }
0x138: {  	[hbm4b:s3+s2] =	stream.indirect_vreg.scatter [tilespmem:s22], [sflag:$0x2], $0x80, v4, vm0, $0xb8;
	[tilespmem:$0x4100] =	vst v63  }
0x139: {  	v3 =	vperm.xlane v3, v2  }
0x13a: {  	[hbm4b:s4+s2] =	stream.indirect_vreg.scatter [tilespmem:s23], [sflag:$0x2], $0x80, v4, vm0, $0xb8;
	[tilespmem:$0x4100] =	vst v63  }
0x13b: {  	v3 =	vadd.s32 v1, v3  }
0x13c: {  	[hbm4b:s5+s2] =	stream.indirect_vreg.scatter [tilespmem:s24], [sflag:$0x2], $0x80, v4, vm0, $0xb8;
	[tilespmem:$0x4100] =	vst v63  }
0x13d: {  	_ = 	snop  }
0x13e: {  	[hbm4b:s6+s2] =	stream.indirect_vreg.scatter [tilespmem:s25], [sflag:$0x2], $0x80, v4, vm0, $0xb8;
	[tilespmem:$0x4100] =	vst v63  }
0x13f: {  	_ = 	snop  }
0x140: {  	[hbm4b:s3+s2] =	stream.indirect_vreg.scatter [tilespmem:s26], [sflag:$0x2], $0x80, v3, vm0, $0xb8;
	[tilespmem:$0x4100] =	vst v63  }
0x141: {  	_ = 	snop  }
0x142: {  	[hbm4b:s4+s2] =	stream.indirect_vreg.scatter [tilespmem:s28], [sflag:$0x2], $0x80, v3, vm0, $0xb8;
	[tilespmem:$0x4100] =	vst v63  }
0x143: {  	_ = 	snop  }
0x144: {  	[hbm4b:s5+s2] =	stream.indirect_vreg.scatter [tilespmem:s29], [sflag:$0x2], $0x80, v3, vm0, $0xb8;
	[tilespmem:$0x4100] =	vst v63  }
0x145: {  	_ = 	snop  }
0x146: {  	[hbm4b:s6+s2] =	stream.indirect_vreg.scatter [tilespmem:s30], [sflag:$0x2], $0x80, v3, vm0, $0xb8;
	[tilespmem:$0x4100] =	vst v63  }
0x147: {  	_ =	swait.ge [sflag:s31], $0x4000  }
0x148: {  	[sflag:s31] =	ssyncset.done $0x0  }
0x149: {  	[sflag:s31] =	ssyncadd.s32 $0xFFFFC000  }
0x14a: {  	_ =	swait.ge [sflag:s1], $0x4000  }
0x14b: {  	[sflag:s1] =	ssyncset.done $0x0  }
0x14c: {  	[sflag:s1] =	ssyncadd.s32 $0xFFFFC000  }
0x14d: {  	[tilespmem:s2], [sflag:$0x3] =	stream.linear.gather [hbm4b:s10+s2], $0x10, $0x38;
	[tilespmem:$0x4100] =	vst v63  }
0x14e: {  	_ =	swait.ge [sflag:s20], $0x10  }
0x14f: {  	[sflag:s20] =	ssyncset.done $0x0  }
0x150: {  	[sflag:s20] =	ssyncadd.s32 $0xFFFFFFF0  }
0x151: {  	[tilespmem:s21], [sflag:$0x3] =	stream.linear.gather [hbm4b:s11+s2], $0x10, $0x38;
	[tilespmem:$0x4100] =	vst v63  }
0x152: {  	_ =	swait.ge [sflag:s20], $0x10  }
0x153: {  	[sflag:s20] =	ssyncset.done $0x0  }
0x154: {  	[sflag:s20] =	ssyncadd.s32 $0xFFFFFFF0  }
0x155: {  	[tilespmem:s22], [sflag:$0x3] =	stream.linear.gather [hbm4b:s12+s2], $0x4000, $0x38;
	[tilespmem:$0x4100] =	vst v63  }
0x156: {  	_ =	swait.ge [sflag:s20], $0x4000  }
0x157: {  	[sflag:s20] =	ssyncset.done $0x0  }
0x158: {  	[sflag:s20] =	ssyncadd.s32 $0xFFFFC000  }
0x159: {  	v3 =	vld [tilespmem:$0x0];
	_ =	sdelay $0x4  }
0x15a: {  	v58 =	vshll.u32 v3, $0x3  }
0x15b: {  	v3 =	vand.u32 $0x7, v3;
	v4 =	vand.u32 $0xFFFFFFC0, v58  }
0x15c: {  	v3 =	vor.u32 v3, v4  }
0x15d: {  	v4 =	vperm.xlane v3, v0;
	_ =	sdelay $0x1  }
0x15e: {  	v4 =	vadd.s32 v1, v4;
	_ =	sdelay $0x4  }
0x15f: {  	[hbm4b:s3+s2] =	stream.indirect_vreg.scatter [tilespmem:s22], [sflag:$0x1], $0x80, v4, vm0, $0xb8;
	[tilespmem:$0x4100] =	vst v63  }
0x160: {  	v3 =	vperm.xlane v3, v2  }
0x161: {  	[hbm4b:s4+s2] =	stream.indirect_vreg.scatter [tilespmem:s23], [sflag:$0x1], $0x80, v4, vm0, $0xb8;
	[tilespmem:$0x4100] =	vst v63  }
0x162: {  	v3 =	vadd.s32 v1, v3  }
0x163: {  	[hbm4b:s5+s2] =	stream.indirect_vreg.scatter [tilespmem:s24], [sflag:$0x1], $0x80, v4, vm0, $0xb8;
	[tilespmem:$0x4100] =	vst v63  }
0x164: {  	_ = 	snop  }
0x165: {  	[hbm4b:s6+s2] =	stream.indirect_vreg.scatter [tilespmem:s25], [sflag:$0x1], $0x80, v4, vm0, $0xb8;
	[tilespmem:$0x4100] =	vst v63  }
0x166: {  	_ = 	snop  }
0x167: {  	[hbm4b:s3+s2] =	stream.indirect_vreg.scatter [tilespmem:s26], [sflag:$0x1], $0x80, v3, vm0, $0xb8;
	[tilespmem:$0x4100] =	vst v63  }
0x168: {  	_ = 	snop  }
0x169: {  	[hbm4b:s4+s2] =	stream.indirect_vreg.scatter [tilespmem:s28], [sflag:$0x1], $0x80, v3, vm0, $0xb8;
	[tilespmem:$0x4100] =	vst v63  }
0x16a: {  	_ = 	snop  }
0x16b: {  	[hbm4b:s5+s2] =	stream.indirect_vreg.scatter [tilespmem:s29], [sflag:$0x1], $0x80, v3, vm0, $0xb8;
	[tilespmem:$0x4100] =	vst v63  }
0x16c: {  	_ = 	snop  }
0x16d: {  	[hbm4b:s6+s2] =	stream.indirect_vreg.scatter [tilespmem:s30], [sflag:$0x1], $0x80, v3, vm0, $0xb8;
	[tilespmem:$0x4100] =	vst v63  }
0x16e: {  	v3 =	vld [tilespmem:$0x80];
	_ =	sdelay $0x4  }
0x16f: {  	v59 =	vshll.u32 v3, $0x3  }
0x170: {  	v3 =	vand.u32 $0x7, v3;
	v4 =	vand.u32 $0xFFFFFFC0, v59  }
0x171: {  	v3 =	vor.u32 v3, v4  }
0x172: {  	v4 =	vperm.xlane v3, v0;
	_ =	sdelay $0x1  }
0x173: {  	v4 =	vadd.s32 v1, v4;
	_ =	sdelay $0x4  }
0x174: {  	[hbm4b:s3+s2] =	stream.indirect_vreg.scatter [tilespmem:s22], [sflag:$0x2], $0x80, v4, vm0, $0xb8;
	[tilespmem:$0x4100] =	vst v63  }
0x175: {  	v3 =	vperm.xlane v3, v2  }
0x176: {  	[hbm4b:s4+s2] =	stream.indirect_vreg.scatter [tilespmem:s23], [sflag:$0x2], $0x80, v4, vm0, $0xb8;
	[tilespmem:$0x4100] =	vst v63  }
0x177: {  	v3 =	vadd.s32 v1, v3  }
0x178: {  	[hbm4b:s5+s2] =	stream.indirect_vreg.scatter [tilespmem:s24], [sflag:$0x2], $0x80, v4, vm0, $0xb8;
	[tilespmem:$0x4100] =	vst v63  }
0x179: {  	_ = 	snop  }
0x17a: {  	[hbm4b:s6+s2] =	stream.indirect_vreg.scatter [tilespmem:s25], [sflag:$0x2], $0x80, v4, vm0, $0xb8;
	[tilespmem:$0x4100] =	vst v63  }
0x17b: {  	_ = 	snop  }
0x17c: {  	[hbm4b:s3+s2] =	stream.indirect_vreg.scatter [tilespmem:s26], [sflag:$0x2], $0x80, v3, vm0, $0xb8;
	[tilespmem:$0x4100] =	vst v63  }
0x17d: {  	_ = 	snop  }
0x17e: {  	[hbm4b:s4+s2] =	stream.indirect_vreg.scatter [tilespmem:s28], [sflag:$0x2], $0x80, v3, vm0, $0xb8;
	[tilespmem:$0x4100] =	vst v63  }
0x17f: {  	_ = 	snop  }
0x180: {  	[hbm4b:s5+s2] =	stream.indirect_vreg.scatter [tilespmem:s29], [sflag:$0x2], $0x80, v3, vm0, $0xb8;
	[tilespmem:$0x4100] =	vst v63  }
0x181: {  	_ = 	snop  }
0x182: {  	[hbm4b:s6+s2] =	stream.indirect_vreg.scatter [tilespmem:s30], [sflag:$0x2], $0x80, v3, vm0, $0xb8;
	[tilespmem:$0x4100] =	vst v63  }
0x183: {  	_ =	swait.ge [sflag:s31], $0x4000  }
0x184: {  	[sflag:s31] =	ssyncset.done $0x0  }
0x185: {  	[sflag:s31] =	ssyncadd.s32 $0xFFFFC000  }
0x186: {  	_ =	swait.ge [sflag:s1], $0x4000  }
0x187: {  	[sflag:s1] =	ssyncset.done $0x0  }
0x188: {  	[sflag:s1] =	ssyncadd.s32 $0xFFFFC000  }
0x189: {  	[tilespmem:s2], [sflag:$0x3] =	stream.linear.gather [hbm4b:s13+s2], $0x10, $0x38;
	[tilespmem:$0x4100] =	vst v63  }
0x18a: {  	_ =	swait.ge [sflag:s20], $0x10  }
0x18b: {  	[sflag:s20] =	ssyncset.done $0x0  }
0x18c: {  	[sflag:s20] =	ssyncadd.s32 $0xFFFFFFF0  }
0x18d: {  	[tilespmem:s21], [sflag:$0x3] =	stream.linear.gather [hbm4b:s14+s2], $0x10, $0x38;
	[tilespmem:$0x4100] =	vst v63  }
0x18e: {  	_ =	swait.ge [sflag:s20], $0x10  }
0x18f: {  	[sflag:s20] =	ssyncset.done $0x0  }
0x190: {  	[sflag:s20] =	ssyncadd.s32 $0xFFFFFFF0  }
0x191: {  	[tilespmem:s22], [sflag:$0x3] =	stream.linear.gather [hbm4b:s15+s2], $0x4000, $0x38;
	[tilespmem:$0x4100] =	vst v63  }
0x192: {  	_ =	swait.ge [sflag:s20], $0x4000  }
0x193: {  	[sflag:s20] =	ssyncset.done $0x0  }
0x194: {  	[sflag:s20] =	ssyncadd.s32 $0xFFFFC000  }
0x195: {  	v3 =	vld [tilespmem:$0x0];
	_ =	sdelay $0x4  }
0x196: {  	v60 =	vshll.u32 v3, $0x3  }
0x197: {  	v3 =	vand.u32 $0x7, v3;
	v4 =	vand.u32 $0xFFFFFFC0, v60  }
0x198: {  	v3 =	vor.u32 v3, v4  }
0x199: {  	v4 =	vperm.xlane v3, v0;
	_ =	sdelay $0x1  }
0x19a: {  	v4 =	vadd.s32 v1, v4;
	_ =	sdelay $0x4  }
0x19b: {  	[hbm4b:s3+s2] =	stream.indirect_vreg.scatter [tilespmem:s22], [sflag:$0x1], $0x80, v4, vm0, $0xb8;
	[tilespmem:$0x4100] =	vst v63  }
0x19c: {  	v3 =	vperm.xlane v3, v2  }
0x19d: {  	[hbm4b:s4+s2] =	stream.indirect_vreg.scatter [tilespmem:s23], [sflag:$0x1], $0x80, v4, vm0, $0xb8;
	[tilespmem:$0x4100] =	vst v63  }
0x19e: {  	v3 =	vadd.s32 v1, v3  }
0x19f: {  	[hbm4b:s5+s2] =	stream.indirect_vreg.scatter [tilespmem:s24], [sflag:$0x1], $0x80, v4, vm0, $0xb8;
	[tilespmem:$0x4100] =	vst v63  }
0x1a0: {  	_ = 	snop  }
0x1a1: {  	[hbm4b:s6+s2] =	stream.indirect_vreg.scatter [tilespmem:s25], [sflag:$0x1], $0x80, v4, vm0, $0xb8;
	[tilespmem:$0x4100] =	vst v63  }
0x1a2: {  	_ = 	snop  }
0x1a3: {  	[hbm4b:s3+s2] =	stream.indirect_vreg.scatter [tilespmem:s26], [sflag:$0x1], $0x80, v3, vm0, $0xb8;
	[tilespmem:$0x4100] =	vst v63  }
0x1a4: {  	_ = 	snop  }
0x1a5: {  	[hbm4b:s4+s2] =	stream.indirect_vreg.scatter [tilespmem:s28], [sflag:$0x1], $0x80, v3, vm0, $0xb8;
	[tilespmem:$0x4100] =	vst v63  }
0x1a6: {  	_ = 	snop  }
0x1a7: {  	[hbm4b:s5+s2] =	stream.indirect_vreg.scatter [tilespmem:s29], [sflag:$0x1], $0x80, v3, vm0, $0xb8;
	[tilespmem:$0x4100] =	vst v63  }
0x1a8: {  	_ = 	snop  }
0x1a9: {  	[hbm4b:s6+s2] =	stream.indirect_vreg.scatter [tilespmem:s30], [sflag:$0x1], $0x80, v3, vm0, $0xb8;
	[tilespmem:$0x4100] =	vst v63  }
0x1aa: {  	v3 =	vld [tilespmem:$0x80];
	_ =	sdelay $0x4  }
0x1ab: {  	v61 =	vshll.u32 v3, $0x3  }
0x1ac: {  	v3 =	vand.u32 $0x7, v3;
	v4 =	vand.u32 $0xFFFFFFC0, v61  }
0x1ad: {  	v3 =	vor.u32 v3, v4  }
0x1ae: {  	v4 =	vperm.xlane v3, v0;
	_ =	sdelay $0x1  }
0x1af: {  	v4 =	vadd.s32 v1, v4;
	_ =	sdelay $0x4  }
0x1b0: {  	[hbm4b:s3+s2] =	stream.indirect_vreg.scatter [tilespmem:s22], [sflag:$0x2], $0x80, v4, vm0, $0xb8;
	[tilespmem:$0x4100] =	vst v63  }
0x1b1: {  	v3 =	vperm.xlane v3, v2  }
0x1b2: {  	[hbm4b:s4+s2] =	stream.indirect_vreg.scatter [tilespmem:s23], [sflag:$0x2], $0x80, v4, vm0, $0xb8;
	[tilespmem:$0x4100] =	vst v63  }
0x1b3: {  	v3 =	vadd.s32 v1, v3  }
0x1b4: {  	[hbm4b:s5+s2] =	stream.indirect_vreg.scatter [tilespmem:s24], [sflag:$0x2], $0x80, v4, vm0, $0xb8;
	[tilespmem:$0x4100] =	vst v63  }
0x1b5: {  	_ = 	snop  }
0x1b6: {  	[hbm4b:s6+s2] =	stream.indirect_vreg.scatter [tilespmem:s25], [sflag:$0x2], $0x80, v4, vm0, $0xb8;
	[tilespmem:$0x4100] =	vst v63  }
0x1b7: {  	_ = 	snop  }
0x1b8: {  	[hbm4b:s3+s2] =	stream.indirect_vreg.scatter [tilespmem:s26], [sflag:$0x2], $0x80, v3, vm0, $0xb8;
	[tilespmem:$0x4100] =	vst v63  }
0x1b9: {  	_ = 	snop  }
0x1ba: {  	[hbm4b:s4+s2] =	stream.indirect_vreg.scatter [tilespmem:s28], [sflag:$0x2], $0x80, v3, vm0, $0xb8;
	[tilespmem:$0x4100] =	vst v63  }
0x1bb: {  	_ = 	snop  }
0x1bc: {  	[hbm4b:s5+s2] =	stream.indirect_vreg.scatter [tilespmem:s29], [sflag:$0x2], $0x80, v3, vm0, $0xb8;
	[tilespmem:$0x4100] =	vst v63  }
0x1bd: {  	_ = 	snop  }
0x1be: {  	[hbm4b:s6+s2] =	stream.indirect_vreg.scatter [tilespmem:s30], [sflag:$0x2], $0x80, v3, vm0, $0xb8;
	[tilespmem:$0x4100] =	vst v63  }
0x1bf: {  	_ =	swait.ge [sflag:s31], $0x4000  }
0x1c0: {  	[sflag:s31] =	ssyncset.done $0x0  }
0x1c1: {  	[sflag:s31] =	ssyncadd.s32 $0xFFFFC000  }
0x1c2: {  	_ =	swait.ge [sflag:s1], $0x4000  }
0x1c3: {  	[sflag:s1] =	ssyncset.done $0x0  }
0x1c4: {  	[sflag:s1] =	ssyncadd.s32 $0xFFFFC000  }
0x1c5: {  	[tilespmem:s2], [sflag:$0x3] =	stream.linear.gather [hbm4b:s16+s2], $0x10, $0x38;
	[tilespmem:$0x4100] =	vst v63  }
0x1c6: {  	_ =	swait.ge [sflag:s20], $0x10  }
0x1c7: {  	[sflag:s20] =	ssyncset.done $0x0  }
0x1c8: {  	[sflag:s20] =	ssyncadd.s32 $0xFFFFFFF0  }
0x1c9: {  	[tilespmem:s21], [sflag:$0x3] =	stream.linear.gather [hbm4b:s17+s2], $0x10, $0x38;
	[tilespmem:$0x4100] =	vst v63  }
0x1ca: {  	_ =	swait.ge [sflag:s20], $0x10  }
0x1cb: {  	[sflag:s20] =	ssyncset.done $0x0  }
0x1cc: {  	[sflag:s20] =	ssyncadd.s32 $0xFFFFFFF0  }
0x1cd: {  	[tilespmem:s22], [sflag:$0x3] =	stream.linear.gather [hbm4b:s18+s2], $0x4000, $0x38;
	[tilespmem:$0x4100] =	vst v63  }
0x1ce: {  	_ =	swait.ge [sflag:s20], $0x4000  }
0x1cf: {  	[sflag:s20] =	ssyncset.done $0x0  }
0x1d0: {  	[sflag:s20] =	ssyncadd.s32 $0xFFFFC000  }
0x1d1: {  	v3 =	vld [tilespmem:$0x0];
	_ =	sdelay $0x4  }
0x1d2: {  	v62 =	vshll.u32 v3, $0x3  }
0x1d3: {  	v3 =	vand.u32 $0x7, v3;
	v4 =	vand.u32 $0xFFFFFFC0, v62  }
0x1d4: {  	v3 =	vor.u32 v3, v4  }
0x1d5: {  	v4 =	vperm.xlane v3, v0;
	_ =	sdelay $0x1  }
0x1d6: {  	v4 =	vadd.s32 v1, v4;
	_ =	sdelay $0x4  }
0x1d7: {  	[hbm4b:s3+s2] =	stream.indirect_vreg.scatter [tilespmem:s22], [sflag:$0x1], $0x80, v4, vm0, $0xb8;
	[tilespmem:$0x4100] =	vst v63  }
0x1d8: {  	v3 =	vperm.xlane v3, v2  }
0x1d9: {  	[hbm4b:s4+s2] =	stream.indirect_vreg.scatter [tilespmem:s23], [sflag:$0x1], $0x80, v4, vm0, $0xb8;
	[tilespmem:$0x4100] =	vst v63  }
0x1da: {  	v3 =	vadd.s32 v1, v3  }
0x1db: {  	[hbm4b:s5+s2] =	stream.indirect_vreg.scatter [tilespmem:s24], [sflag:$0x1], $0x80, v4, vm0, $0xb8;
	[tilespmem:$0x4100] =	vst v63  }
0x1dc: {  	_ = 	snop  }
0x1dd: {  	[hbm4b:s6+s2] =	stream.indirect_vreg.scatter [tilespmem:s25], [sflag:$0x1], $0x80, v4, vm0, $0xb8;
	[tilespmem:$0x4100] =	vst v63  }
0x1de: {  	_ = 	snop  }
0x1df: {  	[hbm4b:s3+s2] =	stream.indirect_vreg.scatter [tilespmem:s26], [sflag:$0x1], $0x80, v3, vm0, $0xb8;
	[tilespmem:$0x4100] =	vst v63  }
0x1e0: {  	_ = 	snop  }
0x1e1: {  	[hbm4b:s4+s2] =	stream.indirect_vreg.scatter [tilespmem:s28], [sflag:$0x1], $0x80, v3, vm0, $0xb8;
	[tilespmem:$0x4100] =	vst v63  }
0x1e2: {  	_ = 	snop  }
0x1e3: {  	[hbm4b:s5+s2] =	stream.indirect_vreg.scatter [tilespmem:s29], [sflag:$0x1], $0x80, v3, vm0, $0xb8;
	[tilespmem:$0x4100] =	vst v63  }
0x1e4: {  	_ = 	snop  }
0x1e5: {  	[hbm4b:s6+s2] =	stream.indirect_vreg.scatter [tilespmem:s30], [sflag:$0x1], $0x80, v3, vm0, $0xb8;
	[tilespmem:$0x4100] =	vst v63  }
0x1e6: {  	v3 =	vld [tilespmem:$0x80];
	_ =	sdelay $0x4  }
0x1e7: {  	v63 =	vshll.u32 v3, $0x3  }
0x1e8: {  	v3 =	vand.u32 $0x7, v3;
	v4 =	vand.u32 $0xFFFFFFC0, v63  }
0x1e9: {  	v3 =	vor.u32 v3, v4  }
0x1ea: {  	v4 =	vperm.xlane v3, v0;
	_ =	sdelay $0x1  }
0x1eb: {  	v4 =	vadd.s32 v1, v4;
	_ =	sdelay $0x4  }
0x1ec: {  	[hbm4b:s3+s2] =	stream.indirect_vreg.scatter [tilespmem:s22], [sflag:$0x2], $0x80, v4, vm0, $0xb8;
	[tilespmem:$0x4100] =	vst v63  }
0x1ed: {  	v3 =	vperm.xlane v3, v2  }
0x1ee: {  	[hbm4b:s4+s2] =	stream.indirect_vreg.scatter [tilespmem:s23], [sflag:$0x2], $0x80, v4, vm0, $0xb8;
	[tilespmem:$0x4100] =	vst v63  }
0x1ef: {  	v3 =	vadd.s32 v1, v3  }
0x1f0: {  	[hbm4b:s5+s2] =	stream.indirect_vreg.scatter [tilespmem:s24], [sflag:$0x2], $0x80, v4, vm0, $0xb8;
	[tilespmem:$0x4100] =	vst v63  }
0x1f1: {  	_ = 	snop  }
0x1f2: {  	[hbm4b:s6+s2] =	stream.indirect_vreg.scatter [tilespmem:s25], [sflag:$0x2], $0x80, v4, vm0, $0xb8;
	[tilespmem:$0x4100] =	vst v63  }
0x1f3: {  	_ = 	snop  }
0x1f4: {  	[hbm4b:s3+s2] =	stream.indirect_vreg.scatter [tilespmem:s26], [sflag:$0x2], $0x80, v3, vm0, $0xb8;
	[tilespmem:$0x4100] =	vst v63  }
0x1f5: {  	_ = 	snop  }
0x1f6: {  	[hbm4b:s4+s2] =	stream.indirect_vreg.scatter [tilespmem:s28], [sflag:$0x2], $0x80, v3, vm0, $0xb8;
	[tilespmem:$0x4100] =	vst v63  }
0x1f7: {  	_ = 	snop  }
0x1f8: {  	[hbm4b:s5+s2] =	stream.indirect_vreg.scatter [tilespmem:s29], [sflag:$0x2], $0x80, v3, vm0, $0xb8;
	[tilespmem:$0x4100] =	vst v63  }
0x1f9: {  	_ = 	snop  }
0x1fa: {  	[hbm4b:s6+s2] =	stream.indirect_vreg.scatter [tilespmem:s30], [sflag:$0x2], $0x80, v3, vm0, $0xb8;
	[tilespmem:$0x4100] =	vst v63  }
0x1fb: {  	p0 =	sne.s32 s19, $0x1;
	_ =	swait.ge [sflag:s31], $0x4000  }
.Ltmp0:
0x1fc: {  	[sflag:s31] =	ssyncset.done $0x0;
	(pc) =	sbr.rel @p0 .LBB2_1-.Ltmp0, $4  }
0x1fd: {  	[sflag:s31] =	ssyncadd.s32 $0xFFFFC000  }
0x1fe: {  	_ =	swait.ge [sflag:s1], $0x4000  }
0x1ff: {  	[sflag:s1] =	ssyncset.done $0x0  }
0x200: {  	s19 =	sadd.s32 $0xFFFFFFFF, s19;
	[sflag:s1] =	ssyncadd.s32 $0xFFFFC000  }
0x201: {  	_ =	sfence.sel $0x180000  }
0x202: {  	[bflag:$0x0] =	sbarrier.arrive $0xFFFF  }
0x203: {  	_ =	strace $0x90000047  }
0x204: {  	s0 =	stileid.u32;
	[bflag:$0x2] =	sbarrier.arrive $0xFFFF  }
0x205: {  	p0 =	sne.s32 s0, $0x0;
	s0 =	rddreg [dreg:$0x2]  }
0x206: {  	s0 =	sadd.s32 @!p0 $0x100000, s0  }
0x207: {  	[sflag:s0] =	ssyncadd.tile.s32 @!p0 $0x1;
	_ =	shalt  }
.Lfunc_end2:
_tile_overlayer_lowered:
.L_overlay_start_2:
0x208: {  	(tag) =	ssettag $0x2  }
0x209: {  	s0 =	rddreg [dreg:$0x0];
	s2 =	stileid.u32  }
0x20a: {  	s1 =	rddreg [dreg:$0x1];
	p0 =	sne.s32 s2, $0x0  }
0x20b: {  	s3 =	rddreg [dreg:$0x2];
	[bflag:$0x3] =	sbarrier.arrive $0xFFFF;
	s2 =	simm.s32 @!p0 $0x1C03  }
0x20c: {  	[timem:s3], [sflag:s2] =	dma.local @!p0 [hbm:s0], s1  }
0x20d: {  	s0 =	simm.s32 @!p0 $0x3  }
0x20e: {  	_ =	swait.ge @!p0 [sflag:s0], s1  }
0x20f: {  	s1 =	ssub.s32 @!p0 $0x0, s1;
	[sflag:s0] =	ssyncset.done @!p0 $0x0  }
0x210: {  	[sflag:s0] =	ssyncadd.s32 @!p0 s1  }
0x211: {  	[bflag:$0x3] =	sbarrier.arrive $0xFFFF  }
0x212: {  	_ =	shalt  }

</sc_bundles>
